<compile_context>
chip_gen: v7x
topology: tpu7x:2x2x1
jax: 0.10.2.dev20260603
libtpu: 0.0.44.dev20260713+nightly
codegen_flags: <defaults>
</compile_context>

<pallas_src>
import functools

import jax
import jax.numpy as jnp
from jax import lax
from jax.experimental import pallas as pl
from jax.experimental.pallas import tpu as pltpu
from jax.experimental.pallas import tpu_sc as plsc

N = 10000
E = 320000
D = 128

NC = 2
NS = 16
NW = NC * NS

CH = 128
CHUNKS = 79
EPAD = NW * CHUNKS * CH
NACC = 10240
RPT = NACC // NS
ZB = 64

_mesh = plsc.VectorSubcoreMesh(core_axis_name="c", subcore_axis_name="s")


def _make_seg(DW):
    @functools.partial(
        pl.kernel,
        out_type=jax.ShapeDtypeStruct((NC, NACC, DW), jnp.float32),
        mesh=_mesh,
        scratch_types=[
            pltpu.VMEM((CHUNKS, CH), jnp.int32),
            pltpu.VMEM((CHUNKS, CH), jnp.int32),
            pltpu.VMEM((CH, DW), jnp.float32),
            pltpu.VMEM((ZB, DW), jnp.float32),
            pltpu.VMEM_SHARED((NACC, DW), jnp.float32),
            pltpu.SemaphoreType.DMA,
        ],
    )
    def seg(y_hbm, src_hbm, dst_hbm, zeros_hbm, out_hbm,
            src_v, dst_v, rows0_v, zb_v, acc, sem0):
        c = lax.axis_index("c")
        s = lax.axis_index("s")
        wid = c * NS + s

        pltpu.sync_copy(zeros_hbm, zb_v)

        @pl.loop(0, RPT // ZB)
        def _(i):
            pltpu.sync_copy(zb_v, acc.at[pl.ds(s * RPT + i * ZB, ZB)])

        plsc.subcore_barrier()
        pltpu.sync_copy(src_hbm.at[wid], src_v)
        pltpu.sync_copy(dst_hbm.at[wid], dst_v)

        @pl.loop(0, CHUNKS)
        def _(j):
            pltpu.async_copy(y_hbm.at[src_v.at[j]], rows0_v, sem0).wait()
            pltpu.sync_copy(rows0_v, acc.at[dst_v.at[j]], add=True)

        plsc.subcore_barrier()

        @pl.loop(0, RPT // ZB)
        def _(i):
            pltpu.sync_copy(acc.at[pl.ds(s * RPT + i * ZB, ZB)],
                            rows0_v.at[pl.ds(0, ZB)])
            pltpu.sync_copy(rows0_v.at[pl.ds(0, ZB)],
                            out_hbm.at[c, pl.ds(s * RPT + i * ZB, ZB)])

    return seg


_seg_kernel = _make_seg(D)


BLK = 2000
GRID = N // BLK


def _dinv_block(degp):
    deg = degp[0, :, 0] + degp[1, :, 0] + 1.0
    return lax.rsqrt(deg)


def _tc_first_body(x_ref, w_ref, degp_ref, y_ref):
    dinv = _dinv_block(degp_ref[...])
    xw = jnp.dot(x_ref[...], w_ref[...], preferred_element_type=jnp.float32)
    y_ref[...] = dinv[:, None] * xw


def _tc_mid_body(p_ref, y_ref, degp_ref, b_ref, w_ref, o_ref):
    dinv = _dinv_block(degp_ref[...])
    ssum = p_ref[0] + p_ref[1] + y_ref[...]
    h = jnp.maximum(dinv[:, None] * ssum + b_ref[0], 0.0)
    o_ref[...] = dinv[:, None] * jnp.dot(
        h, w_ref[...], preferred_element_type=jnp.float32)


def _tc_last_body(p_ref, y_ref, degp_ref, b_ref, o_ref):
    dinv = _dinv_block(degp_ref[...])
    ssum = p_ref[0] + p_ref[1] + y_ref[...]
    o_ref[...] = dinv[:, None] * ssum + b_ref[0]


_spec_rows = pl.BlockSpec((BLK, D), lambda i: (i, 0))
_spec_w = pl.BlockSpec((D, D), lambda i: (0, 0))
_spec_degp = pl.BlockSpec((NC, BLK, D), lambda i: (0, i, 0))
_spec_p = pl.BlockSpec((NC, BLK, D), lambda i: (0, i, 0))
_spec_b = pl.BlockSpec((1, D), lambda i: (0, 0))
_out_rows = jax.ShapeDtypeStruct((N, D), jnp.float32)

_tc_first = pl.pallas_call(
    _tc_first_body, grid=(GRID,),
    in_specs=[_spec_rows, _spec_w, _spec_degp],
    out_specs=_spec_rows, out_shape=_out_rows)

_tc_mid = pl.pallas_call(
    _tc_mid_body, grid=(GRID,),
    in_specs=[_spec_p, _spec_rows, _spec_degp, _spec_b, _spec_w],
    out_specs=_spec_rows, out_shape=_out_rows)

_tc_last = pl.pallas_call(
    _tc_last_body, grid=(GRID,),
    in_specs=[_spec_p, _spec_rows, _spec_degp, _spec_b],
    out_specs=_spec_rows, out_shape=_out_rows)


def kernel(x, edge_index, W1, b1, W2, b2, W3, b3):
    src = edge_index[0]
    dst = edge_index[1]
    pad = EPAD - E
    srcp = jnp.concatenate(
        [src, jnp.zeros((pad,), src.dtype)]).reshape(NW, CHUNKS, CH)
    pad_dst = N + (jnp.arange(pad, dtype=dst.dtype) % (NACC - N))
    dstp = jnp.concatenate([dst, pad_dst]).reshape(NW, CHUNKS, CH)
    ones8_c = jnp.ones((8, D), jnp.float32)
    srcz = jnp.zeros_like(srcp)
    zeros_c = jnp.zeros((ZB, D), jnp.float32)

    def _seg_jnp(y, srcp, dstp):
        s = srcp.reshape(-1)
        d = dstp.reshape(-1)
        acc = jax.ops.segment_sum(y[s], d, num_segments=NACC)
        return jnp.stack([acc, jnp.zeros_like(acc)])

    def _deg_jnp(dstp):
        d = dstp.reshape(-1)
        cnt = jax.ops.segment_sum(jnp.ones(d.shape[0], jnp.float32), d,
                                  num_segments=NACC)
        return jnp.stack([jnp.broadcast_to(cnt[:, None], (NACC, 16)),
                          jnp.zeros((NACC, 16), jnp.float32)])

    degp = _seg_kernel(ones8_c, srcz, dstp, zeros_c)
    y1 = _tc_first(x, W1, degp)
    p1 = _seg_kernel(y1, srcp, dstp, zeros_c)
    y2 = _tc_mid(p1, y1, degp, b1.reshape(1, D), W2)
    p2 = _seg_kernel(y2, srcp, dstp, zeros_c)
    y3 = _tc_mid(p2, y2, degp, b2.reshape(1, D), W3)
    p3 = _seg_kernel(y3, srcp, dstp, zeros_c)
    return _tc_last(p3, y3, degp, b3.reshape(1, D))

# --- scband reference (transcript-rebuilt; emitter-appended) ---
"""Pipeline reference for scband-gnnmodel-47115791237137 (READ-ONLY COPY).

The authoritative reference and input builder live on the scoring server;
editing this copy changes nothing except your own understanding.
"""

import jax, jax.numpy as jnp
import numpy as np

N = 10000
E = 320000
D_IN = 128
H = 128
D_OUT = 128


def gcn_conv(x, edge_index, W, b):
    # Faithful GCNConv (PyG semantics): add self-loops, symmetric normalization,
    # linear transform then scatter-add aggregation, then bias.
    n = x.shape[0]
    src = edge_index[0]
    dst = edge_index[1]
    loop = jnp.arange(n, dtype=src.dtype)
    src = jnp.concatenate([src, loop])
    dst = jnp.concatenate([dst, loop])
    deg = jax.ops.segment_sum(jnp.ones(src.shape[0], dtype=x.dtype), dst, num_segments=n)
    dinv = jnp.where(deg > 0, jax.lax.rsqrt(deg), 0.0)
    norm = dinv[src] * dinv[dst]
    xw = x @ W
    msg = norm[:, None] * jnp.take(xw, src, axis=0)
    out = jax.ops.segment_sum(msg, dst, num_segments=n)
    return out + b


def setup_inputs(seed: int = 0) -> dict:
    key = jax.random.key(seed)
    ks = jax.random.split(key, 8)
    x = jax.random.normal(ks[0], (N, D_IN), dtype=jnp.float32)
    edge_index = jax.random.randint(ks[1], (2, E), 0, N, dtype=jnp.int32)
    s1 = 1.0 / np.sqrt(D_IN)
    s2 = 1.0 / np.sqrt(H)
    W1 = jax.random.normal(ks[2], (D_IN, H), dtype=jnp.float32) * s1
    b1 = jnp.zeros((H,), dtype=jnp.float32)
    W2 = jax.random.normal(ks[3], (H, H), dtype=jnp.float32) * s2
    b2 = jnp.zeros((H,), dtype=jnp.float32)
    W3 = jax.random.normal(ks[4], (H, D_OUT), dtype=jnp.float32) * s2
    b3 = jnp.zeros((D_OUT,), dtype=jnp.float32)
    return {"x": x, "edge_index": edge_index, "W1": W1, "b1": b1, "W2": W2, "b2": b2, "W3": W3, "b3": b3}


def reference(x, edge_index, W1, b1, W2, b2, W3, b3):
    h = jax.nn.relu(gcn_conv(x, edge_index, W1, b1))
    h = jax.nn.relu(gcn_conv(h, edge_index, W2, b2))
    out = gcn_conv(h, edge_index, W3, b3)
    return out

if __name__ == "__main__":
    import jax
    _d = setup_inputs()
    print(jax.jit(kernel)(*tuple(_d.values())))

</pallas_src>

<mosaic_0001>
#map = affine_map<(d0, d1) -> (0, 0)>
#map1 = affine_map<(d0, d1) -> (0, 0, 0)>
module attributes {stable_mosaic.version = 14 : i64} {
  func.func @seg(%arg0: i32, %arg1: i32, %arg2: memref<10000x128xf32, #tpu.memory_space<hbm>>, %arg3: memref<32x79x128xi32, #tpu.memory_space<hbm>>, %arg4: memref<32x79x128xi32, #tpu.memory_space<hbm>>, %arg5: memref<64x128xf32, #tpu.memory_space<hbm>>, %arg6: memref<2x10240x128xf32, #tpu.memory_space<hbm>>, %arg7: memref<79x128xi32, #tpu.memory_space<vmem>>, %arg8: memref<79x128xi32, #tpu.memory_space<vmem>>, %arg9: memref<128x128xf32, #tpu.memory_space<vmem>>, %arg10: memref<64x128xf32, #tpu.memory_space<vmem>>, %arg11: memref<10240x128xf32, #tpu.memory_space<vmem_shared>>, %arg12: memref<!tpu.dma_semaphore, #tpu.memory_space<semaphore_mem>>) attributes {dimension_semantics = [#tpu.dimension_semantics<core_parallel>, #tpu.dimension_semantics<subcore_parallel>], iteration_bounds = array<i64: 2, 16>, scalar_prefetch = 0 : i64, scratch_operands = 6 : i64, tpu.core_type = #tpu.core_type<sc_vector_subcore>, window_params = [{transform_indices = #map}, {transform_indices = #map1}, {transform_indices = #map1}, {transform_indices = #map}, {transform_indices = #map1}]} {
    %mul3A = arith.constant 16 : i32
    %mul3A_0 = arith.muli %arg0, %mul3A : i32
    %add3A = arith.addi %mul3A_0, %arg1 : i32
    "tpu.region"() ({
      %run_scoped3A = tpu.sem_alloc : memref<!tpu.dma_semaphore, #tpu.memory_space<semaphore_mem>>
      tpu.enqueue_dma source(%arg5 : memref<64x128xf32, #tpu.memory_space<hbm>>) target(%arg10 : memref<64x128xf32, #tpu.memory_space<vmem>>) target_semaphore(%run_scoped3A : memref<!tpu.dma_semaphore, #tpu.memory_space<semaphore_mem>>)
      tpu.wait_dma2 semaphore(%run_scoped3A : memref<!tpu.dma_semaphore, #tpu.memory_space<semaphore_mem>>) src(%arg5 : memref<64x128xf32, #tpu.memory_space<hbm>>) dst(%arg10 : memref<64x128xf32, #tpu.memory_space<vmem>>)
      tpu.yield
    }) : () -> ()
    %scan3A = arith.constant 0 : i32
    %scan3A_1 = arith.constant 10 : i32
    %scan3A_2 = arith.addi %scan3A, %scan3A_1 : i32
    %scan3A_3 = arith.constant 1 : i32
    scf.for %scan3A_16 = %scan3A to %scan3A_2 step %scan3A_3  : i32 {
      %mul3A_17 = arith.constant 1 : i32
      %mul3A_18 = arith.muli %scan3A_16, %mul3A_17 : i32
      %add3A_19 = arith.constant 0 : i32
      %add3A_20 = arith.addi %add3A_19, %mul3A_18 : i32
      %mul3A_21 = arith.constant 640 : i32
      %mul3A_22 = arith.muli %arg1, %mul3A_21 : i32
      %mul3A_23 = arith.constant 64 : i32
      %mul3A_24 = arith.muli %add3A_20, %mul3A_23 : i32
      %add3A_25 = arith.addi %mul3A_22, %mul3A_24 : i32
      "tpu.region"() ({
        %run_scoped3A = tpu.sem_alloc : memref<!tpu.dma_semaphore, #tpu.memory_space<semaphore_mem>>
        %dma_start3A = arith.constant 0 : i32
        %dma_start3A_26 = tpu.memref_slice %arg11[%add3A_25, %dma_start3A] : memref<10240x128xf32, #tpu.memory_space<vmem_shared>> -> memref<64x128xf32, #tpu.memory_space<vmem_shared>>
        %dma_start3A_27 = arith.constant 0 : i32
        %dma_start3A_28 = tpu.memref_slice %arg11[%add3A_25, %dma_start3A_27] : memref<10240x128xf32, #tpu.memory_space<vmem_shared>> -> memref<64x128xf32, #tpu.memory_space<vmem_shared>>
        tpu.enqueue_dma source(%arg10 : memref<64x128xf32, #tpu.memory_space<vmem>>) target(%dma_start3A_28 : memref<64x128xf32, #tpu.memory_space<vmem_shared>>) target_semaphore(%run_scoped3A : memref<!tpu.dma_semaphore, #tpu.memory_space<semaphore_mem>>)
        %dma_wait3A = arith.constant 0 : i32
        %dma_wait3A_29 = tpu.memref_slice %arg11[%add3A_25, %dma_wait3A] : memref<10240x128xf32, #tpu.memory_space<vmem_shared>> -> memref<64x128xf32, #tpu.memory_space<vmem_shared>>
        %dma_wait3A_30 = arith.constant 0 : i32
        %dma_wait3A_31 = tpu.memref_slice %arg11[%add3A_25, %dma_wait3A_30] : memref<10240x128xf32, #tpu.memory_space<vmem_shared>> -> memref<64x128xf32, #tpu.memory_space<vmem_shared>>
        tpu.wait_dma2 semaphore(%run_scoped3A : memref<!tpu.dma_semaphore, #tpu.memory_space<semaphore_mem>>) src(%arg10 : memref<64x128xf32, #tpu.memory_space<vmem>>) dst(%dma_wait3A_31 : memref<64x128xf32, #tpu.memory_space<vmem_shared>>)
        tpu.yield
      }) : () -> ()
    }
    %scan3A_4 = arith.constant 10 : i32
    %barrier3A = arith.constant 0 : index
    tpu.barrier barrier_id(%barrier3A)
    "tpu.region"() ({
      %run_scoped3A = tpu.sem_alloc : memref<!tpu.dma_semaphore, #tpu.memory_space<semaphore_mem>>
      %dma_start3A = arith.constant 0 : i32
      %dma_start3A_16 = arith.constant 0 : i32
      %dma_start3A_17 = tpu.memref_slice %arg3[%add3A, %dma_start3A, %dma_start3A_16] : memref<32x79x128xi32, #tpu.memory_space<hbm>> -> memref<1x79x128xi32, #tpu.memory_space<hbm>>
      %dma_start3A_18 = tpu.memref_squeeze %dma_start3A_17 : memref<1x79x128xi32, #tpu.memory_space<hbm>> -> memref<79x128xi32, #tpu.memory_space<hbm>>
      %dma_start3A_19 = arith.constant 0 : i32
      %dma_start3A_20 = arith.constant 0 : i32
      %dma_start3A_21 = tpu.memref_slice %arg3[%add3A, %dma_start3A_19, %dma_start3A_20] : memref<32x79x128xi32, #tpu.memory_space<hbm>> -> memref<1x79x128xi32, #tpu.memory_space<hbm>>
      %dma_start3A_22 = tpu.memref_squeeze %dma_start3A_21 : memref<1x79x128xi32, #tpu.memory_space<hbm>> -> memref<79x128xi32, #tpu.memory_space<hbm>>
      tpu.enqueue_dma source(%dma_start3A_22 : memref<79x128xi32, #tpu.memory_space<hbm>>) target(%arg7 : memref<79x128xi32, #tpu.memory_space<vmem>>) target_semaphore(%run_scoped3A : memref<!tpu.dma_semaphore, #tpu.memory_space<semaphore_mem>>)
      %dma_wait3A = arith.constant 0 : i32
      %dma_wait3A_23 = arith.constant 0 : i32
      %dma_wait3A_24 = tpu.memref_slice %arg3[%add3A, %dma_wait3A, %dma_wait3A_23] : memref<32x79x128xi32, #tpu.memory_space<hbm>> -> memref<1x79x128xi32, #tpu.memory_space<hbm>>
      %dma_wait3A_25 = tpu.memref_squeeze %dma_wait3A_24 : memref<1x79x128xi32, #tpu.memory_space<hbm>> -> memref<79x128xi32, #tpu.memory_space<hbm>>
      %dma_wait3A_26 = arith.constant 0 : i32
      %dma_wait3A_27 = arith.constant 0 : i32
      %dma_wait3A_28 = tpu.memref_slice %arg3[%add3A, %dma_wait3A_26, %dma_wait3A_27] : memref<32x79x128xi32, #tpu.memory_space<hbm>> -> memref<1x79x128xi32, #tpu.memory_space<hbm>>
      %dma_wait3A_29 = tpu.memref_squeeze %dma_wait3A_28 : memref<1x79x128xi32, #tpu.memory_space<hbm>> -> memref<79x128xi32, #tpu.memory_space<hbm>>
      tpu.wait_dma2 semaphore(%run_scoped3A : memref<!tpu.dma_semaphore, #tpu.memory_space<semaphore_mem>>) src(%dma_wait3A_29 : memref<79x128xi32, #tpu.memory_space<hbm>>) dst(%arg7 : memref<79x128xi32, #tpu.memory_space<vmem>>)
      tpu.yield
    }) : () -> ()
    "tpu.region"() ({
      %run_scoped3A = tpu.sem_alloc : memref<!tpu.dma_semaphore, #tpu.memory_space<semaphore_mem>>
      %dma_start3A = arith.constant 0 : i32
      %dma_start3A_16 = arith.constant 0 : i32
      %dma_start3A_17 = tpu.memref_slice %arg4[%add3A, %dma_start3A, %dma_start3A_16] : memref<32x79x128xi32, #tpu.memory_space<hbm>> -> memref<1x79x128xi32, #tpu.memory_space<hbm>>
      %dma_start3A_18 = tpu.memref_squeeze %dma_start3A_17 : memref<1x79x128xi32, #tpu.memory_space<hbm>> -> memref<79x128xi32, #tpu.memory_space<hbm>>
      %dma_start3A_19 = arith.constant 0 : i32
      %dma_start3A_20 = arith.constant 0 : i32
      %dma_start3A_21 = tpu.memref_slice %arg4[%add3A, %dma_start3A_19, %dma_start3A_20] : memref<32x79x128xi32, #tpu.memory_space<hbm>> -> memref<1x79x128xi32, #tpu.memory_space<hbm>>
      %dma_start3A_22 = tpu.memref_squeeze %dma_start3A_21 : memref<1x79x128xi32, #tpu.memory_space<hbm>> -> memref<79x128xi32, #tpu.memory_space<hbm>>
      tpu.enqueue_dma source(%dma_start3A_22 : memref<79x128xi32, #tpu.memory_space<hbm>>) target(%arg8 : memref<79x128xi32, #tpu.memory_space<vmem>>) target_semaphore(%run_scoped3A : memref<!tpu.dma_semaphore, #tpu.memory_space<semaphore_mem>>)
      %dma_wait3A = arith.constant 0 : i32
      %dma_wait3A_23 = arith.constant 0 : i32
      %dma_wait3A_24 = tpu.memref_slice %arg4[%add3A, %dma_wait3A, %dma_wait3A_23] : memref<32x79x128xi32, #tpu.memory_space<hbm>> -> memref<1x79x128xi32, #tpu.memory_space<hbm>>
      %dma_wait3A_25 = tpu.memref_squeeze %dma_wait3A_24 : memref<1x79x128xi32, #tpu.memory_space<hbm>> -> memref<79x128xi32, #tpu.memory_space<hbm>>
      %dma_wait3A_26 = arith.constant 0 : i32
      %dma_wait3A_27 = arith.constant 0 : i32
      %dma_wait3A_28 = tpu.memref_slice %arg4[%add3A, %dma_wait3A_26, %dma_wait3A_27] : memref<32x79x128xi32, #tpu.memory_space<hbm>> -> memref<1x79x128xi32, #tpu.memory_space<hbm>>
      %dma_wait3A_29 = tpu.memref_squeeze %dma_wait3A_28 : memref<1x79x128xi32, #tpu.memory_space<hbm>> -> memref<79x128xi32, #tpu.memory_space<hbm>>
      tpu.wait_dma2 semaphore(%run_scoped3A : memref<!tpu.dma_semaphore, #tpu.memory_space<semaphore_mem>>) src(%dma_wait3A_29 : memref<79x128xi32, #tpu.memory_space<hbm>>) dst(%arg8 : memref<79x128xi32, #tpu.memory_space<vmem>>)
      tpu.yield
    }) : () -> ()
    %scan3A_5 = arith.constant 0 : i32
    %scan3A_6 = arith.constant 79 : i32
    %scan3A_7 = arith.addi %scan3A_5, %scan3A_6 : i32
    %scan3A_8 = arith.constant 1 : i32
    scf.for %scan3A_16 = %scan3A_5 to %scan3A_7 step %scan3A_8  : i32 {
      %mul3A_17 = arith.constant 1 : i32
      %mul3A_18 = arith.muli %scan3A_16, %mul3A_17 : i32
      %add3A_19 = arith.constant 0 : i32
      %add3A_20 = arith.addi %add3A_19, %mul3A_18 : i32
      %dma_start3A = arith.constant 0 : i32
      %dma_start3A_21 = tpu.memref_slice %arg7[%add3A_20, %dma_start3A] : memref<79x128xi32, #tpu.memory_space<vmem>> -> memref<1x128xi32, #tpu.memory_space<vmem>>
      %dma_start3A_22 = tpu.memref_squeeze %dma_start3A_21 : memref<1x128xi32, #tpu.memory_space<vmem>> -> memref<128xi32, #tpu.memory_space<vmem>>
      %dma_start3A_23 = arith.constant 0 : i32
      %dma_start3A_24 = arith.constant 0 : i32
      %dma_start3A_25 = tpu.memref_slice %arg2[%dma_start3A_23, %dma_start3A_24] : memref<10000x128xf32, #tpu.memory_space<hbm>> -> memref<10000x128xf32, #tpu.memory_space<hbm>>
      tpu.enqueue_indirect_dma source(%dma_start3A_25 : memref<10000x128xf32, #tpu.memory_space<hbm>>) target(%arg9 : memref<128x128xf32, #tpu.memory_space<vmem>>) offsets(%dma_start3A_22 : memref<128xi32, #tpu.memory_space<vmem>>) semaphore(%arg12 : memref<!tpu.dma_semaphore, #tpu.memory_space<semaphore_mem>>)
      %dma_wait3A = arith.constant 0 : i32
      %dma_wait3A_26 = tpu.memref_slice %arg7[%add3A_20, %dma_wait3A] : memref<79x128xi32, #tpu.memory_space<vmem>> -> memref<1x128xi32, #tpu.memory_space<vmem>>
      %dma_wait3A_27 = tpu.memref_squeeze %dma_wait3A_26 : memref<1x128xi32, #tpu.memory_space<vmem>> -> memref<128xi32, #tpu.memory_space<vmem>>
      %dma_wait3A_28 = arith.constant 0 : i32
      %dma_wait3A_29 = arith.constant 0 : i32
      %dma_wait3A_30 = tpu.memref_slice %arg2[%dma_wait3A_28, %dma_wait3A_29] : memref<10000x128xf32, #tpu.memory_space<hbm>> -> memref<10000x128xf32, #tpu.memory_space<hbm>>
      tpu.wait_indirect_dma semaphore(%arg12 : memref<!tpu.dma_semaphore, #tpu.memory_space<semaphore_mem>>) src(%dma_wait3A_30 : memref<10000x128xf32, #tpu.memory_space<hbm>>) dst(%arg9 : memref<128x128xf32, #tpu.memory_space<vmem>>)
      "tpu.region"() ({
        %run_scoped3A = tpu.sem_alloc : memref<!tpu.dma_semaphore, #tpu.memory_space<semaphore_mem>>
        %dma_start3A_31 = arith.constant 0 : i32
        %dma_start3A_32 = tpu.memref_slice %arg8[%add3A_20, %dma_start3A_31] : memref<79x128xi32, #tpu.memory_space<vmem>> -> memref<1x128xi32, #tpu.memory_space<vmem>>
        %dma_start3A_33 = tpu.memref_squeeze %dma_start3A_32 : memref<1x128xi32, #tpu.memory_space<vmem>> -> memref<128xi32, #tpu.memory_space<vmem>>
        %dma_start3A_34 = arith.constant 0 : i32
        %dma_start3A_35 = arith.constant 0 : i32
        %dma_start3A_36 = tpu.memref_slice %arg11[%dma_start3A_34, %dma_start3A_35] : memref<10240x128xf32, #tpu.memory_space<vmem_shared>> -> memref<10240x128xf32, #tpu.memory_space<vmem_shared>>
        tpu.enqueue_indirect_dma source(%arg9 : memref<128x128xf32, #tpu.memory_space<vmem>>) target(%dma_start3A_36 : memref<10240x128xf32, #tpu.memory_space<vmem_shared>>) offsets(%dma_start3A_33 : memref<128xi32, #tpu.memory_space<vmem>>) semaphore(%run_scoped3A : memref<!tpu.dma_semaphore, #tpu.memory_space<semaphore_mem>>) {add = true}
        %dma_wait3A_37 = arith.constant 0 : i32
        %dma_wait3A_38 = tpu.memref_slice %arg8[%add3A_20, %dma_wait3A_37] : memref<79x128xi32, #tpu.memory_space<vmem>> -> memref<1x128xi32, #tpu.memory_space<vmem>>
        %dma_wait3A_39 = tpu.memref_squeeze %dma_wait3A_38 : memref<1x128xi32, #tpu.memory_space<vmem>> -> memref<128xi32, #tpu.memory_space<vmem>>
        %dma_wait3A_40 = arith.constant 0 : i32
        %dma_wait3A_41 = arith.constant 0 : i32
        %dma_wait3A_42 = tpu.memref_slice %arg11[%dma_wait3A_40, %dma_wait3A_41] : memref<10240x128xf32, #tpu.memory_space<vmem_shared>> -> memref<10240x128xf32, #tpu.memory_space<vmem_shared>>
        tpu.wait_indirect_dma semaphore(%run_scoped3A : memref<!tpu.dma_semaphore, #tpu.memory_space<semaphore_mem>>) src(%arg9 : memref<128x128xf32, #tpu.memory_space<vmem>>) dst(%dma_wait3A_42 : memref<10240x128xf32, #tpu.memory_space<vmem_shared>>)
        tpu.yield
      }) : () -> ()
    }
    %scan3A_9 = arith.constant 79 : i32
    %barrier3A_10 = arith.constant 0 : index
    tpu.barrier barrier_id(%barrier3A_10)
    %scan3A_11 = arith.constant 0 : i32
    %scan3A_12 = arith.constant 10 : i32
    %scan3A_13 = arith.addi %scan3A_11, %scan3A_12 : i32
    %scan3A_14 = arith.constant 1 : i32
    scf.for %scan3A_16 = %scan3A_11 to %scan3A_13 step %scan3A_14  : i32 {
      %mul3A_17 = arith.constant 1 : i32
      %mul3A_18 = arith.muli %scan3A_16, %mul3A_17 : i32
      %add3A_19 = arith.constant 0 : i32
      %add3A_20 = arith.addi %add3A_19, %mul3A_18 : i32
      %mul3A_21 = arith.constant 640 : i32
      %mul3A_22 = arith.muli %arg1, %mul3A_21 : i32
      %mul3A_23 = arith.constant 64 : i32
      %mul3A_24 = arith.muli %add3A_20, %mul3A_23 : i32
      %add3A_25 = arith.addi %mul3A_22, %mul3A_24 : i32
      "tpu.region"() ({
        %run_scoped3A = tpu.sem_alloc : memref<!tpu.dma_semaphore, #tpu.memory_space<semaphore_mem>>
        %dma_start3A = arith.constant 0 : i32
        %dma_start3A_31 = arith.constant 0 : i32
        %dma_start3A_32 = tpu.memref_slice %arg9[%dma_start3A, %dma_start3A_31] : memref<128x128xf32, #tpu.memory_space<vmem>> -> memref<64x128xf32, #tpu.memory_space<vmem>>
        %dma_start3A_33 = arith.constant 0 : i32
        %dma_start3A_34 = tpu.memref_slice %arg11[%add3A_25, %dma_start3A_33] : memref<10240x128xf32, #tpu.memory_space<vmem_shared>> -> memref<64x128xf32, #tpu.memory_space<vmem_shared>>
        %dma_start3A_35 = arith.constant 0 : i32
        %dma_start3A_36 = arith.constant 0 : i32
        %dma_start3A_37 = tpu.memref_slice %arg9[%dma_start3A_35, %dma_start3A_36] : memref<128x128xf32, #tpu.memory_space<vmem>> -> memref<64x128xf32, #tpu.memory_space<vmem>>
        %dma_start3A_38 = arith.constant 0 : i32
        %dma_start3A_39 = tpu.memref_slice %arg11[%add3A_25, %dma_start3A_38] : memref<10240x128xf32, #tpu.memory_space<vmem_shared>> -> memref<64x128xf32, #tpu.memory_space<vmem_shared>>
        tpu.enqueue_dma source(%dma_start3A_39 : memref<64x128xf32, #tpu.memory_space<vmem_shared>>) target(%dma_start3A_37 : memref<64x128xf32, #tpu.memory_space<vmem>>) target_semaphore(%run_scoped3A : memref<!tpu.dma_semaphore, #tpu.memory_space<semaphore_mem>>)
        %dma_wait3A = arith.constant 0 : i32
        %dma_wait3A_40 = arith.constant 0 : i32
        %dma_wait3A_41 = tpu.memref_slice %arg9[%dma_wait3A, %dma_wait3A_40] : memref<128x128xf32, #tpu.memory_space<vmem>> -> memref<64x128xf32, #tpu.memory_space<vmem>>
        %dma_wait3A_42 = arith.constant 0 : i32
        %dma_wait3A_43 = tpu.memref_slice %arg11[%add3A_25, %dma_wait3A_42] : memref<10240x128xf32, #tpu.memory_space<vmem_shared>> -> memref<64x128xf32, #tpu.memory_space<vmem_shared>>
        %dma_wait3A_44 = arith.constant 0 : i32
        %dma_wait3A_45 = arith.constant 0 : i32
        %dma_wait3A_46 = tpu.memref_slice %arg9[%dma_wait3A_44, %dma_wait3A_45] : memref<128x128xf32, #tpu.memory_space<vmem>> -> memref<64x128xf32, #tpu.memory_space<vmem>>
        %dma_wait3A_47 = arith.constant 0 : i32
        %dma_wait3A_48 = tpu.memref_slice %arg11[%add3A_25, %dma_wait3A_47] : memref<10240x128xf32, #tpu.memory_space<vmem_shared>> -> memref<64x128xf32, #tpu.memory_space<vmem_shared>>
        tpu.wait_dma2 semaphore(%run_scoped3A : memref<!tpu.dma_semaphore, #tpu.memory_space<semaphore_mem>>) src(%dma_wait3A_48 : memref<64x128xf32, #tpu.memory_space<vmem_shared>>) dst(%dma_wait3A_46 : memref<64x128xf32, #tpu.memory_space<vmem>>)
        tpu.yield
      }) : () -> ()
      %mul3A_26 = arith.constant 640 : i32
      %mul3A_27 = arith.muli %arg1, %mul3A_26 : i32
      %mul3A_28 = arith.constant 64 : i32
      %mul3A_29 = arith.muli %add3A_20, %mul3A_28 : i32
      %add3A_30 = arith.addi %mul3A_27, %mul3A_29 : i32
      "tpu.region"() ({
        %run_scoped3A = tpu.sem_alloc : memref<!tpu.dma_semaphore, #tpu.memory_space<semaphore_mem>>
        %dma_start3A = arith.constant 0 : i32
        %dma_start3A_31 = arith.constant 0 : i32
        %dma_start3A_32 = tpu.memref_slice %arg9[%dma_start3A, %dma_start3A_31] : memref<128x128xf32, #tpu.memory_space<vmem>> -> memref<64x128xf32, #tpu.memory_space<vmem>>
        %dma_start3A_33 = arith.constant 0 : i32
        %dma_start3A_34 = tpu.memref_slice %arg6[%arg0, %add3A_30, %dma_start3A_33] : memref<2x10240x128xf32, #tpu.memory_space<hbm>> -> memref<1x64x128xf32, #tpu.memory_space<hbm>>
        %dma_start3A_35 = tpu.memref_squeeze %dma_start3A_34 : memref<1x64x128xf32, #tpu.memory_space<hbm>> -> memref<64x128xf32, #tpu.memory_space<hbm>>
        %dma_start3A_36 = arith.constant 0 : i32
        %dma_start3A_37 = tpu.memref_slice %arg6[%arg0, %add3A_30, %dma_start3A_36] : memref<2x10240x128xf32, #tpu.memory_space<hbm>> -> memref<1x64x128xf32, #tpu.memory_space<hbm>>
        %dma_start3A_38 = tpu.memref_squeeze %dma_start3A_37 : memref<1x64x128xf32, #tpu.memory_space<hbm>> -> memref<64x128xf32, #tpu.memory_space<hbm>>
        %dma_start3A_39 = arith.constant 0 : i32
        %dma_start3A_40 = arith.constant 0 : i32
        %dma_start3A_41 = tpu.memref_slice %arg9[%dma_start3A_39, %dma_start3A_40] : memref<128x128xf32, #tpu.memory_space<vmem>> -> memref<64x128xf32, #tpu.memory_space<vmem>>
        tpu.enqueue_dma source(%dma_start3A_41 : memref<64x128xf32, #tpu.memory_space<vmem>>) target(%dma_start3A_38 : memref<64x128xf32, #tpu.memory_space<hbm>>) target_semaphore(%run_scoped3A : memref<!tpu.dma_semaphore, #tpu.memory_space<semaphore_mem>>)
        %dma_wait3A = arith.constant 0 : i32
        %dma_wait3A_42 = arith.constant 0 : i32
        %dma_wait3A_43 = tpu.memref_slice %arg9[%dma_wait3A, %dma_wait3A_42] : memref<128x128xf32, #tpu.memory_space<vmem>> -> memref<64x128xf32, #tpu.memory_space<vmem>>
        %dma_wait3A_44 = arith.constant 0 : i32
        %dma_wait3A_45 = tpu.memref_slice %arg6[%arg0, %add3A_30, %dma_wait3A_44] : memref<2x10240x128xf32, #tpu.memory_space<hbm>> -> memref<1x64x128xf32, #tpu.memory_space<hbm>>
        %dma_wait3A_46 = tpu.memref_squeeze %dma_wait3A_45 : memref<1x64x128xf32, #tpu.memory_space<hbm>> -> memref<64x128xf32, #tpu.memory_space<hbm>>
        %dma_wait3A_47 = arith.constant 0 : i32
        %dma_wait3A_48 = tpu.memref_slice %arg6[%arg0, %add3A_30, %dma_wait3A_47] : memref<2x10240x128xf32, #tpu.memory_space<hbm>> -> memref<1x64x128xf32, #tpu.memory_space<hbm>>
        %dma_wait3A_49 = tpu.memref_squeeze %dma_wait3A_48 : memref<1x64x128xf32, #tpu.memory_space<hbm>> -> memref<64x128xf32, #tpu.memory_space<hbm>>
        %dma_wait3A_50 = arith.constant 0 : i32
        %dma_wait3A_51 = arith.constant 0 : i32
        %dma_wait3A_52 = tpu.memref_slice %arg9[%dma_wait3A_50, %dma_wait3A_51] : memref<128x128xf32, #tpu.memory_space<vmem>> -> memref<64x128xf32, #tpu.memory_space<vmem>>
        tpu.wait_dma2 semaphore(%run_scoped3A : memref<!tpu.dma_semaphore, #tpu.memory_space<semaphore_mem>>) src(%dma_wait3A_52 : memref<64x128xf32, #tpu.memory_space<vmem>>) dst(%dma_wait3A_49 : memref<64x128xf32, #tpu.memory_space<hbm>>)
        tpu.yield
      }) : () -> ()
    }
    %scan3A_15 = arith.constant 10 : i32
    return
  }
}

#map = affine_map<(d0, d1) -> (0, 0)>
#map1 = affine_map<(d0, d1) -> (0, 0, 0)>
module attributes {stable_mosaic.version = 14 : i64} {
  func.func @seg(%arg0: i32, %arg1: i32, %arg2: memref<8x128xf32, #tpu.memory_space<hbm>>, %arg3: memref<32x79x128xi32, #tpu.memory_space<hbm>>, %arg4: memref<32x79x128xi32, #tpu.memory_space<hbm>>, %arg5: memref<64x128xf32, #tpu.memory_space<hbm>>, %arg6: memref<2x10240x128xf32, #tpu.memory_space<hbm>>, %arg7: memref<79x128xi32, #tpu.memory_space<vmem>>, %arg8: memref<79x128xi32, #tpu.memory_space<vmem>>, %arg9: memref<128x128xf32, #tpu.memory_space<vmem>>, %arg10: memref<64x128xf32, #tpu.memory_space<vmem>>, %arg11: memref<10240x128xf32, #tpu.memory_space<vmem_shared>>, %arg12: memref<!tpu.dma_semaphore, #tpu.memory_space<semaphore_mem>>) attributes {dimension_semantics = [#tpu.dimension_semantics<core_parallel>, #tpu.dimension_semantics<subcore_parallel>], iteration_bounds = array<i64: 2, 16>, scalar_prefetch = 0 : i64, scratch_operands = 6 : i64, tpu.core_type = #tpu.core_type<sc_vector_subcore>, window_params = [{transform_indices = #map}, {transform_indices = #map1}, {transform_indices = #map1}, {transform_indices = #map}, {transform_indices = #map1}]} {
    %mul3A = arith.constant 16 : i32
    %mul3A_0 = arith.muli %arg0, %mul3A : i32
    %add3A = arith.addi %mul3A_0, %arg1 : i32
    "tpu.region"() ({
      %run_scoped3A = tpu.sem_alloc : memref<!tpu.dma_semaphore, #tpu.memory_space<semaphore_mem>>
      tpu.enqueue_dma source(%arg5 : memref<64x128xf32, #tpu.memory_space<hbm>>) target(%arg10 : memref<64x128xf32, #tpu.memory_space<vmem>>) target_semaphore(%run_scoped3A : memref<!tpu.dma_semaphore, #tpu.memory_space<semaphore_mem>>)
      tpu.wait_dma2 semaphore(%run_scoped3A : memref<!tpu.dma_semaphore, #tpu.memory_space<semaphore_mem>>) src(%arg5 : memref<64x128xf32, #tpu.memory_space<hbm>>) dst(%arg10 : memref<64x128xf32, #tpu.memory_space<vmem>>)
      tpu.yield
    }) : () -> ()
    %scan3A = arith.constant 0 : i32
    %scan3A_1 = arith.constant 10 : i32
    %scan3A_2 = arith.addi %scan3A, %scan3A_1 : i32
    %scan3A_3 = arith.constant 1 : i32
    scf.for %scan3A_16 = %scan3A to %scan3A_2 step %scan3A_3  : i32 {
      %mul3A_17 = arith.constant 1 : i32
      %mul3A_18 = arith.muli %scan3A_16, %mul3A_17 : i32
      %add3A_19 = arith.constant 0 : i32
      %add3A_20 = arith.addi %add3A_19, %mul3A_18 : i32
      %mul3A_21 = arith.constant 640 : i32
      %mul3A_22 = arith.muli %arg1, %mul3A_21 : i32
      %mul3A_23 = arith.constant 64 : i32
      %mul3A_24 = arith.muli %add3A_20, %mul3A_23 : i32
      %add3A_25 = arith.addi %mul3A_22, %mul3A_24 : i32
      "tpu.region"() ({
        %run_scoped3A = tpu.sem_alloc : memref<!tpu.dma_semaphore, #tpu.memory_space<semaphore_mem>>
        %dma_start3A = arith.constant 0 : i32
        %dma_start3A_26 = tpu.memref_slice %arg11[%add3A_25, %dma_start3A] : memref<10240x128xf32, #tpu.memory_space<vmem_shared>> -> memref<64x128xf32, #tpu.memory_space<vmem_shared>>
        %dma_start3A_27 = arith.constant 0 : i32
        %dma_start3A_28 = tpu.memref_slice %arg11[%add3A_25, %dma_start3A_27] : memref<10240x128xf32, #tpu.memory_space<vmem_shared>> -> memref<64x128xf32, #tpu.memory_space<vmem_shared>>
        tpu.enqueue_dma source(%arg10 : memref<64x128xf32, #tpu.memory_space<vmem>>) target(%dma_start3A_28 : memref<64x128xf32, #tpu.memory_space<vmem_shared>>) target_semaphore(%run_scoped3A : memref<!tpu.dma_semaphore, #tpu.memory_space<semaphore_mem>>)
        %dma_wait3A = arith.constant 0 : i32
        %dma_wait3A_29 = tpu.memref_slice %arg11[%add3A_25, %dma_wait3A] : memref<10240x128xf32, #tpu.memory_space<vmem_shared>> -> memref<64x128xf32, #tpu.memory_space<vmem_shared>>
        %dma_wait3A_30 = arith.constant 0 : i32
        %dma_wait3A_31 = tpu.memref_slice %arg11[%add3A_25, %dma_wait3A_30] : memref<10240x128xf32, #tpu.memory_space<vmem_shared>> -> memref<64x128xf32, #tpu.memory_space<vmem_shared>>
        tpu.wait_dma2 semaphore(%run_scoped3A : memref<!tpu.dma_semaphore, #tpu.memory_space<semaphore_mem>>) src(%arg10 : memref<64x128xf32, #tpu.memory_space<vmem>>) dst(%dma_wait3A_31 : memref<64x128xf32, #tpu.memory_space<vmem_shared>>)
        tpu.yield
      }) : () -> ()
    }
    %scan3A_4 = arith.constant 10 : i32
    %barrier3A = arith.constant 0 : index
    tpu.barrier barrier_id(%barrier3A)
    "tpu.region"() ({
      %run_scoped3A = tpu.sem_alloc : memref<!tpu.dma_semaphore, #tpu.memory_space<semaphore_mem>>
      %dma_start3A = arith.constant 0 : i32
      %dma_start3A_16 = arith.constant 0 : i32
      %dma_start3A_17 = tpu.memref_slice %arg3[%add3A, %dma_start3A, %dma_start3A_16] : memref<32x79x128xi32, #tpu.memory_space<hbm>> -> memref<1x79x128xi32, #tpu.memory_space<hbm>>
      %dma_start3A_18 = tpu.memref_squeeze %dma_start3A_17 : memref<1x79x128xi32, #tpu.memory_space<hbm>> -> memref<79x128xi32, #tpu.memory_space<hbm>>
      %dma_start3A_19 = arith.constant 0 : i32
      %dma_start3A_20 = arith.constant 0 : i32
      %dma_start3A_21 = tpu.memref_slice %arg3[%add3A, %dma_start3A_19, %dma_start3A_20] : memref<32x79x128xi32, #tpu.memory_space<hbm>> -> memref<1x79x128xi32, #tpu.memory_space<hbm>>
      %dma_start3A_22 = tpu.memref_squeeze %dma_start3A_21 : memref<1x79x128xi32, #tpu.memory_space<hbm>> -> memref<79x128xi32, #tpu.memory_space<hbm>>
      tpu.enqueue_dma source(%dma_start3A_22 : memref<79x128xi32, #tpu.memory_space<hbm>>) target(%arg7 : memref<79x128xi32, #tpu.memory_space<vmem>>) target_semaphore(%run_scoped3A : memref<!tpu.dma_semaphore, #tpu.memory_space<semaphore_mem>>)
      %dma_wait3A = arith.constant 0 : i32
      %dma_wait3A_23 = arith.constant 0 : i32
      %dma_wait3A_24 = tpu.memref_slice %arg3[%add3A, %dma_wait3A, %dma_wait3A_23] : memref<32x79x128xi32, #tpu.memory_space<hbm>> -> memref<1x79x128xi32, #tpu.memory_space<hbm>>
      %dma_wait3A_25 = tpu.memref_squeeze %dma_wait3A_24 : memref<1x79x128xi32, #tpu.memory_space<hbm>> -> memref<79x128xi32, #tpu.memory_space<hbm>>
      %dma_wait3A_26 = arith.constant 0 : i32
      %dma_wait3A_27 = arith.constant 0 : i32
      %dma_wait3A_28 = tpu.memref_slice %arg3[%add3A, %dma_wait3A_26, %dma_wait3A_27] : memref<32x79x128xi32, #tpu.memory_space<hbm>> -> memref<1x79x128xi32, #tpu.memory_space<hbm>>
      %dma_wait3A_29 = tpu.memref_squeeze %dma_wait3A_28 : memref<1x79x128xi32, #tpu.memory_space<hbm>> -> memref<79x128xi32, #tpu.memory_space<hbm>>
      tpu.wait_dma2 semaphore(%run_scoped3A : memref<!tpu.dma_semaphore, #tpu.memory_space<semaphore_mem>>) src(%dma_wait3A_29 : memref<79x128xi32, #tpu.memory_space<hbm>>) dst(%arg7 : memref<79x128xi32, #tpu.memory_space<vmem>>)
      tpu.yield
    }) : () -> ()
    "tpu.region"() ({
      %run_scoped3A = tpu.sem_alloc : memref<!tpu.dma_semaphore, #tpu.memory_space<semaphore_mem>>
      %dma_start3A = arith.constant 0 : i32
      %dma_start3A_16 = arith.constant 0 : i32
      %dma_start3A_17 = tpu.memref_slice %arg4[%add3A, %dma_start3A, %dma_start3A_16] : memref<32x79x128xi32, #tpu.memory_space<hbm>> -> memref<1x79x128xi32, #tpu.memory_space<hbm>>
      %dma_start3A_18 = tpu.memref_squeeze %dma_start3A_17 : memref<1x79x128xi32, #tpu.memory_space<hbm>> -> memref<79x128xi32, #tpu.memory_space<hbm>>
      %dma_start3A_19 = arith.constant 0 : i32
      %dma_start3A_20 = arith.constant 0 : i32
      %dma_start3A_21 = tpu.memref_slice %arg4[%add3A, %dma_start3A_19, %dma_start3A_20] : memref<32x79x128xi32, #tpu.memory_space<hbm>> -> memref<1x79x128xi32, #tpu.memory_space<hbm>>
      %dma_start3A_22 = tpu.memref_squeeze %dma_start3A_21 : memref<1x79x128xi32, #tpu.memory_space<hbm>> -> memref<79x128xi32, #tpu.memory_space<hbm>>
      tpu.enqueue_dma source(%dma_start3A_22 : memref<79x128xi32, #tpu.memory_space<hbm>>) target(%arg8 : memref<79x128xi32, #tpu.memory_space<vmem>>) target_semaphore(%run_scoped3A : memref<!tpu.dma_semaphore, #tpu.memory_space<semaphore_mem>>)
      %dma_wait3A = arith.constant 0 : i32
      %dma_wait3A_23 = arith.constant 0 : i32
      %dma_wait3A_24 = tpu.memref_slice %arg4[%add3A, %dma_wait3A, %dma_wait3A_23] : memref<32x79x128xi32, #tpu.memory_space<hbm>> -> memref<1x79x128xi32, #tpu.memory_space<hbm>>
      %dma_wait3A_25 = tpu.memref_squeeze %dma_wait3A_24 : memref<1x79x128xi32, #tpu.memory_space<hbm>> -> memref<79x128xi32, #tpu.memory_space<hbm>>
      %dma_wait3A_26 = arith.constant 0 : i32
      %dma_wait3A_27 = arith.constant 0 : i32
      %dma_wait3A_28 = tpu.memref_slice %arg4[%add3A, %dma_wait3A_26, %dma_wait3A_27] : memref<32x79x128xi32, #tpu.memory_space<hbm>> -> memref<1x79x128xi32, #tpu.memory_space<hbm>>
      %dma_wait3A_29 = tpu.memref_squeeze %dma_wait3A_28 : memref<1x79x128xi32, #tpu.memory_space<hbm>> -> memref<79x128xi32, #tpu.memory_space<hbm>>
      tpu.wait_dma2 semaphore(%run_scoped3A : memref<!tpu.dma_semaphore, #tpu.memory_space<semaphore_mem>>) src(%dma_wait3A_29 : memref<79x128xi32, #tpu.memory_space<hbm>>) dst(%arg8 : memref<79x128xi32, #tpu.memory_space<vmem>>)
      tpu.yield
    }) : () -> ()
    %scan3A_5 = arith.constant 0 : i32
    %scan3A_6 = arith.constant 79 : i32
    %scan3A_7 = arith.addi %scan3A_5, %scan3A_6 : i32
    %scan3A_8 = arith.constant 1 : i32
    scf.for %scan3A_16 = %scan3A_5 to %scan3A_7 step %scan3A_8  : i32 {
      %mul3A_17 = arith.constant 1 : i32
      %mul3A_18 = arith.muli %scan3A_16, %mul3A_17 : i32
      %add3A_19 = arith.constant 0 : i32
      %add3A_20 = arith.addi %add3A_19, %mul3A_18 : i32
      %dma_start3A = arith.constant 0 : i32
      %dma_start3A_21 = tpu.memref_slice %arg7[%add3A_20, %dma_start3A] : memref<79x128xi32, #tpu.memory_space<vmem>> -> memref<1x128xi32, #tpu.memory_space<vmem>>
      %dma_start3A_22 = tpu.memref_squeeze %dma_start3A_21 : memref<1x128xi32, #tpu.memory_space<vmem>> -> memref<128xi32, #tpu.memory_space<vmem>>
      %dma_start3A_23 = arith.constant 0 : i32
      %dma_start3A_24 = arith.constant 0 : i32
      %dma_start3A_25 = tpu.memref_slice %arg2[%dma_start3A_23, %dma_start3A_24] : memref<8x128xf32, #tpu.memory_space<hbm>> -> memref<8x128xf32, #tpu.memory_space<hbm>>
      tpu.enqueue_indirect_dma source(%dma_start3A_25 : memref<8x128xf32, #tpu.memory_space<hbm>>) target(%arg9 : memref<128x128xf32, #tpu.memory_space<vmem>>) offsets(%dma_start3A_22 : memref<128xi32, #tpu.memory_space<vmem>>) semaphore(%arg12 : memref<!tpu.dma_semaphore, #tpu.memory_space<semaphore_mem>>)
      %dma_wait3A = arith.constant 0 : i32
      %dma_wait3A_26 = tpu.memref_slice %arg7[%add3A_20, %dma_wait3A] : memref<79x128xi32, #tpu.memory_space<vmem>> -> memref<1x128xi32, #tpu.memory_space<vmem>>
      %dma_wait3A_27 = tpu.memref_squeeze %dma_wait3A_26 : memref<1x128xi32, #tpu.memory_space<vmem>> -> memref<128xi32, #tpu.memory_space<vmem>>
      %dma_wait3A_28 = arith.constant 0 : i32
      %dma_wait3A_29 = arith.constant 0 : i32
      %dma_wait3A_30 = tpu.memref_slice %arg2[%dma_wait3A_28, %dma_wait3A_29] : memref<8x128xf32, #tpu.memory_space<hbm>> -> memref<8x128xf32, #tpu.memory_space<hbm>>
      tpu.wait_indirect_dma semaphore(%arg12 : memref<!tpu.dma_semaphore, #tpu.memory_space<semaphore_mem>>) src(%dma_wait3A_30 : memref<8x128xf32, #tpu.memory_space<hbm>>) dst(%arg9 : memref<128x128xf32, #tpu.memory_space<vmem>>)
      "tpu.region"() ({
        %run_scoped3A = tpu.sem_alloc : memref<!tpu.dma_semaphore, #tpu.memory_space<semaphore_mem>>
        %dma_start3A_31 = arith.constant 0 : i32
        %dma_start3A_32 = tpu.memref_slice %arg8[%add3A_20, %dma_start3A_31] : memref<79x128xi32, #tpu.memory_space<vmem>> -> memref<1x128xi32, #tpu.memory_space<vmem>>
        %dma_start3A_33 = tpu.memref_squeeze %dma_start3A_32 : memref<1x128xi32, #tpu.memory_space<vmem>> -> memref<128xi32, #tpu.memory_space<vmem>>
        %dma_start3A_34 = arith.constant 0 : i32
        %dma_start3A_35 = arith.constant 0 : i32
        %dma_start3A_36 = tpu.memref_slice %arg11[%dma_start3A_34, %dma_start3A_35] : memref<10240x128xf32, #tpu.memory_space<vmem_shared>> -> memref<10240x128xf32, #tpu.memory_space<vmem_shared>>
        tpu.enqueue_indirect_dma source(%arg9 : memref<128x128xf32, #tpu.memory_space<vmem>>) target(%dma_start3A_36 : memref<10240x128xf32, #tpu.memory_space<vmem_shared>>) offsets(%dma_start3A_33 : memref<128xi32, #tpu.memory_space<vmem>>) semaphore(%run_scoped3A : memref<!tpu.dma_semaphore, #tpu.memory_space<semaphore_mem>>) {add = true}
        %dma_wait3A_37 = arith.constant 0 : i32
        %dma_wait3A_38 = tpu.memref_slice %arg8[%add3A_20, %dma_wait3A_37] : memref<79x128xi32, #tpu.memory_space<vmem>> -> memref<1x128xi32, #tpu.memory_space<vmem>>
        %dma_wait3A_39 = tpu.memref_squeeze %dma_wait3A_38 : memref<1x128xi32, #tpu.memory_space<vmem>> -> memref<128xi32, #tpu.memory_space<vmem>>
        %dma_wait3A_40 = arith.constant 0 : i32
        %dma_wait3A_41 = arith.constant 0 : i32
        %dma_wait3A_42 = tpu.memref_slice %arg11[%dma_wait3A_40, %dma_wait3A_41] : memref<10240x128xf32, #tpu.memory_space<vmem_shared>> -> memref<10240x128xf32, #tpu.memory_space<vmem_shared>>
        tpu.wait_indirect_dma semaphore(%run_scoped3A : memref<!tpu.dma_semaphore, #tpu.memory_space<semaphore_mem>>) src(%arg9 : memref<128x128xf32, #tpu.memory_space<vmem>>) dst(%dma_wait3A_42 : memref<10240x128xf32, #tpu.memory_space<vmem_shared>>)
        tpu.yield
      }) : () -> ()
    }
    %scan3A_9 = arith.constant 79 : i32
    %barrier3A_10 = arith.constant 0 : index
    tpu.barrier barrier_id(%barrier3A_10)
    %scan3A_11 = arith.constant 0 : i32
    %scan3A_12 = arith.constant 10 : i32
    %scan3A_13 = arith.addi %scan3A_11, %scan3A_12 : i32
    %scan3A_14 = arith.constant 1 : i32
    scf.for %scan3A_16 = %scan3A_11 to %scan3A_13 step %scan3A_14  : i32 {
      %mul3A_17 = arith.constant 1 : i32
      %mul3A_18 = arith.muli %scan3A_16, %mul3A_17 : i32
      %add3A_19 = arith.constant 0 : i32
      %add3A_20 = arith.addi %add3A_19, %mul3A_18 : i32
      %mul3A_21 = arith.constant 640 : i32
      %mul3A_22 = arith.muli %arg1, %mul3A_21 : i32
      %mul3A_23 = arith.constant 64 : i32
      %mul3A_24 = arith.muli %add3A_20, %mul3A_23 : i32
      %add3A_25 = arith.addi %mul3A_22, %mul3A_24 : i32
      "tpu.region"() ({
        %run_scoped3A = tpu.sem_alloc : memref<!tpu.dma_semaphore, #tpu.memory_space<semaphore_mem>>
        %dma_start3A = arith.constant 0 : i32
        %dma_start3A_31 = arith.constant 0 : i32
        %dma_start3A_32 = tpu.memref_slice %arg9[%dma_start3A, %dma_start3A_31] : memref<128x128xf32, #tpu.memory_space<vmem>> -> memref<64x128xf32, #tpu.memory_space<vmem>>
        %dma_start3A_33 = arith.constant 0 : i32
        %dma_start3A_34 = tpu.memref_slice %arg11[%add3A_25, %dma_start3A_33] : memref<10240x128xf32, #tpu.memory_space<vmem_shared>> -> memref<64x128xf32, #tpu.memory_space<vmem_shared>>
        %dma_start3A_35 = arith.constant 0 : i32
        %dma_start3A_36 = arith.constant 0 : i32
        %dma_start3A_37 = tpu.memref_slice %arg9[%dma_start3A_35, %dma_start3A_36] : memref<128x128xf32, #tpu.memory_space<vmem>> -> memref<64x128xf32, #tpu.memory_space<vmem>>
        %dma_start3A_38 = arith.constant 0 : i32
        %dma_start3A_39 = tpu.memref_slice %arg11[%add3A_25, %dma_start3A_38] : memref<10240x128xf32, #tpu.memory_space<vmem_shared>> -> memref<64x128xf32, #tpu.memory_space<vmem_shared>>
        tpu.enqueue_dma source(%dma_start3A_39 : memref<64x128xf32, #tpu.memory_space<vmem_shared>>) target(%dma_start3A_37 : memref<64x128xf32, #tpu.memory_space<vmem>>) target_semaphore(%run_scoped3A : memref<!tpu.dma_semaphore, #tpu.memory_space<semaphore_mem>>)
        %dma_wait3A = arith.constant 0 : i32
        %dma_wait3A_40 = arith.constant 0 : i32
        %dma_wait3A_41 = tpu.memref_slice %arg9[%dma_wait3A, %dma_wait3A_40] : memref<128x128xf32, #tpu.memory_space<vmem>> -> memref<64x128xf32, #tpu.memory_space<vmem>>
        %dma_wait3A_42 = arith.constant 0 : i32
        %dma_wait3A_43 = tpu.memref_slice %arg11[%add3A_25, %dma_wait3A_42] : memref<10240x128xf32, #tpu.memory_space<vmem_shared>> -> memref<64x128xf32, #tpu.memory_space<vmem_shared>>
        %dma_wait3A_44 = arith.constant 0 : i32
        %dma_wait3A_45 = arith.constant 0 : i32
        %dma_wait3A_46 = tpu.memref_slice %arg9[%dma_wait3A_44, %dma_wait3A_45] : memref<128x128xf32, #tpu.memory_space<vmem>> -> memref<64x128xf32, #tpu.memory_space<vmem>>
        %dma_wait3A_47 = arith.constant 0 : i32
        %dma_wait3A_48 = tpu.memref_slice %arg11[%add3A_25, %dma_wait3A_47] : memref<10240x128xf32, #tpu.memory_space<vmem_shared>> -> memref<64x128xf32, #tpu.memory_space<vmem_shared>>
        tpu.wait_dma2 semaphore(%run_scoped3A : memref<!tpu.dma_semaphore, #tpu.memory_space<semaphore_mem>>) src(%dma_wait3A_48 : memref<64x128xf32, #tpu.memory_space<vmem_shared>>) dst(%dma_wait3A_46 : memref<64x128xf32, #tpu.memory_space<vmem>>)
        tpu.yield
      }) : () -> ()
      %mul3A_26 = arith.constant 640 : i32
      %mul3A_27 = arith.muli %arg1, %mul3A_26 : i32
      %mul3A_28 = arith.constant 64 : i32
      %mul3A_29 = arith.muli %add3A_20, %mul3A_28 : i32
      %add3A_30 = arith.addi %mul3A_27, %mul3A_29 : i32
      "tpu.region"() ({
        %run_scoped3A = tpu.sem_alloc : memref<!tpu.dma_semaphore, #tpu.memory_space<semaphore_mem>>
        %dma_start3A = arith.constant 0 : i32
        %dma_start3A_31 = arith.constant 0 : i32
        %dma_start3A_32 = tpu.memref_slice %arg9[%dma_start3A, %dma_start3A_31] : memref<128x128xf32, #tpu.memory_space<vmem>> -> memref<64x128xf32, #tpu.memory_space<vmem>>
        %dma_start3A_33 = arith.constant 0 : i32
        %dma_start3A_34 = tpu.memref_slice %arg6[%arg0, %add3A_30, %dma_start3A_33] : memref<2x10240x128xf32, #tpu.memory_space<hbm>> -> memref<1x64x128xf32, #tpu.memory_space<hbm>>
        %dma_start3A_35 = tpu.memref_squeeze %dma_start3A_34 : memref<1x64x128xf32, #tpu.memory_space<hbm>> -> memref<64x128xf32, #tpu.memory_space<hbm>>
        %dma_start3A_36 = arith.constant 0 : i32
        %dma_start3A_37 = tpu.memref_slice %arg6[%arg0, %add3A_30, %dma_start3A_36] : memref<2x10240x128xf32, #tpu.memory_space<hbm>> -> memref<1x64x128xf32, #tpu.memory_space<hbm>>
        %dma_start3A_38 = tpu.memref_squeeze %dma_start3A_37 : memref<1x64x128xf32, #tpu.memory_space<hbm>> -> memref<64x128xf32, #tpu.memory_space<hbm>>
        %dma_start3A_39 = arith.constant 0 : i32
        %dma_start3A_40 = arith.constant 0 : i32
        %dma_start3A_41 = tpu.memref_slice %arg9[%dma_start3A_39, %dma_start3A_40] : memref<128x128xf32, #tpu.memory_space<vmem>> -> memref<64x128xf32, #tpu.memory_space<vmem>>
        tpu.enqueue_dma source(%dma_start3A_41 : memref<64x128xf32, #tpu.memory_space<vmem>>) target(%dma_start3A_38 : memref<64x128xf32, #tpu.memory_space<hbm>>) target_semaphore(%run_scoped3A : memref<!tpu.dma_semaphore, #tpu.memory_space<semaphore_mem>>)
        %dma_wait3A = arith.constant 0 : i32
        %dma_wait3A_42 = arith.constant 0 : i32
        %dma_wait3A_43 = tpu.memref_slice %arg9[%dma_wait3A, %dma_wait3A_42] : memref<128x128xf32, #tpu.memory_space<vmem>> -> memref<64x128xf32, #tpu.memory_space<vmem>>
        %dma_wait3A_44 = arith.constant 0 : i32
        %dma_wait3A_45 = tpu.memref_slice %arg6[%arg0, %add3A_30, %dma_wait3A_44] : memref<2x10240x128xf32, #tpu.memory_space<hbm>> -> memref<1x64x128xf32, #tpu.memory_space<hbm>>
        %dma_wait3A_46 = tpu.memref_squeeze %dma_wait3A_45 : memref<1x64x128xf32, #tpu.memory_space<hbm>> -> memref<64x128xf32, #tpu.memory_space<hbm>>
        %dma_wait3A_47 = arith.constant 0 : i32
        %dma_wait3A_48 = tpu.memref_slice %arg6[%arg0, %add3A_30, %dma_wait3A_47] : memref<2x10240x128xf32, #tpu.memory_space<hbm>> -> memref<1x64x128xf32, #tpu.memory_space<hbm>>
        %dma_wait3A_49 = tpu.memref_squeeze %dma_wait3A_48 : memref<1x64x128xf32, #tpu.memory_space<hbm>> -> memref<64x128xf32, #tpu.memory_space<hbm>>
        %dma_wait3A_50 = arith.constant 0 : i32
        %dma_wait3A_51 = arith.constant 0 : i32
        %dma_wait3A_52 = tpu.memref_slice %arg9[%dma_wait3A_50, %dma_wait3A_51] : memref<128x128xf32, #tpu.memory_space<vmem>> -> memref<64x128xf32, #tpu.memory_space<vmem>>
        tpu.wait_dma2 semaphore(%run_scoped3A : memref<!tpu.dma_semaphore, #tpu.memory_space<semaphore_mem>>) src(%dma_wait3A_52 : memref<64x128xf32, #tpu.memory_space<vmem>>) dst(%dma_wait3A_49 : memref<64x128xf32, #tpu.memory_space<hbm>>)
        tpu.yield
      }) : () -> ()
    }
    %scan3A_15 = arith.constant 10 : i32
    return
  }
}

#map = affine_map<(d0, d1) -> (0, 0)>
#map1 = affine_map<(d0, d1) -> (0, 0, 0)>
module attributes {stable_mosaic.version = 14 : i64} {
  func.func @seg(%arg0: i32, %arg1: i32, %arg2: memref<10000x128xf32, #tpu.memory_space<hbm>>, %arg3: memref<32x79x128xi32, #tpu.memory_space<hbm>>, %arg4: memref<32x79x128xi32, #tpu.memory_space<hbm>>, %arg5: memref<64x128xf32, #tpu.memory_space<hbm>>, %arg6: memref<2x10240x128xf32, #tpu.memory_space<hbm>>, %arg7: memref<79x128xi32, #tpu.memory_space<vmem>>, %arg8: memref<79x128xi32, #tpu.memory_space<vmem>>, %arg9: memref<128x128xf32, #tpu.memory_space<vmem>>, %arg10: memref<64x128xf32, #tpu.memory_space<vmem>>, %arg11: memref<10240x128xf32, #tpu.memory_space<vmem_shared>>, %arg12: memref<!tpu.dma_semaphore, #tpu.memory_space<semaphore_mem>>) attributes {dimension_semantics = [#tpu.dimension_semantics<core_parallel>, #tpu.dimension_semantics<subcore_parallel>], iteration_bounds = array<i64: 2, 16>, scalar_prefetch = 0 : i64, scratch_operands = 6 : i64, tpu.core_type = #tpu.core_type<sc_vector_subcore>, window_params = [{transform_indices = #map}, {transform_indices = #map1}, {transform_indices = #map1}, {transform_indices = #map}, {transform_indices = #map1}]} {
    %mul3A = arith.constant 16 : i32
    %mul3A_0 = arith.muli %arg0, %mul3A : i32
    %add3A = arith.addi %mul3A_0, %arg1 : i32
    "tpu.region"() ({
      %run_scoped3A = tpu.sem_alloc : memref<!tpu.dma_semaphore, #tpu.memory_space<semaphore_mem>>
      tpu.enqueue_dma source(%arg5 : memref<64x128xf32, #tpu.memory_space<hbm>>) target(%arg10 : memref<64x128xf32, #tpu.memory_space<vmem>>) target_semaphore(%run_scoped3A : memref<!tpu.dma_semaphore, #tpu.memory_space<semaphore_mem>>)
      tpu.wait_dma2 semaphore(%run_scoped3A : memref<!tpu.dma_semaphore, #tpu.memory_space<semaphore_mem>>) src(%arg5 : memref<64x128xf32, #tpu.memory_space<hbm>>) dst(%arg10 : memref<64x128xf32, #tpu.memory_space<vmem>>)
      tpu.yield
    }) : () -> ()
    %scan3A = arith.constant 0 : i32
    %scan3A_1 = arith.constant 10 : i32
    %scan3A_2 = arith.addi %scan3A, %scan3A_1 : i32
    %scan3A_3 = arith.constant 1 : i32
    scf.for %scan3A_16 = %scan3A to %scan3A_2 step %scan3A_3  : i32 {
      %mul3A_17 = arith.constant 1 : i32
      %mul3A_18 = arith.muli %scan3A_16, %mul3A_17 : i32
      %add3A_19 = arith.constant 0 : i32
      %add3A_20 = arith.addi %add3A_19, %mul3A_18 : i32
      %mul3A_21 = arith.constant 640 : i32
      %mul3A_22 = arith.muli %arg1, %mul3A_21 : i32
      %mul3A_23 = arith.constant 64 : i32
      %mul3A_24 = arith.muli %add3A_20, %mul3A_23 : i32
      %add3A_25 = arith.addi %mul3A_22, %mul3A_24 : i32
      "tpu.region"() ({
        %run_scoped3A = tpu.sem_alloc : memref<!tpu.dma_semaphore, #tpu.memory_space<semaphore_mem>>
        %dma_start3A = arith.constant 0 : i32
        %dma_start3A_26 = tpu.memref_slice %arg11[%add3A_25, %dma_start3A] : memref<10240x128xf32, #tpu.memory_space<vmem_shared>> -> memref<64x128xf32, #tpu.memory_space<vmem_shared>>
        %dma_start3A_27 = arith.constant 0 : i32
        %dma_start3A_28 = tpu.memref_slice %arg11[%add3A_25, %dma_start3A_27] : memref<10240x128xf32, #tpu.memory_space<vmem_shared>> -> memref<64x128xf32, #tpu.memory_space<vmem_shared>>
        tpu.enqueue_dma source(%arg10 : memref<64x128xf32, #tpu.memory_space<vmem>>) target(%dma_start3A_28 : memref<64x128xf32, #tpu.memory_space<vmem_shared>>) target_semaphore(%run_scoped3A : memref<!tpu.dma_semaphore, #tpu.memory_space<semaphore_mem>>)
        %dma_wait3A = arith.constant 0 : i32
        %dma_wait3A_29 = tpu.memref_slice %arg11[%add3A_25, %dma_wait3A] : memref<10240x128xf32, #tpu.memory_space<vmem_shared>> -> memref<64x128xf32, #tpu.memory_space<vmem_shared>>
        %dma_wait3A_30 = arith.constant 0 : i32
        %dma_wait3A_31 = tpu.memref_slice %arg11[%add3A_25, %dma_wait3A_30] : memref<10240x128xf32, #tpu.memory_space<vmem_shared>> -> memref<64x128xf32, #tpu.memory_space<vmem_shared>>
        tpu.wait_dma2 semaphore(%run_scoped3A : memref<!tpu.dma_semaphore, #tpu.memory_space<semaphore_mem>>) src(%arg10 : memref<64x128xf32, #tpu.memory_space<vmem>>) dst(%dma_wait3A_31 : memref<64x128xf32, #tpu.memory_space<vmem_shared>>)
        tpu.yield
      }) : () -> ()
    }
    %scan3A_4 = arith.constant 10 : i32
    %barrier3A = arith.constant 0 : index
    tpu.barrier barrier_id(%barrier3A)
    "tpu.region"() ({
      %run_scoped3A = tpu.sem_alloc : memref<!tpu.dma_semaphore, #tpu.memory_space<semaphore_mem>>
      %dma_start3A = arith.constant 0 : i32
      %dma_start3A_16 = arith.constant 0 : i32
      %dma_start3A_17 = tpu.memref_slice %arg3[%add3A, %dma_start3A, %dma_start3A_16] : memref<32x79x128xi32, #tpu.memory_space<hbm>> -> memref<1x79x128xi32, #tpu.memory_space<hbm>>
      %dma_start3A_18 = tpu.memref_squeeze %dma_start3A_17 : memref<1x79x128xi32, #tpu.memory_space<hbm>> -> memref<79x128xi32, #tpu.memory_space<hbm>>
      %dma_start3A_19 = arith.constant 0 : i32
      %dma_start3A_20 = arith.constant 0 : i32
      %dma_start3A_21 = tpu.memref_slice %arg3[%add3A, %dma_start3A_19, %dma_start3A_20] : memref<32x79x128xi32, #tpu.memory_space<hbm>> -> memref<1x79x128xi32, #tpu.memory_space<hbm>>
      %dma_start3A_22 = tpu.memref_squeeze %dma_start3A_21 : memref<1x79x128xi32, #tpu.memory_space<hbm>> -> memref<79x128xi32, #tpu.memory_space<hbm>>
      tpu.enqueue_dma source(%dma_start3A_22 : memref<79x128xi32, #tpu.memory_space<hbm>>) target(%arg7 : memref<79x128xi32, #tpu.memory_space<vmem>>) target_semaphore(%run_scoped3A : memref<!tpu.dma_semaphore, #tpu.memory_space<semaphore_mem>>)
      %dma_wait3A = arith.constant 0 : i32
      %dma_wait3A_23 = arith.constant 0 : i32
      %dma_wait3A_24 = tpu.memref_slice %arg3[%add3A, %dma_wait3A, %dma_wait3A_23] : memref<32x79x128xi32, #tpu.memory_space<hbm>> -> memref<1x79x128xi32, #tpu.memory_space<hbm>>
      %dma_wait3A_25 = tpu.memref_squeeze %dma_wait3A_24 : memref<1x79x128xi32, #tpu.memory_space<hbm>> -> memref<79x128xi32, #tpu.memory_space<hbm>>
      %dma_wait3A_26 = arith.constant 0 : i32
      %dma_wait3A_27 = arith.constant 0 : i32
      %dma_wait3A_28 = tpu.memref_slice %arg3[%add3A, %dma_wait3A_26, %dma_wait3A_27] : memref<32x79x128xi32, #tpu.memory_space<hbm>> -> memref<1x79x128xi32, #tpu.memory_space<hbm>>
      %dma_wait3A_29 = tpu.memref_squeeze %dma_wait3A_28 : memref<1x79x128xi32, #tpu.memory_space<hbm>> -> memref<79x128xi32, #tpu.memory_space<hbm>>
      tpu.wait_dma2 semaphore(%run_scoped3A : memref<!tpu.dma_semaphore, #tpu.memory_space<semaphore_mem>>) src(%dma_wait3A_29 : memref<79x128xi32, #tpu.memory_space<hbm>>) dst(%arg7 : memref<79x128xi32, #tpu.memory_space<vmem>>)
      tpu.yield
    }) : () -> ()
    "tpu.region"() ({
      %run_scoped3A = tpu.sem_alloc : memref<!tpu.dma_semaphore, #tpu.memory_space<semaphore_mem>>
      %dma_start3A = arith.constant 0 : i32
      %dma_start3A_16 = arith.constant 0 : i32
      %dma_start3A_17 = tpu.memref_slice %arg4[%add3A, %dma_start3A, %dma_start3A_16] : memref<32x79x128xi32, #tpu.memory_space<hbm>> -> memref<1x79x128xi32, #tpu.memory_space<hbm>>
      %dma_start3A_18 = tpu.memref_squeeze %dma_start3A_17 : memref<1x79x128xi32, #tpu.memory_space<hbm>> -> memref<79x128xi32, #tpu.memory_space<hbm>>
      %dma_start3A_19 = arith.constant 0 : i32
      %dma_start3A_20 = arith.constant 0 : i32
      %dma_start3A_21 = tpu.memref_slice %arg4[%add3A, %dma_start3A_19, %dma_start3A_20] : memref<32x79x128xi32, #tpu.memory_space<hbm>> -> memref<1x79x128xi32, #tpu.memory_space<hbm>>
      %dma_start3A_22 = tpu.memref_squeeze %dma_start3A_21 : memref<1x79x128xi32, #tpu.memory_space<hbm>> -> memref<79x128xi32, #tpu.memory_space<hbm>>
      tpu.enqueue_dma source(%dma_start3A_22 : memref<79x128xi32, #tpu.memory_space<hbm>>) target(%arg8 : memref<79x128xi32, #tpu.memory_space<vmem>>) target_semaphore(%run_scoped3A : memref<!tpu.dma_semaphore, #tpu.memory_space<semaphore_mem>>)
      %dma_wait3A = arith.constant 0 : i32
      %dma_wait3A_23 = arith.constant 0 : i32
      %dma_wait3A_24 = tpu.memref_slice %arg4[%add3A, %dma_wait3A, %dma_wait3A_23] : memref<32x79x128xi32, #tpu.memory_space<hbm>> -> memref<1x79x128xi32, #tpu.memory_space<hbm>>
      %dma_wait3A_25 = tpu.memref_squeeze %dma_wait3A_24 : memref<1x79x128xi32, #tpu.memory_space<hbm>> -> memref<79x128xi32, #tpu.memory_space<hbm>>
      %dma_wait3A_26 = arith.constant 0 : i32
      %dma_wait3A_27 = arith.constant 0 : i32
      %dma_wait3A_28 = tpu.memref_slice %arg4[%add3A, %dma_wait3A_26, %dma_wait3A_27] : memref<32x79x128xi32, #tpu.memory_space<hbm>> -> memref<1x79x128xi32, #tpu.memory_space<hbm>>
      %dma_wait3A_29 = tpu.memref_squeeze %dma_wait3A_28 : memref<1x79x128xi32, #tpu.memory_space<hbm>> -> memref<79x128xi32, #tpu.memory_space<hbm>>
      tpu.wait_dma2 semaphore(%run_scoped3A : memref<!tpu.dma_semaphore, #tpu.memory_space<semaphore_mem>>) src(%dma_wait3A_29 : memref<79x128xi32, #tpu.memory_space<hbm>>) dst(%arg8 : memref<79x128xi32, #tpu.memory_space<vmem>>)
      tpu.yield
    }) : () -> ()
    %scan3A_5 = arith.constant 0 : i32
    %scan3A_6 = arith.constant 79 : i32
    %scan3A_7 = arith.addi %scan3A_5, %scan3A_6 : i32
    %scan3A_8 = arith.constant 1 : i32
    scf.for %scan3A_16 = %scan3A_5 to %scan3A_7 step %scan3A_8  : i32 {
      %mul3A_17 = arith.constant 1 : i32
      %mul3A_18 = arith.muli %scan3A_16, %mul3A_17 : i32
      %add3A_19 = arith.constant 0 : i32
      %add3A_20 = arith.addi %add3A_19, %mul3A_18 : i32
      %dma_start3A = arith.constant 0 : i32
      %dma_start3A_21 = tpu.memref_slice %arg7[%add3A_20, %dma_start3A] : memref<79x128xi32, #tpu.memory_space<vmem>> -> memref<1x128xi32, #tpu.memory_space<vmem>>
      %dma_start3A_22 = tpu.memref_squeeze %dma_start3A_21 : memref<1x128xi32, #tpu.memory_space<vmem>> -> memref<128xi32, #tpu.memory_space<vmem>>
      %dma_start3A_23 = arith.constant 0 : i32
      %dma_start3A_24 = arith.constant 0 : i32
      %dma_start3A_25 = tpu.memref_slice %arg2[%dma_start3A_23, %dma_start3A_24] : memref<10000x128xf32, #tpu.memory_space<hbm>> -> memref<10000x128xf32, #tpu.memory_space<hbm>>
      tpu.enqueue_indirect_dma source(%dma_start3A_25 : memref<10000x128xf32, #tpu.memory_space<hbm>>) target(%arg9 : memref<128x128xf32, #tpu.memory_space<vmem>>) offsets(%dma_start3A_22 : memref<128xi32, #tpu.memory_space<vmem>>) semaphore(%arg12 : memref<!tpu.dma_semaphore, #tpu.memory_space<semaphore_mem>>)
      %dma_wait3A = arith.constant 0 : i32
      %dma_wait3A_26 = tpu.memref_slice %arg7[%add3A_20, %dma_wait3A] : memref<79x128xi32, #tpu.memory_space<vmem>> -> memref<1x128xi32, #tpu.memory_space<vmem>>
      %dma_wait3A_27 = tpu.memref_squeeze %dma_wait3A_26 : memref<1x128xi32, #tpu.memory_space<vmem>> -> memref<128xi32, #tpu.memory_space<vmem>>
      %dma_wait3A_28 = arith.constant 0 : i32
      %dma_wait3A_29 = arith.constant 0 : i32
      %dma_wait3A_30 = tpu.memref_slice %arg2[%dma_wait3A_28, %dma_wait3A_29] : memref<10000x128xf32, #tpu.memory_space<hbm>> -> memref<10000x128xf32, #tpu.memory_space<hbm>>
      tpu.wait_indirect_dma semaphore(%arg12 : memref<!tpu.dma_semaphore, #tpu.memory_space<semaphore_mem>>) src(%dma_wait3A_30 : memref<10000x128xf32, #tpu.memory_space<hbm>>) dst(%arg9 : memref<128x128xf32, #tpu.memory_space<vmem>>)
      "tpu.region"() ({
        %run_scoped3A = tpu.sem_alloc : memref<!tpu.dma_semaphore, #tpu.memory_space<semaphore_mem>>
        %dma_start3A_31 = arith.constant 0 : i32
        %dma_start3A_32 = tpu.memref_slice %arg8[%add3A_20, %dma_start3A_31] : memref<79x128xi32, #tpu.memory_space<vmem>> -> memref<1x128xi32, #tpu.memory_space<vmem>>
        %dma_start3A_33 = tpu.memref_squeeze %dma_start3A_32 : memref<1x128xi32, #tpu.memory_space<vmem>> -> memref<128xi32, #tpu.memory_space<vmem>>
        %dma_start3A_34 = arith.constant 0 : i32
        %dma_start3A_35 = arith.constant 0 : i32
        %dma_start3A_36 = tpu.memref_slice %arg11[%dma_start3A_34, %dma_start3A_35] : memref<10240x128xf32, #tpu.memory_space<vmem_shared>> -> memref<10240x128xf32, #tpu.memory_space<vmem_shared>>
        tpu.enqueue_indirect_dma source(%arg9 : memref<128x128xf32, #tpu.memory_space<vmem>>) target(%dma_start3A_36 : memref<10240x128xf32, #tpu.memory_space<vmem_shared>>) offsets(%dma_start3A_33 : memref<128xi32, #tpu.memory_space<vmem>>) semaphore(%run_scoped3A : memref<!tpu.dma_semaphore, #tpu.memory_space<semaphore_mem>>) {add = true}
        %dma_wait3A_37 = arith.constant 0 : i32
        %dma_wait3A_38 = tpu.memref_slice %arg8[%add3A_20, %dma_wait3A_37] : memref<79x128xi32, #tpu.memory_space<vmem>> -> memref<1x128xi32, #tpu.memory_space<vmem>>
        %dma_wait3A_39 = tpu.memref_squeeze %dma_wait3A_38 : memref<1x128xi32, #tpu.memory_space<vmem>> -> memref<128xi32, #tpu.memory_space<vmem>>
        %dma_wait3A_40 = arith.constant 0 : i32
        %dma_wait3A_41 = arith.constant 0 : i32
        %dma_wait3A_42 = tpu.memref_slice %arg11[%dma_wait3A_40, %dma_wait3A_41] : memref<10240x128xf32, #tpu.memory_space<vmem_shared>> -> memref<10240x128xf32, #tpu.memory_space<vmem_shared>>
        tpu.wait_indirect_dma semaphore(%run_scoped3A : memref<!tpu.dma_semaphore, #tpu.memory_space<semaphore_mem>>) src(%arg9 : memref<128x128xf32, #tpu.memory_space<vmem>>) dst(%dma_wait3A_42 : memref<10240x128xf32, #tpu.memory_space<vmem_shared>>)
        tpu.yield
      }) : () -> ()
    }
    %scan3A_9 = arith.constant 79 : i32
    %barrier3A_10 = arith.constant 0 : index
    tpu.barrier barrier_id(%barrier3A_10)
    %scan3A_11 = arith.constant 0 : i32
    %scan3A_12 = arith.constant 10 : i32
    %scan3A_13 = arith.addi %scan3A_11, %scan3A_12 : i32
    %scan3A_14 = arith.constant 1 : i32
    scf.for %scan3A_16 = %scan3A_11 to %scan3A_13 step %scan3A_14  : i32 {
      %mul3A_17 = arith.constant 1 : i32
      %mul3A_18 = arith.muli %scan3A_16, %mul3A_17 : i32
      %add3A_19 = arith.constant 0 : i32
      %add3A_20 = arith.addi %add3A_19, %mul3A_18 : i32
      %mul3A_21 = arith.constant 640 : i32
      %mul3A_22 = arith.muli %arg1, %mul3A_21 : i32
      %mul3A_23 = arith.constant 64 : i32
      %mul3A_24 = arith.muli %add3A_20, %mul3A_23 : i32
      %add3A_25 = arith.addi %mul3A_22, %mul3A_24 : i32
      "tpu.region"() ({
        %run_scoped3A = tpu.sem_alloc : memref<!tpu.dma_semaphore, #tpu.memory_space<semaphore_mem>>
        %dma_start3A = arith.constant 0 : i32
        %dma_start3A_31 = arith.constant 0 : i32
        %dma_start3A_32 = tpu.memref_slice %arg9[%dma_start3A, %dma_start3A_31] : memref<128x128xf32, #tpu.memory_space<vmem>> -> memref<64x128xf32, #tpu.memory_space<vmem>>
        %dma_start3A_33 = arith.constant 0 : i32
        %dma_start3A_34 = tpu.memref_slice %arg11[%add3A_25, %dma_start3A_33] : memref<10240x128xf32, #tpu.memory_space<vmem_shared>> -> memref<64x128xf32, #tpu.memory_space<vmem_shared>>
        %dma_start3A_35 = arith.constant 0 : i32
        %dma_start3A_36 = arith.constant 0 : i32
        %dma_start3A_37 = tpu.memref_slice %arg9[%dma_start3A_35, %dma_start3A_36] : memref<128x128xf32, #tpu.memory_space<vmem>> -> memref<64x128xf32, #tpu.memory_space<vmem>>
        %dma_start3A_38 = arith.constant 0 : i32
        %dma_start3A_39 = tpu.memref_slice %arg11[%add3A_25, %dma_start3A_38] : memref<10240x128xf32, #tpu.memory_space<vmem_shared>> -> memref<64x128xf32, #tpu.memory_space<vmem_shared>>
        tpu.enqueue_dma source(%dma_start3A_39 : memref<64x128xf32, #tpu.memory_space<vmem_shared>>) target(%dma_start3A_37 : memref<64x128xf32, #tpu.memory_space<vmem>>) target_semaphore(%run_scoped3A : memref<!tpu.dma_semaphore, #tpu.memory_space<semaphore_mem>>)
        %dma_wait3A = arith.constant 0 : i32
        %dma_wait3A_40 = arith.constant 0 : i32
        %dma_wait3A_41 = tpu.memref_slice %arg9[%dma_wait3A, %dma_wait3A_40] : memref<128x128xf32, #tpu.memory_space<vmem>> -> memref<64x128xf32, #tpu.memory_space<vmem>>
        %dma_wait3A_42 = arith.constant 0 : i32
        %dma_wait3A_43 = tpu.memref_slice %arg11[%add3A_25, %dma_wait3A_42] : memref<10240x128xf32, #tpu.memory_space<vmem_shared>> -> memref<64x128xf32, #tpu.memory_space<vmem_shared>>
        %dma_wait3A_44 = arith.constant 0 : i32
        %dma_wait3A_45 = arith.constant 0 : i32
        %dma_wait3A_46 = tpu.memref_slice %arg9[%dma_wait3A_44, %dma_wait3A_45] : memref<128x128xf32, #tpu.memory_space<vmem>> -> memref<64x128xf32, #tpu.memory_space<vmem>>
        %dma_wait3A_47 = arith.constant 0 : i32
        %dma_wait3A_48 = tpu.memref_slice %arg11[%add3A_25, %dma_wait3A_47] : memref<10240x128xf32, #tpu.memory_space<vmem_shared>> -> memref<64x128xf32, #tpu.memory_space<vmem_shared>>
        tpu.wait_dma2 semaphore(%run_scoped3A : memref<!tpu.dma_semaphore, #tpu.memory_space<semaphore_mem>>) src(%dma_wait3A_48 : memref<64x128xf32, #tpu.memory_space<vmem_shared>>) dst(%dma_wait3A_46 : memref<64x128xf32, #tpu.memory_space<vmem>>)
        tpu.yield
      }) : () -> ()
      %mul3A_26 = arith.constant 640 : i32
      %mul3A_27 = arith.muli %arg1, %mul3A_26 : i32
      %mul3A_28 = arith.constant 64 : i32
      %mul3A_29 = arith.muli %add3A_20, %mul3A_28 : i32
      %add3A_30 = arith.addi %mul3A_27, %mul3A_29 : i32
      "tpu.region"() ({
        %run_scoped3A = tpu.sem_alloc : memref<!tpu.dma_semaphore, #tpu.memory_space<semaphore_mem>>
        %dma_start3A = arith.constant 0 : i32
        %dma_start3A_31 = arith.constant 0 : i32
        %dma_start3A_32 = tpu.memref_slice %arg9[%dma_start3A, %dma_start3A_31] : memref<128x128xf32, #tpu.memory_space<vmem>> -> memref<64x128xf32, #tpu.memory_space<vmem>>
        %dma_start3A_33 = arith.constant 0 : i32
        %dma_start3A_34 = tpu.memref_slice %arg6[%arg0, %add3A_30, %dma_start3A_33] : memref<2x10240x128xf32, #tpu.memory_space<hbm>> -> memref<1x64x128xf32, #tpu.memory_space<hbm>>
        %dma_start3A_35 = tpu.memref_squeeze %dma_start3A_34 : memref<1x64x128xf32, #tpu.memory_space<hbm>> -> memref<64x128xf32, #tpu.memory_space<hbm>>
        %dma_start3A_36 = arith.constant 0 : i32
        %dma_start3A_37 = tpu.memref_slice %arg6[%arg0, %add3A_30, %dma_start3A_36] : memref<2x10240x128xf32, #tpu.memory_space<hbm>> -> memref<1x64x128xf32, #tpu.memory_space<hbm>>
        %dma_start3A_38 = tpu.memref_squeeze %dma_start3A_37 : memref<1x64x128xf32, #tpu.memory_space<hbm>> -> memref<64x128xf32, #tpu.memory_space<hbm>>
        %dma_start3A_39 = arith.constant 0 : i32
        %dma_start3A_40 = arith.constant 0 : i32
        %dma_start3A_41 = tpu.memref_slice %arg9[%dma_start3A_39, %dma_start3A_40] : memref<128x128xf32, #tpu.memory_space<vmem>> -> memref<64x128xf32, #tpu.memory_space<vmem>>
        tpu.enqueue_dma source(%dma_start3A_41 : memref<64x128xf32, #tpu.memory_space<vmem>>) target(%dma_start3A_38 : memref<64x128xf32, #tpu.memory_space<hbm>>) target_semaphore(%run_scoped3A : memref<!tpu.dma_semaphore, #tpu.memory_space<semaphore_mem>>)
        %dma_wait3A = arith.constant 0 : i32
        %dma_wait3A_42 = arith.constant 0 : i32
        %dma_wait3A_43 = tpu.memref_slice %arg9[%dma_wait3A, %dma_wait3A_42] : memref<128x128xf32, #tpu.memory_space<vmem>> -> memref<64x128xf32, #tpu.memory_space<vmem>>
        %dma_wait3A_44 = arith.constant 0 : i32
        %dma_wait3A_45 = tpu.memref_slice %arg6[%arg0, %add3A_30, %dma_wait3A_44] : memref<2x10240x128xf32, #tpu.memory_space<hbm>> -> memref<1x64x128xf32, #tpu.memory_space<hbm>>
        %dma_wait3A_46 = tpu.memref_squeeze %dma_wait3A_45 : memref<1x64x128xf32, #tpu.memory_space<hbm>> -> memref<64x128xf32, #tpu.memory_space<hbm>>
        %dma_wait3A_47 = arith.constant 0 : i32
        %dma_wait3A_48 = tpu.memref_slice %arg6[%arg0, %add3A_30, %dma_wait3A_47] : memref<2x10240x128xf32, #tpu.memory_space<hbm>> -> memref<1x64x128xf32, #tpu.memory_space<hbm>>
        %dma_wait3A_49 = tpu.memref_squeeze %dma_wait3A_48 : memref<1x64x128xf32, #tpu.memory_space<hbm>> -> memref<64x128xf32, #tpu.memory_space<hbm>>
        %dma_wait3A_50 = arith.constant 0 : i32
        %dma_wait3A_51 = arith.constant 0 : i32
        %dma_wait3A_52 = tpu.memref_slice %arg9[%dma_wait3A_50, %dma_wait3A_51] : memref<128x128xf32, #tpu.memory_space<vmem>> -> memref<64x128xf32, #tpu.memory_space<vmem>>
        tpu.wait_dma2 semaphore(%run_scoped3A : memref<!tpu.dma_semaphore, #tpu.memory_space<semaphore_mem>>) src(%dma_wait3A_52 : memref<64x128xf32, #tpu.memory_space<vmem>>) dst(%dma_wait3A_49 : memref<64x128xf32, #tpu.memory_space<hbm>>)
        tpu.yield
      }) : () -> ()
    }
    %scan3A_15 = arith.constant 10 : i32
    return
  }
}

#map = affine_map<(d0, d1) -> (0, 0)>
#map1 = affine_map<(d0, d1) -> (0, 0, 0)>
module attributes {stable_mosaic.version = 14 : i64} {
  func.func @seg(%arg0: i32, %arg1: i32, %arg2: memref<10000x128xf32, #tpu.memory_space<hbm>>, %arg3: memref<32x79x128xi32, #tpu.memory_space<hbm>>, %arg4: memref<32x79x128xi32, #tpu.memory_space<hbm>>, %arg5: memref<64x128xf32, #tpu.memory_space<hbm>>, %arg6: memref<2x10240x128xf32, #tpu.memory_space<hbm>>, %arg7: memref<79x128xi32, #tpu.memory_space<vmem>>, %arg8: memref<79x128xi32, #tpu.memory_space<vmem>>, %arg9: memref<128x128xf32, #tpu.memory_space<vmem>>, %arg10: memref<64x128xf32, #tpu.memory_space<vmem>>, %arg11: memref<10240x128xf32, #tpu.memory_space<vmem_shared>>, %arg12: memref<!tpu.dma_semaphore, #tpu.memory_space<semaphore_mem>>) attributes {dimension_semantics = [#tpu.dimension_semantics<core_parallel>, #tpu.dimension_semantics<subcore_parallel>], iteration_bounds = array<i64: 2, 16>, scalar_prefetch = 0 : i64, scratch_operands = 6 : i64, tpu.core_type = #tpu.core_type<sc_vector_subcore>, window_params = [{transform_indices = #map}, {transform_indices = #map1}, {transform_indices = #map1}, {transform_indices = #map}, {transform_indices = #map1}]} {
    %mul3A = arith.constant 16 : i32
    %mul3A_0 = arith.muli %arg0, %mul3A : i32
    %add3A = arith.addi %mul3A_0, %arg1 : i32
    "tpu.region"() ({
      %run_scoped3A = tpu.sem_alloc : memref<!tpu.dma_semaphore, #tpu.memory_space<semaphore_mem>>
      tpu.enqueue_dma source(%arg5 : memref<64x128xf32, #tpu.memory_space<hbm>>) target(%arg10 : memref<64x128xf32, #tpu.memory_space<vmem>>) target_semaphore(%run_scoped3A : memref<!tpu.dma_semaphore, #tpu.memory_space<semaphore_mem>>)
      tpu.wait_dma2 semaphore(%run_scoped3A : memref<!tpu.dma_semaphore, #tpu.memory_space<semaphore_mem>>) src(%arg5 : memref<64x128xf32, #tpu.memory_space<hbm>>) dst(%arg10 : memref<64x128xf32, #tpu.memory_space<vmem>>)
      tpu.yield
    }) : () -> ()
    %scan3A = arith.constant 0 : i32
    %scan3A_1 = arith.constant 10 : i32
    %scan3A_2 = arith.addi %scan3A, %scan3A_1 : i32
    %scan3A_3 = arith.constant 1 : i32
    scf.for %scan3A_16 = %scan3A to %scan3A_2 step %scan3A_3  : i32 {
      %mul3A_17 = arith.constant 1 : i32
      %mul3A_18 = arith.muli %scan3A_16, %mul3A_17 : i32
      %add3A_19 = arith.constant 0 : i32
      %add3A_20 = arith.addi %add3A_19, %mul3A_18 : i32
      %mul3A_21 = arith.constant 640 : i32
      %mul3A_22 = arith.muli %arg1, %mul3A_21 : i32
      %mul3A_23 = arith.constant 64 : i32
      %mul3A_24 = arith.muli %add3A_20, %mul3A_23 : i32
      %add3A_25 = arith.addi %mul3A_22, %mul3A_24 : i32
      "tpu.region"() ({
        %run_scoped3A = tpu.sem_alloc : memref<!tpu.dma_semaphore, #tpu.memory_space<semaphore_mem>>
        %dma_start3A = arith.constant 0 : i32
        %dma_start3A_26 = tpu.memref_slice %arg11[%add3A_25, %dma_start3A] : memref<10240x128xf32, #tpu.memory_space<vmem_shared>> -> memref<64x128xf32, #tpu.memory_space<vmem_shared>>
        %dma_start3A_27 = arith.constant 0 : i32
        %dma_start3A_28 = tpu.memref_slice %arg11[%add3A_25, %dma_start3A_27] : memref<10240x128xf32, #tpu.memory_space<vmem_shared>> -> memref<64x128xf32, #tpu.memory_space<vmem_shared>>
        tpu.enqueue_dma source(%arg10 : memref<64x128xf32, #tpu.memory_space<vmem>>) target(%dma_start3A_28 : memref<64x128xf32, #tpu.memory_space<vmem_shared>>) target_semaphore(%run_scoped3A : memref<!tpu.dma_semaphore, #tpu.memory_space<semaphore_mem>>)
        %dma_wait3A = arith.constant 0 : i32
        %dma_wait3A_29 = tpu.memref_slice %arg11[%add3A_25, %dma_wait3A] : memref<10240x128xf32, #tpu.memory_space<vmem_shared>> -> memref<64x128xf32, #tpu.memory_space<vmem_shared>>
        %dma_wait3A_30 = arith.constant 0 : i32
        %dma_wait3A_31 = tpu.memref_slice %arg11[%add3A_25, %dma_wait3A_30] : memref<10240x128xf32, #tpu.memory_space<vmem_shared>> -> memref<64x128xf32, #tpu.memory_space<vmem_shared>>
        tpu.wait_dma2 semaphore(%run_scoped3A : memref<!tpu.dma_semaphore, #tpu.memory_space<semaphore_mem>>) src(%arg10 : memref<64x128xf32, #tpu.memory_space<vmem>>) dst(%dma_wait3A_31 : memref<64x128xf32, #tpu.memory_space<vmem_shared>>)
        tpu.yield
      }) : () -> ()
    }
    %scan3A_4 = arith.constant 10 : i32
    %barrier3A = arith.constant 0 : index
    tpu.barrier barrier_id(%barrier3A)
    "tpu.region"() ({
      %run_scoped3A = tpu.sem_alloc : memref<!tpu.dma_semaphore, #tpu.memory_space<semaphore_mem>>
      %dma_start3A = arith.constant 0 : i32
      %dma_start3A_16 = arith.constant 0 : i32
      %dma_start3A_17 = tpu.memref_slice %arg3[%add3A, %dma_start3A, %dma_start3A_16] : memref<32x79x128xi32, #tpu.memory_space<hbm>> -> memref<1x79x128xi32, #tpu.memory_space<hbm>>
      %dma_start3A_18 = tpu.memref_squeeze %dma_start3A_17 : memref<1x79x128xi32, #tpu.memory_space<hbm>> -> memref<79x128xi32, #tpu.memory_space<hbm>>
      %dma_start3A_19 = arith.constant 0 : i32
      %dma_start3A_20 = arith.constant 0 : i32
      %dma_start3A_21 = tpu.memref_slice %arg3[%add3A, %dma_start3A_19, %dma_start3A_20] : memref<32x79x128xi32, #tpu.memory_space<hbm>> -> memref<1x79x128xi32, #tpu.memory_space<hbm>>
      %dma_start3A_22 = tpu.memref_squeeze %dma_start3A_21 : memref<1x79x128xi32, #tpu.memory_space<hbm>> -> memref<79x128xi32, #tpu.memory_space<hbm>>
      tpu.enqueue_dma source(%dma_start3A_22 : memref<79x128xi32, #tpu.memory_space<hbm>>) target(%arg7 : memref<79x128xi32, #tpu.memory_space<vmem>>) target_semaphore(%run_scoped3A : memref<!tpu.dma_semaphore, #tpu.memory_space<semaphore_mem>>)
      %dma_wait3A = arith.constant 0 : i32
      %dma_wait3A_23 = arith.constant 0 : i32
      %dma_wait3A_24 = tpu.memref_slice %arg3[%add3A, %dma_wait3A, %dma_wait3A_23] : memref<32x79x128xi32, #tpu.memory_space<hbm>> -> memref<1x79x128xi32, #tpu.memory_space<hbm>>
      %dma_wait3A_25 = tpu.memref_squeeze %dma_wait3A_24 : memref<1x79x128xi32, #tpu.memory_space<hbm>> -> memref<79x128xi32, #tpu.memory_space<hbm>>
      %dma_wait3A_26 = arith.constant 0 : i32
      %dma_wait3A_27 = arith.constant 0 : i32
      %dma_wait3A_28 = tpu.memref_slice %arg3[%add3A, %dma_wait3A_26, %dma_wait3A_27] : memref<32x79x128xi32, #tpu.memory_space<hbm>> -> memref<1x79x128xi32, #tpu.memory_space<hbm>>
      %dma_wait3A_29 = tpu.memref_squeeze %dma_wait3A_28 : memref<1x79x128xi32, #tpu.memory_space<hbm>> -> memref<79x128xi32, #tpu.memory_space<hbm>>
      tpu.wait_dma2 semaphore(%run_scoped3A : memref<!tpu.dma_semaphore, #tpu.memory_space<semaphore_mem>>) src(%dma_wait3A_29 : memref<79x128xi32, #tpu.memory_space<hbm>>) dst(%arg7 : memref<79x128xi32, #tpu.memory_space<vmem>>)
      tpu.yield
    }) : () -> ()
    "tpu.region"() ({
      %run_scoped3A = tpu.sem_alloc : memref<!tpu.dma_semaphore, #tpu.memory_space<semaphore_mem>>
      %dma_start3A = arith.constant 0 : i32
      %dma_start3A_16 = arith.constant 0 : i32
      %dma_start3A_17 = tpu.memref_slice %arg4[%add3A, %dma_start3A, %dma_start3A_16] : memref<32x79x128xi32, #tpu.memory_space<hbm>> -> memref<1x79x128xi32, #tpu.memory_space<hbm>>
      %dma_start3A_18 = tpu.memref_squeeze %dma_start3A_17 : memref<1x79x128xi32, #tpu.memory_space<hbm>> -> memref<79x128xi32, #tpu.memory_space<hbm>>
      %dma_start3A_19 = arith.constant 0 : i32
      %dma_start3A_20 = arith.constant 0 : i32
      %dma_start3A_21 = tpu.memref_slice %arg4[%add3A, %dma_start3A_19, %dma_start3A_20] : memref<32x79x128xi32, #tpu.memory_space<hbm>> -> memref<1x79x128xi32, #tpu.memory_space<hbm>>
      %dma_start3A_22 = tpu.memref_squeeze %dma_start3A_21 : memref<1x79x128xi32, #tpu.memory_space<hbm>> -> memref<79x128xi32, #tpu.memory_space<hbm>>
      tpu.enqueue_dma source(%dma_start3A_22 : memref<79x128xi32, #tpu.memory_space<hbm>>) target(%arg8 : memref<79x128xi32, #tpu.memory_space<vmem>>) target_semaphore(%run_scoped3A : memref<!tpu.dma_semaphore, #tpu.memory_space<semaphore_mem>>)
      %dma_wait3A = arith.constant 0 : i32
      %dma_wait3A_23 = arith.constant 0 : i32
      %dma_wait3A_24 = tpu.memref_slice %arg4[%add3A, %dma_wait3A, %dma_wait3A_23] : memref<32x79x128xi32, #tpu.memory_space<hbm>> -> memref<1x79x128xi32, #tpu.memory_space<hbm>>
      %dma_wait3A_25 = tpu.memref_squeeze %dma_wait3A_24 : memref<1x79x128xi32, #tpu.memory_space<hbm>> -> memref<79x128xi32, #tpu.memory_space<hbm>>
      %dma_wait3A_26 = arith.constant 0 : i32
      %dma_wait3A_27 = arith.constant 0 : i32
      %dma_wait3A_28 = tpu.memref_slice %arg4[%add3A, %dma_wait3A_26, %dma_wait3A_27] : memref<32x79x128xi32, #tpu.memory_space<hbm>> -> memref<1x79x128xi32, #tpu.memory_space<hbm>>
      %dma_wait3A_29 = tpu.memref_squeeze %dma_wait3A_28 : memref<1x79x128xi32, #tpu.memory_space<hbm>> -> memref<79x128xi32, #tpu.memory_space<hbm>>
      tpu.wait_dma2 semaphore(%run_scoped3A : memref<!tpu.dma_semaphore, #tpu.memory_space<semaphore_mem>>) src(%dma_wait3A_29 : memref<79x128xi32, #tpu.memory_space<hbm>>) dst(%arg8 : memref<79x128xi32, #tpu.memory_space<vmem>>)
      tpu.yield
    }) : () -> ()
    %scan3A_5 = arith.constant 0 : i32
    %scan3A_6 = arith.constant 79 : i32
    %scan3A_7 = arith.addi %scan3A_5, %scan3A_6 : i32
    %scan3A_8 = arith.constant 1 : i32
    scf.for %scan3A_16 = %scan3A_5 to %scan3A_7 step %scan3A_8  : i32 {
      %mul3A_17 = arith.constant 1 : i32
      %mul3A_18 = arith.muli %scan3A_16, %mul3A_17 : i32
      %add3A_19 = arith.constant 0 : i32
      %add3A_20 = arith.addi %add3A_19, %mul3A_18 : i32
      %dma_start3A = arith.constant 0 : i32
      %dma_start3A_21 = tpu.memref_slice %arg7[%add3A_20, %dma_start3A] : memref<79x128xi32, #tpu.memory_space<vmem>> -> memref<1x128xi32, #tpu.memory_space<vmem>>
      %dma_start3A_22 = tpu.memref_squeeze %dma_start3A_21 : memref<1x128xi32, #tpu.memory_space<vmem>> -> memref<128xi32, #tpu.memory_space<vmem>>
      %dma_start3A_23 = arith.constant 0 : i32
      %dma_start3A_24 = arith.constant 0 : i32
      %dma_start3A_25 = tpu.memref_slice %arg2[%dma_start3A_23, %dma_start3A_24] : memref<10000x128xf32, #tpu.memory_space<hbm>> -> memref<10000x128xf32, #tpu.memory_space<hbm>>
      tpu.enqueue_indirect_dma source(%dma_start3A_25 : memref<10000x128xf32, #tpu.memory_space<hbm>>) target(%arg9 : memref<128x128xf32, #tpu.memory_space<vmem>>) offsets(%dma_start3A_22 : memref<128xi32, #tpu.memory_space<vmem>>) semaphore(%arg12 : memref<!tpu.dma_semaphore, #tpu.memory_space<semaphore_mem>>)
      %dma_wait3A = arith.constant 0 : i32
      %dma_wait3A_26 = tpu.memref_slice %arg7[%add3A_20, %dma_wait3A] : memref<79x128xi32, #tpu.memory_space<vmem>> -> memref<1x128xi32, #tpu.memory_space<vmem>>
      %dma_wait3A_27 = tpu.memref_squeeze %dma_wait3A_26 : memref<1x128xi32, #tpu.memory_space<vmem>> -> memref<128xi32, #tpu.memory_space<vmem>>
      %dma_wait3A_28 = arith.constant 0 : i32
      %dma_wait3A_29 = arith.constant 0 : i32
      %dma_wait3A_30 = tpu.memref_slice %arg2[%dma_wait3A_28, %dma_wait3A_29] : memref<10000x128xf32, #tpu.memory_space<hbm>> -> memref<10000x128xf32, #tpu.memory_space<hbm>>
      tpu.wait_indirect_dma semaphore(%arg12 : memref<!tpu.dma_semaphore, #tpu.memory_space<semaphore_mem>>) src(%dma_wait3A_30 : memref<10000x128xf32, #tpu.memory_space<hbm>>) dst(%arg9 : memref<128x128xf32, #tpu.memory_space<vmem>>)
      "tpu.region"() ({
        %run_scoped3A = tpu.sem_alloc : memref<!tpu.dma_semaphore, #tpu.memory_space<semaphore_mem>>
        %dma_start3A_31 = arith.constant 0 : i32
        %dma_start3A_32 = tpu.memref_slice %arg8[%add3A_20, %dma_start3A_31] : memref<79x128xi32, #tpu.memory_space<vmem>> -> memref<1x128xi32, #tpu.memory_space<vmem>>
        %dma_start3A_33 = tpu.memref_squeeze %dma_start3A_32 : memref<1x128xi32, #tpu.memory_space<vmem>> -> memref<128xi32, #tpu.memory_space<vmem>>
        %dma_start3A_34 = arith.constant 0 : i32
        %dma_start3A_35 = arith.constant 0 : i32
        %dma_start3A_36 = tpu.memref_slice %arg11[%dma_start3A_34, %dma_start3A_35] : memref<10240x128xf32, #tpu.memory_space<vmem_shared>> -> memref<10240x128xf32, #tpu.memory_space<vmem_shared>>
        tpu.enqueue_indirect_dma source(%arg9 : memref<128x128xf32, #tpu.memory_space<vmem>>) target(%dma_start3A_36 : memref<10240x128xf32, #tpu.memory_space<vmem_shared>>) offsets(%dma_start3A_33 : memref<128xi32, #tpu.memory_space<vmem>>) semaphore(%run_scoped3A : memref<!tpu.dma_semaphore, #tpu.memory_space<semaphore_mem>>) {add = true}
        %dma_wait3A_37 = arith.constant 0 : i32
        %dma_wait3A_38 = tpu.memref_slice %arg8[%add3A_20, %dma_wait3A_37] : memref<79x128xi32, #tpu.memory_space<vmem>> -> memref<1x128xi32, #tpu.memory_space<vmem>>
        %dma_wait3A_39 = tpu.memref_squeeze %dma_wait3A_38 : memref<1x128xi32, #tpu.memory_space<vmem>> -> memref<128xi32, #tpu.memory_space<vmem>>
        %dma_wait3A_40 = arith.constant 0 : i32
        %dma_wait3A_41 = arith.constant 0 : i32
        %dma_wait3A_42 = tpu.memref_slice %arg11[%dma_wait3A_40, %dma_wait3A_41] : memref<10240x128xf32, #tpu.memory_space<vmem_shared>> -> memref<10240x128xf32, #tpu.memory_space<vmem_shared>>
        tpu.wait_indirect_dma semaphore(%run_scoped3A : memref<!tpu.dma_semaphore, #tpu.memory_space<semaphore_mem>>) src(%arg9 : memref<128x128xf32, #tpu.memory_space<vmem>>) dst(%dma_wait3A_42 : memref<10240x128xf32, #tpu.memory_space<vmem_shared>>)
        tpu.yield
      }) : () -> ()
    }
    %scan3A_9 = arith.constant 79 : i32
    %barrier3A_10 = arith.constant 0 : index
    tpu.barrier barrier_id(%barrier3A_10)
    %scan3A_11 = arith.constant 0 : i32
    %scan3A_12 = arith.constant 10 : i32
    %scan3A_13 = arith.addi %scan3A_11, %scan3A_12 : i32
    %scan3A_14 = arith.constant 1 : i32
    scf.for %scan3A_16 = %scan3A_11 to %scan3A_13 step %scan3A_14  : i32 {
      %mul3A_17 = arith.constant 1 : i32
      %mul3A_18 = arith.muli %scan3A_16, %mul3A_17 : i32
      %add3A_19 = arith.constant 0 : i32
      %add3A_20 = arith.addi %add3A_19, %mul3A_18 : i32
      %mul3A_21 = arith.constant 640 : i32
      %mul3A_22 = arith.muli %arg1, %mul3A_21 : i32
      %mul3A_23 = arith.constant 64 : i32
      %mul3A_24 = arith.muli %add3A_20, %mul3A_23 : i32
      %add3A_25 = arith.addi %mul3A_22, %mul3A_24 : i32
      "tpu.region"() ({
        %run_scoped3A = tpu.sem_alloc : memref<!tpu.dma_semaphore, #tpu.memory_space<semaphore_mem>>
        %dma_start3A = arith.constant 0 : i32
        %dma_start3A_31 = arith.constant 0 : i32
        %dma_start3A_32 = tpu.memref_slice %arg9[%dma_start3A, %dma_start3A_31] : memref<128x128xf32, #tpu.memory_space<vmem>> -> memref<64x128xf32, #tpu.memory_space<vmem>>
        %dma_start3A_33 = arith.constant 0 : i32
        %dma_start3A_34 = tpu.memref_slice %arg11[%add3A_25, %dma_start3A_33] : memref<10240x128xf32, #tpu.memory_space<vmem_shared>> -> memref<64x128xf32, #tpu.memory_space<vmem_shared>>
        %dma_start3A_35 = arith.constant 0 : i32
        %dma_start3A_36 = arith.constant 0 : i32
        %dma_start3A_37 = tpu.memref_slice %arg9[%dma_start3A_35, %dma_start3A_36] : memref<128x128xf32, #tpu.memory_space<vmem>> -> memref<64x128xf32, #tpu.memory_space<vmem>>
        %dma_start3A_38 = arith.constant 0 : i32
        %dma_start3A_39 = tpu.memref_slice %arg11[%add3A_25, %dma_start3A_38] : memref<10240x128xf32, #tpu.memory_space<vmem_shared>> -> memref<64x128xf32, #tpu.memory_space<vmem_shared>>
        tpu.enqueue_dma source(%dma_start3A_39 : memref<64x128xf32, #tpu.memory_space<vmem_shared>>) target(%dma_start3A_37 : memref<64x128xf32, #tpu.memory_space<vmem>>) target_semaphore(%run_scoped3A : memref<!tpu.dma_semaphore, #tpu.memory_space<semaphore_mem>>)
        %dma_wait3A = arith.constant 0 : i32
        %dma_wait3A_40 = arith.constant 0 : i32
        %dma_wait3A_41 = tpu.memref_slice %arg9[%dma_wait3A, %dma_wait3A_40] : memref<128x128xf32, #tpu.memory_space<vmem>> -> memref<64x128xf32, #tpu.memory_space<vmem>>
        %dma_wait3A_42 = arith.constant 0 : i32
        %dma_wait3A_43 = tpu.memref_slice %arg11[%add3A_25, %dma_wait3A_42] : memref<10240x128xf32, #tpu.memory_space<vmem_shared>> -> memref<64x128xf32, #tpu.memory_space<vmem_shared>>
        %dma_wait3A_44 = arith.constant 0 : i32
        %dma_wait3A_45 = arith.constant 0 : i32
        %dma_wait3A_46 = tpu.memref_slice %arg9[%dma_wait3A_44, %dma_wait3A_45] : memref<128x128xf32, #tpu.memory_space<vmem>> -> memref<64x128xf32, #tpu.memory_space<vmem>>
        %dma_wait3A_47 = arith.constant 0 : i32
        %dma_wait3A_48 = tpu.memref_slice %arg11[%add3A_25, %dma_wait3A_47] : memref<10240x128xf32, #tpu.memory_space<vmem_shared>> -> memref<64x128xf32, #tpu.memory_space<vmem_shared>>
        tpu.wait_dma2 semaphore(%run_scoped3A : memref<!tpu.dma_semaphore, #tpu.memory_space<semaphore_mem>>) src(%dma_wait3A_48 : memref<64x128xf32, #tpu.memory_space<vmem_shared>>) dst(%dma_wait3A_46 : memref<64x128xf32, #tpu.memory_space<vmem>>)
        tpu.yield
      }) : () -> ()
      %mul3A_26 = arith.constant 640 : i32
      %mul3A_27 = arith.muli %arg1, %mul3A_26 : i32
      %mul3A_28 = arith.constant 64 : i32
      %mul3A_29 = arith.muli %add3A_20, %mul3A_28 : i32
      %add3A_30 = arith.addi %mul3A_27, %mul3A_29 : i32
      "tpu.region"() ({
        %run_scoped3A = tpu.sem_alloc : memref<!tpu.dma_semaphore, #tpu.memory_space<semaphore_mem>>
        %dma_start3A = arith.constant 0 : i32
        %dma_start3A_31 = arith.constant 0 : i32
        %dma_start3A_32 = tpu.memref_slice %arg9[%dma_start3A, %dma_start3A_31] : memref<128x128xf32, #tpu.memory_space<vmem>> -> memref<64x128xf32, #tpu.memory_space<vmem>>
        %dma_start3A_33 = arith.constant 0 : i32
        %dma_start3A_34 = tpu.memref_slice %arg6[%arg0, %add3A_30, %dma_start3A_33] : memref<2x10240x128xf32, #tpu.memory_space<hbm>> -> memref<1x64x128xf32, #tpu.memory_space<hbm>>
        %dma_start3A_35 = tpu.memref_squeeze %dma_start3A_34 : memref<1x64x128xf32, #tpu.memory_space<hbm>> -> memref<64x128xf32, #tpu.memory_space<hbm>>
        %dma_start3A_36 = arith.constant 0 : i32
        %dma_start3A_37 = tpu.memref_slice %arg6[%arg0, %add3A_30, %dma_start3A_36] : memref<2x10240x128xf32, #tpu.memory_space<hbm>> -> memref<1x64x128xf32, #tpu.memory_space<hbm>>
        %dma_start3A_38 = tpu.memref_squeeze %dma_start3A_37 : memref<1x64x128xf32, #tpu.memory_space<hbm>> -> memref<64x128xf32, #tpu.memory_space<hbm>>
        %dma_start3A_39 = arith.constant 0 : i32
        %dma_start3A_40 = arith.constant 0 : i32
        %dma_start3A_41 = tpu.memref_slice %arg9[%dma_start3A_39, %dma_start3A_40] : memref<128x128xf32, #tpu.memory_space<vmem>> -> memref<64x128xf32, #tpu.memory_space<vmem>>
        tpu.enqueue_dma source(%dma_start3A_41 : memref<64x128xf32, #tpu.memory_space<vmem>>) target(%dma_start3A_38 : memref<64x128xf32, #tpu.memory_space<hbm>>) target_semaphore(%run_scoped3A : memref<!tpu.dma_semaphore, #tpu.memory_space<semaphore_mem>>)
        %dma_wait3A = arith.constant 0 : i32
        %dma_wait3A_42 = arith.constant 0 : i32
        %dma_wait3A_43 = tpu.memref_slice %arg9[%dma_wait3A, %dma_wait3A_42] : memref<128x128xf32, #tpu.memory_space<vmem>> -> memref<64x128xf32, #tpu.memory_space<vmem>>
        %dma_wait3A_44 = arith.constant 0 : i32
        %dma_wait3A_45 = tpu.memref_slice %arg6[%arg0, %add3A_30, %dma_wait3A_44] : memref<2x10240x128xf32, #tpu.memory_space<hbm>> -> memref<1x64x128xf32, #tpu.memory_space<hbm>>
        %dma_wait3A_46 = tpu.memref_squeeze %dma_wait3A_45 : memref<1x64x128xf32, #tpu.memory_space<hbm>> -> memref<64x128xf32, #tpu.memory_space<hbm>>
        %dma_wait3A_47 = arith.constant 0 : i32
        %dma_wait3A_48 = tpu.memref_slice %arg6[%arg0, %add3A_30, %dma_wait3A_47] : memref<2x10240x128xf32, #tpu.memory_space<hbm>> -> memref<1x64x128xf32, #tpu.memory_space<hbm>>
        %dma_wait3A_49 = tpu.memref_squeeze %dma_wait3A_48 : memref<1x64x128xf32, #tpu.memory_space<hbm>> -> memref<64x128xf32, #tpu.memory_space<hbm>>
        %dma_wait3A_50 = arith.constant 0 : i32
        %dma_wait3A_51 = arith.constant 0 : i32
        %dma_wait3A_52 = tpu.memref_slice %arg9[%dma_wait3A_50, %dma_wait3A_51] : memref<128x128xf32, #tpu.memory_space<vmem>> -> memref<64x128xf32, #tpu.memory_space<vmem>>
        tpu.wait_dma2 semaphore(%run_scoped3A : memref<!tpu.dma_semaphore, #tpu.memory_space<semaphore_mem>>) src(%dma_wait3A_52 : memref<64x128xf32, #tpu.memory_space<vmem>>) dst(%dma_wait3A_49 : memref<64x128xf32, #tpu.memory_space<hbm>>)
        tpu.yield
      }) : () -> ()
    }
    %scan3A_15 = arith.constant 10 : i32
    return
  }
}

module attributes {stable_mosaic.version = 14 : i64} {
  func.func @_tc_first_body(%arg0: i32, %arg1: memref<2000x128xf32, #tpu.memory_space<vmem>>, %arg2: memref<128x128xf32, #tpu.memory_space<vmem>>, %arg3: memref<2x2000x128xf32, #tpu.memory_space<vmem>>, %arg4: memref<2000x128xf32, #tpu.memory_space<vmem>>) attributes {dimension_semantics = [#tpu.dimension_semantics<arbitrary>], iteration_bounds = array<i64: 5>, scalar_prefetch = 0 : i64, scratch_operands = 0 : i64, tpu.core_type = #tpu.core_type<tc>, window_params = [{transform_indices = @transform_0, window_bounds = array<i64: 2000, 128>}, {pipeline_mode = #tpu.pipeline_mode<synchronous>, transform_indices = @transform_1, window_bounds = array<i64: 128, 128>}, {transform_indices = @transform_2, window_bounds = array<i64: 2, 2000, 128>}, {transform_indices = @transform_3, window_bounds = array<i64: 2000, 128>}]} {
    %get3A = arith.constant 0 : index
    %get3A_0 = arith.constant 0 : index
    %get3A_1 = arith.constant 0 : index
    %get3A_2 = vector.load %arg3[%get3A, %get3A_0, %get3A_1] : memref<2x2000x128xf32, #tpu.memory_space<vmem>>, vector<2x2000x128xf32>
    %slice3A = vector.extract_strided_slice %get3A_2 {offsets = [0, 0, 0], sizes = [1, 2000, 1], strides = [1, 1, 1]} : vector<2x2000x128xf32> to vector<1x2000x1xf32>
    %squeeze3A = vector.shape_cast %slice3A : vector<1x2000x1xf32> to vector<2000xf32>
    %slice3A_3 = vector.extract_strided_slice %get3A_2 {offsets = [1, 0, 0], sizes = [1, 2000, 1], strides = [1, 1, 1]} : vector<2x2000x128xf32> to vector<1x2000x1xf32>
    %squeeze3A_4 = vector.shape_cast %slice3A_3 : vector<1x2000x1xf32> to vector<2000xf32>
    %add3A = arith.addf %squeeze3A, %squeeze3A_4 : vector<2000xf32>
    %add3A_5 = arith.constant 1.000000e+00 : f32
    %add3A_6 = vector.broadcast %add3A_5 : f32 to vector<2000xf32>
    %add3A_7 = arith.addf %add3A, %add3A_6 : vector<2000xf32>
    %rsqrt3A = math.rsqrt %add3A_7 : vector<2000xf32>
    %get3A_8 = arith.constant 0 : index
    %get3A_9 = arith.constant 0 : index
    %get3A_10 = vector.load %arg1[%get3A_8, %get3A_9] : memref<2000x128xf32, #tpu.memory_space<vmem>>, vector<2000x128xf32>
    %get3A_11 = arith.constant 0 : index
    %get3A_12 = arith.constant 0 : index
    %get3A_13 = vector.load %arg2[%get3A_11, %get3A_12] : memref<128x128xf32, #tpu.memory_space<vmem>>, vector<128x128xf32>
    %dot_general3A = arith.constant dense<0.000000e+00> : vector<2000x128xf32>
    %dot_general3A_14 = tpu.matmul %get3A_10, %get3A_13, %dot_general3A {dimension_numbers = #tpu.dot_dimension_numbers<[1], [0], [0], [1], [0, 0, 1, 1], [], []>, transpose_lhs_hint = false} : vector<2000x128xf32>, vector<128x128xf32>, vector<2000x128xf32> -> vector<2000x128xf32>
    %broadcast_in_dim3A = vector.shape_cast %rsqrt3A : vector<2000xf32> to vector<2000x1xf32>
    %mul3A = vector.broadcast %broadcast_in_dim3A : vector<2000x1xf32> to vector<2000x128xf32>
    %mul3A_15 = arith.mulf %mul3A, %dot_general3A_14 : vector<2000x128xf32>
    %swap3A = arith.constant 0 : index
    %swap3A_16 = arith.constant 0 : index
    %swap3A_17 = vector.load %arg4[%swap3A, %swap3A_16] : memref<2000x128xf32, #tpu.memory_space<vmem>>, vector<2000x128xf32>
    tpu.vector_store %arg4[%swap3A, %swap3A_16], %mul3A_15 {strides = array<i32>} : memref<2000x128xf32, #tpu.memory_space<vmem>>, vector<2000x128xf32>,
    return
  }
  func.func @transform_0(%arg0: i32) -> (i32, i32) {
    %c0_i32 = arith.constant 0 : i32
    %c0_i32_0 = arith.constant 0 : i32
    return %arg0, %c0_i32 : i32, i32
  }
  func.func @transform_1(%arg0: i32) -> (i32, i32) {
    %c0_i32 = arith.constant 0 : i32
    %c0_i32_0 = arith.constant 0 : i32
    %c0_i32_1 = arith.constant 0 : i32
    return %c0_i32, %c0_i32_0 : i32, i32
  }
  func.func @transform_2(%arg0: i32) -> (i32, i32, i32) {
    %c0_i32 = arith.constant 0 : i32
    %c0_i32_0 = arith.constant 0 : i32
    %c0_i32_1 = arith.constant 0 : i32
    return %c0_i32, %arg0, %c0_i32_0 : i32, i32, i32
  }
  func.func @transform_3(%arg0: i32) -> (i32, i32) {
    %c0_i32 = arith.constant 0 : i32
    %c0_i32_0 = arith.constant 0 : i32
    return %arg0, %c0_i32 : i32, i32
  }
}

module attributes {stable_mosaic.version = 14 : i64} {
  func.func @_tc_mid_body(%arg0: i32, %arg1: memref<2x2000x128xf32, #tpu.memory_space<vmem>>, %arg2: memref<2000x128xf32, #tpu.memory_space<vmem>>, %arg3: memref<2x2000x128xf32, #tpu.memory_space<vmem>>, %arg4: memref<1x128xf32, #tpu.memory_space<vmem>>, %arg5: memref<128x128xf32, #tpu.memory_space<vmem>>, %arg6: memref<2000x128xf32, #tpu.memory_space<vmem>>) attributes {dimension_semantics = [#tpu.dimension_semantics<arbitrary>], iteration_bounds = array<i64: 5>, scalar_prefetch = 0 : i64, scratch_operands = 0 : i64, tpu.core_type = #tpu.core_type<tc>, window_params = [{transform_indices = @transform_0, window_bounds = array<i64: 2, 2000, 128>}, {transform_indices = @transform_1, window_bounds = array<i64: 2000, 128>}, {transform_indices = @transform_2, window_bounds = array<i64: 2, 2000, 128>}, {pipeline_mode = #tpu.pipeline_mode<synchronous>, transform_indices = @transform_3, window_bounds = array<i64: 1, 128>}, {pipeline_mode = #tpu.pipeline_mode<synchronous>, transform_indices = @transform_4, window_bounds = array<i64: 128, 128>}, {transform_indices = @transform_5, window_bounds = array<i64: 2000, 128>}]} {
    %get3A = arith.constant 0 : index
    %get3A_0 = arith.constant 0 : index
    %get3A_1 = arith.constant 0 : index
    %get3A_2 = vector.load %arg3[%get3A, %get3A_0, %get3A_1] : memref<2x2000x128xf32, #tpu.memory_space<vmem>>, vector<2x2000x128xf32>
    %slice3A = vector.extract_strided_slice %get3A_2 {offsets = [0, 0, 0], sizes = [1, 2000, 1], strides = [1, 1, 1]} : vector<2x2000x128xf32> to vector<1x2000x1xf32>
    %squeeze3A = vector.shape_cast %slice3A : vector<1x2000x1xf32> to vector<2000xf32>
    %slice3A_3 = vector.extract_strided_slice %get3A_2 {offsets = [1, 0, 0], sizes = [1, 2000, 1], strides = [1, 1, 1]} : vector<2x2000x128xf32> to vector<1x2000x1xf32>
    %squeeze3A_4 = vector.shape_cast %slice3A_3 : vector<1x2000x1xf32> to vector<2000xf32>
    %add3A = arith.addf %squeeze3A, %squeeze3A_4 : vector<2000xf32>
    %add3A_5 = arith.constant 1.000000e+00 : f32
    %add3A_6 = vector.broadcast %add3A_5 : f32 to vector<2000xf32>
    %add3A_7 = arith.addf %add3A, %add3A_6 : vector<2000xf32>
    %rsqrt3A = math.rsqrt %add3A_7 : vector<2000xf32>
    %get3A_8 = arith.constant 0 : index
    %get3A_9 = arith.constant 0 : index
    %get3A_10 = arith.constant 0 : index
    %get3A_11 = vector.load %arg1[%get3A_8, %get3A_9, %get3A_10] : memref<2x2000x128xf32, #tpu.memory_space<vmem>>, vector<1x2000x128xf32>
    %get3A_12 = vector.shape_cast %get3A_11 : vector<1x2000x128xf32> to vector<2000x128xf32>
    %get3A_13 = arith.constant 1 : index
    %get3A_14 = arith.constant 0 : index
    %get3A_15 = arith.constant 0 : index
    %get3A_16 = vector.load %arg1[%get3A_13, %get3A_14, %get3A_15] : memref<2x2000x128xf32, #tpu.memory_space<vmem>>, vector<1x2000x128xf32>
    %get3A_17 = vector.shape_cast %get3A_16 : vector<1x2000x128xf32> to vector<2000x128xf32>
    %add3A_18 = arith.addf %get3A_12, %get3A_17 : vector<2000x128xf32>
    %get3A_19 = arith.constant 0 : index
    %get3A_20 = arith.constant 0 : index
    %get3A_21 = vector.load %arg2[%get3A_19, %get3A_20] : memref<2000x128xf32, #tpu.memory_space<vmem>>, vector<2000x128xf32>
    %add3A_22 = arith.addf %add3A_18, %get3A_21 : vector<2000x128xf32>
    %broadcast_in_dim3A = vector.shape_cast %rsqrt3A : vector<2000xf32> to vector<2000x1xf32>
    %mul3A = vector.broadcast %broadcast_in_dim3A : vector<2000x1xf32> to vector<2000x128xf32>
    %mul3A_23 = arith.mulf %mul3A, %add3A_22 : vector<2000x128xf32>
    %get3A_24 = arith.constant 0 : index
    %get3A_25 = arith.constant 0 : index
    %get3A_26 = vector.load %arg4[%get3A_24, %get3A_25] : memref<1x128xf32, #tpu.memory_space<vmem>>, vector<1x128xf32>
    %get3A_27 = vector.shape_cast %get3A_26 : vector<1x128xf32> to vector<128xf32>
    %broadcast_in_dim3A_28 = vector.shape_cast %get3A_27 : vector<128xf32> to vector<1x128xf32>
    %add3A_29 = vector.broadcast %broadcast_in_dim3A_28 : vector<1x128xf32> to vector<2000x128xf32>
    %add3A_30 = arith.addf %mul3A_23, %add3A_29 : vector<2000x128xf32>
    %max3A = arith.constant 0.000000e+00 : f32
    %max3A_31 = vector.broadcast %max3A : f32 to vector<2000x128xf32>
    %max3A_32 = arith.maximumf %add3A_30, %max3A_31 : vector<2000x128xf32>
    %broadcast_in_dim3A_33 = vector.shape_cast %rsqrt3A : vector<2000xf32> to vector<2000x1xf32>
    %get3A_34 = arith.constant 0 : index
    %get3A_35 = arith.constant 0 : index
    %get3A_36 = vector.load %arg5[%get3A_34, %get3A_35] : memref<128x128xf32, #tpu.memory_space<vmem>>, vector<128x128xf32>
    %dot_general3A = arith.constant dense<0.000000e+00> : vector<2000x128xf32>
    %dot_general3A_37 = tpu.matmul %max3A_32, %get3A_36, %dot_general3A {dimension_numbers = #tpu.dot_dimension_numbers<[1], [0], [0], [1], [0, 0, 1, 1], [], []>, transpose_lhs_hint = false} : vector<2000x128xf32>, vector<128x128xf32>, vector<2000x128xf32> -> vector<2000x128xf32>
    %mul3A_38 = vector.broadcast %broadcast_in_dim3A_33 : vector<2000x1xf32> to vector<2000x128xf32>
    %mul3A_39 = arith.mulf %mul3A_38, %dot_general3A_37 : vector<2000x128xf32>
    %swap3A = arith.constant 0 : index
    %swap3A_40 = arith.constant 0 : index
    %swap3A_41 = vector.load %arg6[%swap3A, %swap3A_40] : memref<2000x128xf32, #tpu.memory_space<vmem>>, vector<2000x128xf32>
    tpu.vector_store %arg6[%swap3A, %swap3A_40], %mul3A_39 {strides = array<i32>} : memref<2000x128xf32, #tpu.memory_space<vmem>>, vector<2000x128xf32>,
    return
  }
  func.func @transform_0(%arg0: i32) -> (i32, i32, i32) {
    %c0_i32 = arith.constant 0 : i32
    %c0_i32_0 = arith.constant 0 : i32
    %c0_i32_1 = arith.constant 0 : i32
    return %c0_i32, %arg0, %c0_i32_0 : i32, i32, i32
  }
  func.func @transform_1(%arg0: i32) -> (i32, i32) {
    %c0_i32 = arith.constant 0 : i32
    %c0_i32_0 = arith.constant 0 : i32
    return %arg0, %c0_i32 : i32, i32
  }
  func.func @transform_2(%arg0: i32) -> (i32, i32, i32) {
    %c0_i32 = arith.constant 0 : i32
    %c0_i32_0 = arith.constant 0 : i32
    %c0_i32_1 = arith.constant 0 : i32
    return %c0_i32, %arg0, %c0_i32_0 : i32, i32, i32
  }
  func.func @transform_3(%arg0: i32) -> (i32, i32) {
    %c0_i32 = arith.constant 0 : i32
    %c0_i32_0 = arith.constant 0 : i32
    %c0_i32_1 = arith.constant 0 : i32
    return %c0_i32, %c0_i32_0 : i32, i32
  }
  func.func @transform_4(%arg0: i32) -> (i32, i32) {
    %c0_i32 = arith.constant 0 : i32
    %c0_i32_0 = arith.constant 0 : i32
    %c0_i32_1 = arith.constant 0 : i32
    return %c0_i32, %c0_i32_0 : i32, i32
  }
  func.func @transform_5(%arg0: i32) -> (i32, i32) {
    %c0_i32 = arith.constant 0 : i32
    %c0_i32_0 = arith.constant 0 : i32
    return %arg0, %c0_i32 : i32, i32
  }
}

module attributes {stable_mosaic.version = 14 : i64} {
  func.func @_tc_last_body(%arg0: i32, %arg1: memref<2x2000x128xf32, #tpu.memory_space<vmem>>, %arg2: memref<2000x128xf32, #tpu.memory_space<vmem>>, %arg3: memref<2x2000x128xf32, #tpu.memory_space<vmem>>, %arg4: memref<1x128xf32, #tpu.memory_space<vmem>>, %arg5: memref<2000x128xf32, #tpu.memory_space<vmem>>) attributes {dimension_semantics = [#tpu.dimension_semantics<arbitrary>], iteration_bounds = array<i64: 5>, scalar_prefetch = 0 : i64, scratch_operands = 0 : i64, tpu.core_type = #tpu.core_type<tc>, window_params = [{transform_indices = @transform_0, window_bounds = array<i64: 2, 2000, 128>}, {transform_indices = @transform_1, window_bounds = array<i64: 2000, 128>}, {transform_indices = @transform_2, window_bounds = array<i64: 2, 2000, 128>}, {pipeline_mode = #tpu.pipeline_mode<synchronous>, transform_indices = @transform_3, window_bounds = array<i64: 1, 128>}, {transform_indices = @transform_4, window_bounds = array<i64: 2000, 128>}]} {
    %get3A = arith.constant 0 : index
    %get3A_0 = arith.constant 0 : index
    %get3A_1 = arith.constant 0 : index
    %get3A_2 = vector.load %arg3[%get3A, %get3A_0, %get3A_1] : memref<2x2000x128xf32, #tpu.memory_space<vmem>>, vector<2x2000x128xf32>
    %slice3A = vector.extract_strided_slice %get3A_2 {offsets = [0, 0, 0], sizes = [1, 2000, 1], strides = [1, 1, 1]} : vector<2x2000x128xf32> to vector<1x2000x1xf32>
    %squeeze3A = vector.shape_cast %slice3A : vector<1x2000x1xf32> to vector<2000xf32>
    %slice3A_3 = vector.extract_strided_slice %get3A_2 {offsets = [1, 0, 0], sizes = [1, 2000, 1], strides = [1, 1, 1]} : vector<2x2000x128xf32> to vector<1x2000x1xf32>
    %squeeze3A_4 = vector.shape_cast %slice3A_3 : vector<1x2000x1xf32> to vector<2000xf32>
    %add3A = arith.addf %squeeze3A, %squeeze3A_4 : vector<2000xf32>
    %add3A_5 = arith.constant 1.000000e+00 : f32
    %add3A_6 = vector.broadcast %add3A_5 : f32 to vector<2000xf32>
    %add3A_7 = arith.addf %add3A, %add3A_6 : vector<2000xf32>
    %rsqrt3A = math.rsqrt %add3A_7 : vector<2000xf32>
    %get3A_8 = arith.constant 0 : index
    %get3A_9 = arith.constant 0 : index
    %get3A_10 = arith.constant 0 : index
    %get3A_11 = vector.load %arg1[%get3A_8, %get3A_9, %get3A_10] : memref<2x2000x128xf32, #tpu.memory_space<vmem>>, vector<1x2000x128xf32>
    %get3A_12 = vector.shape_cast %get3A_11 : vector<1x2000x128xf32> to vector<2000x128xf32>
    %get3A_13 = arith.constant 1 : index
    %get3A_14 = arith.constant 0 : index
    %get3A_15 = arith.constant 0 : index
    %get3A_16 = vector.load %arg1[%get3A_13, %get3A_14, %get3A_15] : memref<2x2000x128xf32, #tpu.memory_space<vmem>>, vector<1x2000x128xf32>
    %get3A_17 = vector.shape_cast %get3A_16 : vector<1x2000x128xf32> to vector<2000x128xf32>
    %add3A_18 = arith.addf %get3A_12, %get3A_17 : vector<2000x128xf32>
    %get3A_19 = arith.constant 0 : index
    %get3A_20 = arith.constant 0 : index
    %get3A_21 = vector.load %arg2[%get3A_19, %get3A_20] : memref<2000x128xf32, #tpu.memory_space<vmem>>, vector<2000x128xf32>
    %add3A_22 = arith.addf %add3A_18, %get3A_21 : vector<2000x128xf32>
    %broadcast_in_dim3A = vector.shape_cast %rsqrt3A : vector<2000xf32> to vector<2000x1xf32>
    %mul3A = vector.broadcast %broadcast_in_dim3A : vector<2000x1xf32> to vector<2000x128xf32>
    %mul3A_23 = arith.mulf %mul3A, %add3A_22 : vector<2000x128xf32>
    %get3A_24 = arith.constant 0 : index
    %get3A_25 = arith.constant 0 : index
    %get3A_26 = vector.load %arg4[%get3A_24, %get3A_25] : memref<1x128xf32, #tpu.memory_space<vmem>>, vector<1x128xf32>
    %get3A_27 = vector.shape_cast %get3A_26 : vector<1x128xf32> to vector<128xf32>
    %broadcast_in_dim3A_28 = vector.shape_cast %get3A_27 : vector<128xf32> to vector<1x128xf32>
    %add3A_29 = vector.broadcast %broadcast_in_dim3A_28 : vector<1x128xf32> to vector<2000x128xf32>
    %add3A_30 = arith.addf %mul3A_23, %add3A_29 : vector<2000x128xf32>
    %swap3A = arith.constant 0 : index
    %swap3A_31 = arith.constant 0 : index
    %swap3A_32 = vector.load %arg5[%swap3A, %swap3A_31] : memref<2000x128xf32, #tpu.memory_space<vmem>>, vector<2000x128xf32>
    tpu.vector_store %arg5[%swap3A, %swap3A_31], %add3A_30 {strides = array<i32>} : memref<2000x128xf32, #tpu.memory_space<vmem>>, vector<2000x128xf32>,
    return
  }
  func.func @transform_0(%arg0: i32) -> (i32, i32, i32) {
    %c0_i32 = arith.constant 0 : i32
    %c0_i32_0 = arith.constant 0 : i32
    %c0_i32_1 = arith.constant 0 : i32
    return %c0_i32, %arg0, %c0_i32_0 : i32, i32, i32
  }
  func.func @transform_1(%arg0: i32) -> (i32, i32) {
    %c0_i32 = arith.constant 0 : i32
    %c0_i32_0 = arith.constant 0 : i32
    return %arg0, %c0_i32 : i32, i32
  }
  func.func @transform_2(%arg0: i32) -> (i32, i32, i32) {
    %c0_i32 = arith.constant 0 : i32
    %c0_i32_0 = arith.constant 0 : i32
    %c0_i32_1 = arith.constant 0 : i32
    return %c0_i32, %arg0, %c0_i32_0 : i32, i32, i32
  }
  func.func @transform_3(%arg0: i32) -> (i32, i32) {
    %c0_i32 = arith.constant 0 : i32
    %c0_i32_0 = arith.constant 0 : i32
    %c0_i32_1 = arith.constant 0 : i32
    return %c0_i32, %c0_i32_0 : i32, i32
  }
  func.func @transform_4(%arg0: i32) -> (i32, i32) {
    %c0_i32 = arith.constant 0 : i32
    %c0_i32_0 = arith.constant 0 : i32
    return %arg0, %c0_i32 : i32, i32
  }
}

</mosaic_0001>

<sc_bundles>
// kernel: kernel.10.cloned.1.call-start
scs
__scs_entry_jumppad:
0x0: {  	(pc) =	sbr.rel $0x88, $3  }
0x1: {  	(tag) =	ssettag $0x0;
	lr =	simm.s32 $0x1  }
0x2: {  	[smem:$0x3F99] =	sst lr;
	_ =	strace $0xD0000000  }
0x3: {  	_ = 	snop  }
0x4: {  	_ = 	snop  }
0x5: {  	_ = 	snop  }
0x6: {  	_ = 	snop  }
0x7: {  	_ = 	snop  }
__scs_overlays_trampoline_lowered:
0x8: {  	[smem:$0x3FA8] =	sst s0  }
0x9: {  	[smem:$0x3FA9] =	sst s1  }
0xa: {  	[smem:$0x3FAA] =	sst s2  }
0xb: {  	[smem:$0x3FAB] =	sst s3  }
0xc: {  	[smem:$0x3FAC] =	sst s4  }
0xd: {  	[smem:$0x3FAD] =	sst s5  }
0xe: {  	[smem:$0x3FAE] =	sst s6  }
0xf: {  	[smem:$0x3FAF] =	sst s7  }
0x10: {  	[smem:$0x3FB0] =	sst s8  }
0x11: {  	[smem:$0x3FB1] =	sst s9;
	s0 =	simm.s32 @!p0 $0x0  }
0x12: {  	s1 =	sld [smem:$0x3F97];
	s0 =	simm.s32 @p0 $0x1  }
0x13: {  	[smem:$0x3FB2] =	sst s0;
	s0 =	simm.s32 @!p1 $0x0  }
0x14: {  	s2 =	sld [smem:$0x3F96];
	s0 =	simm.s32 @p1 $0x1  }
0x15: {  	[smem:$0x3FB3] =	sst s0;
	s0 =	simm.s32 @!p2 $0x0  }
0x16: {  	s3 =	sld [smem:$0x3FDB];
	s0 =	simm.s32 @p2 $0x1  }
0x17: {  	s4 =	simm.s32 $0x1BF5;
	[smem:$0x3FB5] =	sst s0  }
0x18: {  	s0 =	sld [smem:$0x3F98];
	_ =	swait.ge [sflag:s4], $0x0  }
0x19: {  	s7 =	sld [smem:$0x3F99]  }
0x1a: {  	s8 =	sadd.s32 $0xFFFFE003, lr  }
0x1b: {  	s9 =	sadd.s32 $0xFFFFFEF7, lr;
	s5 =	simm.s32 $0xFFFFFFFF;
	p2 =	slt.u32 s8, $0xFFFFF086  }
0x1c: {  	p1 =	slt.u32 s9, $0xF7A;
	s5 =	simm.s32 @!p2 $0x0  }
0x1d: {  	s5 =	simm.s32 @p1 $0x1;
	p0 =	seq.s32 s7, s2  }
0x1e: {  	s7 =	smul.u32 @!p0 $0xF7A, s2;
	p2 =	seq.s32 @!p0 s5, $0x0  }
0x1f: {  	s9 =	smul.u32 $0xF7A, s1;
	s8 =	simm.s32 @!p0 $0x1BF5;
	p2 =	por !p2, p0  }
0x20: {  	[sflag:s8] =	ssyncset.s32 @!p0 $0xFFFFF086;
	s6 =	sadd.s32 @!p0 s3, s7;
	s7 =	simm.s32 @!p0 $0x108  }
0x21: {  	s3 =	sadd.s32 s3, s9;
	s6 =	sadd.s32 @!p0 $0x88, s6;
	s7 =	simm.s32 @p2 $0x1082  }
0x22: {  	[simem:s7], [sflag:s8] =	dma.local @!p0 [hbm:s6], $0xF7A  }
0x23: {  	s9 =	sor.u32 $0xD0000000, s2;
	s6 =	simm.s32 $0x108;
	_ =	swait.ge @!p0 [sflag:s8], $0x0  }
0x24: {  	s3 =	sadd.s32 $0x88, s3;
	s6 =	simm.s32 @!p1 $0x1082;
	[sflag:s4] =	ssyncset.s32 $0xFFFFF086  }
0x25: {  	[simem:s6], [sflag:s4] =	dma.local [hbm:s3], $0xF7A  }
0x26: {  	[smem:$0x3F99] =	sst s1;
	(tag) =	ssettag s2;
	_ =	strace s9  }
0x27: {  	s1 =	sld [smem:$0x3FA9]  }
0x28: {  	s2 =	sld [smem:$0x3FAA]  }
0x29: {  	s4 =	sld [smem:$0x3FAC]  }
0x2a: {  	p0 =	seq.s32 s5, $0x0;
	s5 =	sld [smem:$0x3FAD]  }
0x2b: {  	s6 =	sld [smem:$0x3FAE]  }
0x2c: {  	s7 =	sld [smem:$0x3FAF]  }
0x2d: {  	s3 =	simm.s32 $0x108;
	s8 =	sld [smem:$0x3FB0]  }
0x2e: {  	s3 =	simm.s32 @!p0 $0x1082;
	s9 =	sld [smem:$0x3FB1]  }
0x2f: {  	lr =	sadd.s32 s0, s3;
	s0 =	sld [smem:$0x3FA8]  }
0x30: {  	s3 =	sld [smem:$0x3FAB]  }
0x31: {  	[smem:$0x3FB4] =	sst s10  }
0x32: {  	s10 =	sld [smem:$0x3FB2];
	_ =	sdelay $0x3  }
0x33: {  	p0 =	seq.s32 s10, $0x1;
	s10 =	sld [smem:$0x3FB4];
	_ =	sdelay $0x3  }
0x34: {  	[smem:$0x3FB4] =	sst s10  }
0x35: {  	s10 =	sld [smem:$0x3FB3];
	_ =	sdelay $0x3  }
0x36: {  	p1 =	seq.s32 s10, $0x1;
	s10 =	sld [smem:$0x3FB4];
	_ =	sdelay $0x3  }
0x37: {  	[smem:$0x3FB4] =	sst s10  }
0x38: {  	s10 =	sld [smem:$0x3FB5]  }
0x39: {  	_ = 	snop;
	(pc) =	sbr.ind lr, $3  }
0x3a: {  	_ = 	snop  }
0x3b: {  	_ = 	snop  }
0x3c: {  	p2 =	seq.s32 s10, $0x1;
	s10 =	sld [smem:$0x3FB4]  }
0x3d: {  	_ =	shalt  }
0x3e: {  	_ =	shalt  }
0x3f: {  	_ =	shalt  }
0x40: {  	_ =	shalt  }
0x41: {  	_ =	shalt  }
0x42: {  	_ =	shalt  }
0x43: {  	_ =	shalt  }
0x44: {  	_ =	shalt  }
0x45: {  	_ =	shalt  }
0x46: {  	_ =	shalt  }
0x47: {  	_ =	shalt  }
0x48: {  	_ =	shalt  }
0x49: {  	_ =	shalt  }
0x4a: {  	_ =	shalt  }
0x4b: {  	_ =	shalt  }
0x4c: {  	_ =	shalt  }
0x4d: {  	_ =	shalt  }
0x4e: {  	_ =	shalt  }
0x4f: {  	_ =	shalt  }
0x50: {  	_ =	shalt  }
0x51: {  	_ =	shalt  }
0x52: {  	_ =	shalt  }
0x53: {  	_ =	shalt  }
0x54: {  	_ =	shalt  }
0x55: {  	_ =	shalt  }
0x56: {  	_ =	shalt  }
0x57: {  	_ =	shalt  }
0x58: {  	_ =	shalt  }
0x59: {  	_ =	shalt  }
0x5a: {  	_ =	shalt  }
0x5b: {  	_ =	shalt  }
0x5c: {  	_ =	shalt  }
0x5d: {  	_ =	shalt  }
0x5e: {  	_ =	shalt  }
0x5f: {  	_ =	shalt  }
0x60: {  	_ =	shalt  }
0x61: {  	_ =	shalt  }
0x62: {  	_ =	shalt  }
0x63: {  	_ =	shalt  }
0x64: {  	_ =	shalt  }
0x65: {  	_ =	shalt  }
0x66: {  	_ =	shalt  }
0x67: {  	_ =	shalt  }
0x68: {  	_ =	shalt  }
0x69: {  	_ =	shalt  }
0x6a: {  	_ =	shalt  }
0x6b: {  	_ =	shalt  }
0x6c: {  	_ =	shalt  }
0x6d: {  	_ =	shalt  }
0x6e: {  	_ =	shalt  }
0x6f: {  	_ =	shalt  }
0x70: {  	_ =	shalt  }
0x71: {  	_ =	shalt  }
0x72: {  	_ =	shalt  }
0x73: {  	_ =	shalt  }
0x74: {  	_ =	shalt  }
0x75: {  	_ =	shalt  }
0x76: {  	_ =	shalt  }
0x77: {  	_ =	shalt  }
0x78: {  	_ =	shalt  }
0x79: {  	_ =	shalt  }
0x7a: {  	_ =	shalt  }
0x7b: {  	_ =	shalt  }
0x7c: {  	_ =	shalt  }
0x7d: {  	_ =	shalt  }
0x7e: {  	_ =	shalt  }
0x7f: {  	_ =	shalt  }
0x80: {  	_ =	shalt  }
0x81: {  	_ =	shalt  }
0x82: {  	_ =	shalt  }
0x83: {  	_ =	shalt  }
0x84: {  	_ =	shalt  }
0x85: {  	_ =	shalt  }
0x86: {  	_ =	shalt  }
0x87: {  	_ =	shalt  }
.Lfunc_end0:
.L_simem_size_0:
called_computation_lowered:
.L_overlay_start_0:
0x88: {  	s2 =	sld [smem:$0x3FD9]  }
0x89: {  	s3 =	sld [smem:$0x3FFE];
	_ =	sdelay $0x1  }
0x8a: {  	s1 =	srdreg.scid  }
0x8b: {  	s0 =	sand.u32 $0x1, s1  }
0x8c: {  	s17 =	sshll.u32 s0, $0xA;
	s2 =	sadd.s32 s3, s2  }
0x8d: {  	s2 =	sadd.s32 s2, s17  }
0x8e: {  	[smem:$0x3FC0] =	sst s2  }
0x8f: {  	_ = 	snop  }
0x90: {  	s2 =	sld [smem:$0x3FD0];
	(tm) =	ssettm $0x1  }
0x91: {  	s18 =	sld [smem:$0x3FFB];
	_ =	sdelay $0x3  }
0x92: {  	_ =	strace s18  }
0x93: {  	s3 =	sld [smem:$0x3FFC];
	_ =	sdelay $0x3  }
0x94: {  	_ =	strace s3  }
0x95: {  	s3 =	sld [smem:$0x3FFD];
	_ =	sdelay $0x3  }
0x96: {  	_ =	strace s3  }
0x97: {  	_ =	strace $0x8FFFFFFF  }
0x98: {  	s19 =	sld [smem:$0x3FDB];
	_ =	sdelay $0x1  }
0x99: {  	s4 =	simm.s32 $_scs_section_size  }
0x9a: {  	s5 =	simm.s32 $_size__tile_overlayer_lowered;
	s6 =	simm.s32 $_tile_overlayer_lowered  }
0x9b: {  	s22 =	simm.s32 $0x1BFF;
	s21 =	sshll.u32 s6, $0x1;
	s3 =	sadd.s32 s4, s19  }
0x9c: {  	s7 =	simm.s32 $0x0;
	s20 =	sshll.u32 s5, $0x1;
	s5 =	sadd.s32 s21, s3  }
0x9d: {  	[timem:s7], [sflag:s22] =	dma.local [hbm:s5], s20  }
0x9e: {  	_ =	swait.ge [sflag:s22], s20  }
0x9f: {  	s4 =	ssub.s32 $0x0, s20;
	[sflag:s22] =	ssyncset.done $0x0  }
0xa0: {  	[sflag:s22] =	ssyncadd.s32 s4;
	_ =	sdelay $0x1  }
0xa1: {  	s23 =	simm.s32 $0x1B8B  }
0xa2: {  	_ =	swait.ge [sflag:s23], $0x1  }
0xa3: {  	[sflag:s23] =	ssyncset.done $0x0  }
0xa4: {  	s25 =	simm.s32 $0x1B8E;
	s24 =	sld [smem:$0x3FFE];
	[sflag:s23] =	ssyncadd.s32 $0xFFFFFFFF  }
0xa5: {  	s26 =	simm.s32 $execute0_lowered;
	[smem:$0x3FD2] =	sst s25  }
0xa6: {  	s5 =	sshll.u32 s26, $0x1;
	_ =	strace $0x80000046;
	[dreg:$0x1] =	wrdreg $0xFFFFFFFF  }
0xa7: {  	s28 =	simm.s32 $_size_execute0_lowered;
	s3 =	sadd.s32 s3, s5;
	[dreg:$0x0] =	wrdreg $0x0  }
0xa8: {  	s5 =	sshll.u32 s28, $0x1;
	[dreg:$0x2] =	wrdreg s3  }
0xa9: {  	[dreg:$0x3] =	wrdreg s5  }
0xaa: {  	[dreg:$0x4] =	wrdreg $0xC0  }
0xab: {  	_ =	task [dreg:s7], $0x5FFFF  }
0xac: {  	[dreg:$0x1] =	wrdreg $0xFFFFFFFF  }
0xad: {  	[dreg:$0x0] =	wrdreg $0x60  }
0xae: {  	[dreg:$0x2] =	wrdreg s24  }
0xaf: {  	[dreg:$0x3] =	wrdreg s2  }
0xb0: {  	[dreg:$0x4] =	wrdreg $0xB0000  }
0xb1: {  	[dreg:$0x5] =	wrdreg $0x9  }
0xb2: {  	_ =	task.clear_ibuf [dreg:s7], $0x6FFFF;
	_ =	strace $0x90000046  }
0xb3: {  	s29 =	simm.s32 $0x9;
	_ =	strace $0x80000048  }
0xb4: {  	_ =	swait.ge [sflag:s29], $0x1  }
0xb5: {  	[sflag:s29] =	ssyncadd.s32 $0xFFFFFFFF  }
0xb6: {  	_ =	strace $0x90000048  }
0xb7: {  	_ =	sfence  }
0xb8: {  	s30 =	sld [smem:$0x0];
	_ =	sdelay $0x2  }
0xb9: {  	s31 =	sshll.u32 s1, $0xD;
	s1 =	sshrl.u32 s1, $0x2  }
0xba: {  	s3 =	sand.u32 $0x4000, s31;
	s1 =	sadd.s32 s1, s30  }
0xbb: {  	s0 =	sor.u32 s3, s0;
	s1 =	sshll.u32 s1, $0x11  }
0xbc: {  	s0 =	sor.u32 s1, s0  }
0xbd: {  	s0 =	sadd.s32 $0x8F2B, s0  }
0xbe: {  	[sflag:s0] =	ssyncadd.remote.s32 $0x1  }
0xbf: {  	_ =	sfence.sel $0xFFFF  }
0xc0: {  	[dreg:$0x0] =	wrdreg $0xFFFFFFFF;
	(pc) =	sbr.abs _section_cstart, $3  }
0xc1: {  	[dreg:$0x1] =	wrdreg $0xFFFFFFFF  }
0xc2: {  	_ =	task.clear_ibuf [dreg:s7], $0x2FFFF;
	_ =	strace $0x9FFFFFFF  }
0xc3: {  	(tm) =	ssettm $0x7FFFFFFF  }
tec
execute0_lowered:
.L_overlay_start_1:
0x0: {  	(tag) =	ssettag $0x1  }
0x1: {  	s0 =	rddreg [dreg:$0x0]  }
0x2: {  	s2 =	srdreg.scid;
	s3 =	rddreg [dreg:$0x1]  }
0x3: {  	s1 =	simm.s32 $0x0;
	s15 =	stileid.u32;
	s2 =	sand.u32 $0x1, s2  }
0x4: {  	[smem:$0x7FF] =	sst s1;
	s6 =	smul.u32 $0x14000, s15;
	s7 =	sadd.s32 $0xD600, s0  }
0x5: {  	s4 =	sshll.u32 s2, $0x4;
	s5 =	smul.u32 $0x140000, s2;
	s2 =	ssub.s32 $0x2, s2  }
0x6: {  	s4 =	sor.u32 s15, s4;
	s8 =	sshrl.u32 s2, $0x1;
	s10 =	sor.u32 $0x2000, s6  }
0x7: {  	s12 =	sadd.s32 $0x6000, s6;
	s13 =	sadd.s32 $0x8000, s6;
	s14 =	sadd.s32 $0xA000, s6  }
0x8: {  	s16 =	sadd.s32 $0xC000, s6;
	s28 =	sadd.s32 $0x10000, s6;
	s15 =	smul.u32 $0x50000, s15  }
0x9: {  	s4 =	smul.u32 $0x500, s4;
	s9 =	sadd.s32 s5, s6;
	s2 =	ssub.s32 s2, s8  }
0xa: {  	s19 =	sadd.s32 s5, s10;
	s11 =	sadd.s32 s5, s12;
	s23 =	sadd.s32 s5, s13  }
0xb: {  	s25 =	sadd.s32 s5, s14;
	s26 =	sadd.s32 s5, s16;
	s18 =	sshrl.u32 s9, $0x3  }
0xc: {  	s20 =	sshrl.u32 s19, $0x3;
	s9 =	sadd.s32 $0x4000, s6;
	s22 =	sshrl.u32 s11, $0x3  }
0xd: {  	s24 =	sshrl.u32 s23, $0x3;
	s17 =	sshrl.u32 s26, $0x3;
	s11 =	rddreg [dreg:$0x2]  }
0xe: {  	s23 =	sshrl.u32 s15, $0x2;
	s15 =	sadd.s32 $0xD000, s0;
	s8 =	sadd.s32 s7, s18  }
0xf: {  	s21 =	sadd.s32 s5, s9;
	s18 =	sadd.s32 $0xE000, s6;
	s6 =	sadd.s32 $0x12000, s6  }
0x10: {  	s3 =	sadd.s32 s3, s4;
	s26 =	sadd.s32 s10, s11;
	[dreg:$0x4] =	wrdreg s8  }
0x11: {  	s8 =	sadd.s32 s7, s20;
	s19 =	sadd.s32 s5, s18;
	s29 =	sadd.s32 s6, s11  }
0x12: {  	[dreg:$0x5] =	wrdreg s8;
	s8 =	sshrl.u32 s21, $0x3;
	s20 =	sshrl.u32 s19, $0x3  }
0x13: {  	s21 =	sadd.s32 s5, s28;
	s5 =	sadd.s32 s5, s6;
	s8 =	sadd.s32 s7, s8  }
0x14: {  	s5 =	sshrl.u32 s5, $0x3;
	[dreg:$0x6] =	wrdreg s8;
	s8 =	sadd.s32 s7, s22  }
0x15: {  	s28 =	sadd.s32 s28, s11;
	s5 =	sadd.s32 s7, s5;
	[dreg:$0x7] =	wrdreg s8  }
0x16: {  	s22 =	sadd.s32 s4, s0;
	s8 =	sadd.s32 s7, s24;
	[dreg:$0xd] =	wrdreg s5  }
0x17: {  	s0 =	sadd.s32 $0xD200, s0;
	[dreg:$0x8] =	wrdreg s8;
	s8 =	sshrl.u32 s25, $0x3  }
0x18: {  	s24 =	sadd.s32 $0x3000, s22;
	s22 =	sadd.s32 s12, s11;
	s8 =	sadd.s32 s7, s8  }
0x19: {  	s12 =	simm.s32 $0x5000;
	[dreg:$0x9] =	wrdreg s8;
	s8 =	sadd.s32 s7, s17  }
0x1a: {  	s25 =	smax.u32 s2, $0x1;
	[dreg:$0xa] =	wrdreg s8;
	s8 =	sadd.s32 s7, s20  }
0x1b: {  	s17 =	sadd.s32 s23, s11;
	[dreg:$0xb] =	wrdreg s8;
	s8 =	sshrl.u32 s21, $0x3  }
0x1c: {  	s23 =	sadd.s32 s13, s11;
	s13 =	simm.s32 $0x1;
	s8 =	sadd.s32 s7, s8  }
0x1d: {  	s30 =	sadd.s32 $0x2000, s17;
	s31 =	sadd.s32 $0x4000, s17;
	[dreg:$0xc] =	wrdreg s8  }
0x1e: {  	s10 =	sadd.s32 $0x6000, s17;
	_ =	strace $0x80000047;
	[dreg:$0xe] =	wrdreg s3  }
0x1f: {  	s2 =	sadd.s32 $0xA000, s17;
	s4 =	sadd.s32 $0xE000, s17;
	[dreg:$0xf] =	wrdreg s0  }
0x20: {  	s5 =	sadd.s32 $0x10000, s17;
	s6 =	sadd.s32 $0x12000, s17;
	[dreg:$0x10] =	wrdreg s24  }
0x21: {  	s21 =	sadd.s32 s9, s11;
	s9 =	simm.s32 $0x80;
	[dreg:$0x11] =	wrdreg s25  }
0x22: {  	s7 =	simm.s32 $0x9000;
	s8 =	simm.s32 $0x2;
	[dreg:$0x12] =	wrdreg s26  }
0x23: {  	s24 =	sadd.s32 s14, s11;
	s25 =	sadd.s32 s16, s11;
	s26 =	sadd.s32 s18, s11  }
0x24: {  	s0 =	sadd.s32 $0x8000, s17;
	s3 =	sadd.s32 $0xC000, s17;
	s14 =	simm.s32 $0x0  }
.LBB2_1:
0x25: {  	s16 =	rddreg [dreg:$0xf]  }
0x26: {  	[tilespmem:s7], [sflag:$0x2] =	stream.linear.gather [hbm4b:s16+s1], $0x2000, $0x38;
	[tilespmem:$0x1F000] =	vst v63  }
0x27: {  	_ =	swait.ge [sflag:s8], $0x2000  }
0x28: {  	[sflag:s8] =	ssyncset.done $0x0  }
0x29: {  	[sflag:s8] =	ssyncadd.s32 $0xFFFFE000  }
0x2a: {  	[spmem:s17] =	stream.linear.scatter [tilespmem:s7], [sflag:$0x2], $0x2000, $0x38;
	[tilespmem:$0x1F000] =	vst v63  }
0x2b: {  	_ =	swait.ge [sflag:s8], $0x2000  }
0x2c: {  	[sflag:s8] =	ssyncset.done $0x0  }
0x2d: {  	[sflag:s8] =	ssyncadd.s32 $0xFFFFE000  }
0x2e: {  	[spmem:s30] =	stream.linear.scatter [tilespmem:s7], [sflag:$0x2], $0x2000, $0x38;
	[tilespmem:$0x1F000] =	vst v63  }
0x2f: {  	_ =	swait.ge [sflag:s8], $0x2000  }
0x30: {  	[sflag:s8] =	ssyncset.done $0x0  }
0x31: {  	[sflag:s8] =	ssyncadd.s32 $0xFFFFE000  }
0x32: {  	[spmem:s31] =	stream.linear.scatter [tilespmem:s7], [sflag:$0x2], $0x2000, $0x38;
	[tilespmem:$0x1F000] =	vst v63  }
0x33: {  	_ =	swait.ge [sflag:s8], $0x2000  }
0x34: {  	[sflag:s8] =	ssyncset.done $0x0  }
0x35: {  	[sflag:s8] =	ssyncadd.s32 $0xFFFFE000  }
0x36: {  	[spmem:s10] =	stream.linear.scatter [tilespmem:s7], [sflag:$0x2], $0x2000, $0x38;
	[tilespmem:$0x1F000] =	vst v63  }
0x37: {  	_ =	swait.ge [sflag:s8], $0x2000  }
0x38: {  	[sflag:s8] =	ssyncset.done $0x0  }
0x39: {  	[sflag:s8] =	ssyncadd.s32 $0xFFFFE000  }
0x3a: {  	[spmem:s0] =	stream.linear.scatter [tilespmem:s7], [sflag:$0x2], $0x2000, $0x38;
	[tilespmem:$0x1F000] =	vst v63  }
0x3b: {  	_ =	swait.ge [sflag:s8], $0x2000  }
0x3c: {  	[sflag:s8] =	ssyncset.done $0x0  }
0x3d: {  	[sflag:s8] =	ssyncadd.s32 $0xFFFFE000  }
0x3e: {  	[spmem:s2] =	stream.linear.scatter [tilespmem:s7], [sflag:$0x2], $0x2000, $0x38;
	[tilespmem:$0x1F000] =	vst v63  }
0x3f: {  	_ =	swait.ge [sflag:s8], $0x2000  }
0x40: {  	[sflag:s8] =	ssyncset.done $0x0  }
0x41: {  	[sflag:s8] =	ssyncadd.s32 $0xFFFFE000  }
0x42: {  	[spmem:s3] =	stream.linear.scatter [tilespmem:s7], [sflag:$0x2], $0x2000, $0x38;
	[tilespmem:$0x1F000] =	vst v63  }
0x43: {  	_ =	swait.ge [sflag:s8], $0x2000  }
0x44: {  	[sflag:s8] =	ssyncset.done $0x0  }
0x45: {  	[sflag:s8] =	ssyncadd.s32 $0xFFFFE000  }
0x46: {  	[spmem:s4] =	stream.linear.scatter [tilespmem:s7], [sflag:$0x2], $0x2000, $0x38;
	[tilespmem:$0x1F000] =	vst v63  }
0x47: {  	_ =	swait.ge [sflag:s8], $0x2000  }
0x48: {  	[sflag:s8] =	ssyncset.done $0x0  }
0x49: {  	[sflag:s8] =	ssyncadd.s32 $0xFFFFE000  }
0x4a: {  	[spmem:s5] =	stream.linear.scatter [tilespmem:s7], [sflag:$0x2], $0x2000, $0x38;
	[tilespmem:$0x1F000] =	vst v63  }
0x4b: {  	_ =	swait.ge [sflag:s8], $0x2000  }
0x4c: {  	[sflag:s8] =	ssyncset.done $0x0  }
0x4d: {  	[sflag:s8] =	ssyncadd.s32 $0xFFFFE000  }
0x4e: {  	[spmem:s6] =	stream.linear.scatter [tilespmem:s7], [sflag:$0x2], $0x2000, $0x38;
	[tilespmem:$0x1F000] =	vst v63  }
0x4f: {  	_ =	swait.ge [sflag:s8], $0x2000  }
0x50: {  	[sflag:s8] =	ssyncset.done $0x0  }
0x51: {  	[sflag:s8] =	ssyncadd.s32 $0xFFFFE000  }
0x52: {  	[bflag:$0x0] =	sbarrier.arrive $0xFFFF  }
0x53: {  	s19 =	rddreg [dreg:$0xe]  }
0x54: {  	[tilespmem:s1], [sflag:$0x2] =	stream.linear.gather [hbm4b:s19+s1], $0x2780, $0x38;
	[tilespmem:$0x1F000] =	vst v63  }
0x55: {  	_ =	swait.ge [sflag:s8], $0x2780  }
0x56: {  	[sflag:s8] =	ssyncset.done $0x0  }
0x57: {  	s18 =	simm.s32 $0x2800;
	s20 =	rddreg [dreg:$0x10];
	[sflag:s8] =	ssyncadd.s32 $0xFFFFD880  }
0x58: {  	[tilespmem:s18], [sflag:$0x2] =	stream.linear.gather [hbm4b:s20+s1], $0x2780, $0x38;
	[tilespmem:$0x1F000] =	vst v63  }
0x59: {  	_ =	swait.ge [sflag:s8], $0x2780  }
0x5a: {  	[sflag:s8] =	ssyncset.done $0x0  }
0x5b: {  	s19 =	simm.s32 $0x0;
	[sflag:s8] =	ssyncadd.s32 $0xFFFFD880  }
0x5c: {  	[tilespmem:s12], [sflag:$0x1] =	stream.indirect.gather [hbm4b:s15+s9], $0x80, s19, s9, $0xb8;
	[tilespmem:$0x1F000] =	vst v63  }
0x5d: {  	_ =	swait.ge [sflag:s13], $0x4000  }
0x5e: {  	[sflag:s13] =	ssyncset.done $0x0  }
0x5f: {  	s20 =	simm.s32 $0x2800;
	[sflag:s13] =	ssyncadd.s32 $0xFFFFC000  }
0x60: {  	[spmem:s11] =	stream.indirect.scatter.add.f32 [tilespmem:s12], [sflag:$0x2], $0x80, s20, s9, $0xb8;
	[tilespmem:$0x1F000] =	vst v63  }
0x61: {  	_ =	swait.ge [sflag:s8], $0x4000  }
0x62: {  	s16 =	simm.s32 $0x200;
	s18 =	simm.s32 $0x400;
	[sflag:s8] =	ssyncset.done $0x0  }
.LBB2_2:
0x63: {  	s19 =	sshra.s32 s16, $0x2  }
0x64: {  	[sflag:s8] =	ssyncadd.s32 $0xFFFFC000;
	s16 =	smov.u32 s18;
	s20 =	sadd.s32 $0x200, s18  }
0x65: {  	[tilespmem:s12], [sflag:$0x1] =	stream.indirect.gather [hbm4b:s15+s9], $0x80, s19, s9, $0xb8;
	[tilespmem:$0x1F000] =	vst v63  }
0x66: {  	p0 =	sne.s32 s18, $0x9C00;
	_ =	swait.ge [sflag:s13], $0x4000  }
.Ltmp0:
0x67: {  	[sflag:s13] =	ssyncset.done $0x0;
	(pc) =	sbr.rel @p0 .LBB2_2-.Ltmp0, $4  }
0x68: {  	s18 =	sadd.s32 $0x2800, s19;
	[sflag:s13] =	ssyncadd.s32 $0xFFFFC000  }
0x69: {  	[spmem:s11] =	stream.indirect.scatter.add.f32 [tilespmem:s12], [sflag:$0x2], $0x80, s18, s9, $0xb8;
	[tilespmem:$0x1F000] =	vst v63  }
0x6a: {  	_ =	swait.ge [sflag:s8], $0x4000  }
0x6b: {  	s18 =	smov.u32 s20;
	[sflag:s8] =	ssyncset.done $0x0  }
0x6c: {  	s16 =	sshra.s32 s16, $0x2;
	[sflag:s8] =	ssyncadd.s32 $0xFFFFC000  }
0x6d: {  	[tilespmem:s12], [sflag:$0x1] =	stream.indirect.gather [hbm4b:s15+s9], $0x80, s16, s9, $0xb8;
	[tilespmem:$0x1F000] =	vst v63  }
0x6e: {  	_ =	swait.ge [sflag:s13], $0x4000  }
0x6f: {  	[sflag:s13] =	ssyncset.done $0x0  }
0x70: {  	s16 =	sadd.s32 $0x2800, s16;
	[sflag:s13] =	ssyncadd.s32 $0xFFFFC000  }
0x71: {  	[spmem:s11] =	stream.indirect.scatter.add.f32 [tilespmem:s12], [sflag:$0x2], $0x80, s16, s9, $0xb8;
	[tilespmem:$0x1F000] =	vst v63  }
0x72: {  	_ =	swait.ge [sflag:s8], $0x4000  }
0x73: {  	[sflag:s8] =	ssyncset.done $0x0  }
0x74: {  	[sflag:s8] =	ssyncadd.s32 $0xFFFFC000  }
0x75: {  	[bflag:$0x0] =	sbarrier.arrive $0xFFFF  }
0x76: {  	[tilespmem:s12], [sflag:$0x2] =	stream.linear.gather [spmem:s17], $0x2000, $0x38;
	[tilespmem:$0x1F000] =	vst v63  }
0x77: {  	_ =	swait.ge [sflag:s8], $0x2000  }
0x78: {  	[sflag:s8] =	ssyncset.done $0x0  }
0x79: {  	s18 =	rddreg [dreg:$0x4];
	[sflag:s8] =	ssyncadd.s32 $0xFFFFE000  }
0x7a: {  	[hbm4b:s18+s1] =	stream.linear.scatter [tilespmem:s12], [sflag:$0x2], $0x2000, $0x38;
	[tilespmem:$0x1F000] =	vst v63  }
0x7b: {  	_ =	swait.ge [sflag:s8], $0x2000  }
0x7c: {  	[sflag:s8] =	ssyncset.done $0x0  }
0x7d: {  	s19 =	rddreg [dreg:$0x12];
	[sflag:s8] =	ssyncadd.s32 $0xFFFFE000  }
0x7e: {  	[tilespmem:s12], [sflag:$0x2] =	stream.linear.gather [spmem:s19], $0x2000, $0x38;
	[tilespmem:$0x1F000] =	vst v63  }
0x7f: {  	_ =	swait.ge [sflag:s8], $0x2000  }
0x80: {  	[sflag:s8] =	ssyncset.done $0x0  }
0x81: {  	s20 =	rddreg [dreg:$0x5];
	[sflag:s8] =	ssyncadd.s32 $0xFFFFE000  }
0x82: {  	[hbm4b:s20+s1] =	stream.linear.scatter [tilespmem:s12], [sflag:$0x2], $0x2000, $0x38;
	[tilespmem:$0x1F000] =	vst v63  }
0x83: {  	_ =	swait.ge [sflag:s8], $0x2000  }
0x84: {  	[sflag:s8] =	ssyncset.done $0x0  }
0x85: {  	[sflag:s8] =	ssyncadd.s32 $0xFFFFE000  }
0x86: {  	[tilespmem:s12], [sflag:$0x2] =	stream.linear.gather [spmem:s21], $0x2000, $0x38;
	[tilespmem:$0x1F000] =	vst v63  }
0x87: {  	_ =	swait.ge [sflag:s8], $0x2000  }
0x88: {  	[sflag:s8] =	ssyncset.done $0x0  }
0x89: {  	s18 =	rddreg [dreg:$0x6];
	[sflag:s8] =	ssyncadd.s32 $0xFFFFE000  }
0x8a: {  	[hbm4b:s18+s1] =	stream.linear.scatter [tilespmem:s12], [sflag:$0x2], $0x2000, $0x38;
	[tilespmem:$0x1F000] =	vst v63  }
0x8b: {  	_ =	swait.ge [sflag:s8], $0x2000  }
0x8c: {  	[sflag:s8] =	ssyncset.done $0x0  }
0x8d: {  	[sflag:s8] =	ssyncadd.s32 $0xFFFFE000  }
0x8e: {  	[tilespmem:s12], [sflag:$0x2] =	stream.linear.gather [spmem:s22], $0x2000, $0x38;
	[tilespmem:$0x1F000] =	vst v63  }
0x8f: {  	_ =	swait.ge [sflag:s8], $0x2000  }
0x90: {  	[sflag:s8] =	ssyncset.done $0x0  }
0x91: {  	s19 =	rddreg [dreg:$0x7];
	[sflag:s8] =	ssyncadd.s32 $0xFFFFE000  }
0x92: {  	[hbm4b:s19+s1] =	stream.linear.scatter [tilespmem:s12], [sflag:$0x2], $0x2000, $0x38;
	[tilespmem:$0x1F000] =	vst v63  }
0x93: {  	_ =	swait.ge [sflag:s8], $0x2000  }
0x94: {  	[sflag:s8] =	ssyncset.done $0x0  }
0x95: {  	[sflag:s8] =	ssyncadd.s32 $0xFFFFE000  }
0x96: {  	[tilespmem:s12], [sflag:$0x2] =	stream.linear.gather [spmem:s23], $0x2000, $0x38;
	[tilespmem:$0x1F000] =	vst v63  }
0x97: {  	_ =	swait.ge [sflag:s8], $0x2000  }
0x98: {  	[sflag:s8] =	ssyncset.done $0x0  }
0x99: {  	s20 =	rddreg [dreg:$0x8];
	[sflag:s8] =	ssyncadd.s32 $0xFFFFE000  }
0x9a: {  	[hbm4b:s20+s1] =	stream.linear.scatter [tilespmem:s12], [sflag:$0x2], $0x2000, $0x38;
	[tilespmem:$0x1F000] =	vst v63  }
0x9b: {  	_ =	swait.ge [sflag:s8], $0x2000  }
0x9c: {  	[sflag:s8] =	ssyncset.done $0x0  }
0x9d: {  	[sflag:s8] =	ssyncadd.s32 $0xFFFFE000  }
0x9e: {  	[tilespmem:s12], [sflag:$0x2] =	stream.linear.gather [spmem:s24], $0x2000, $0x38;
	[tilespmem:$0x1F000] =	vst v63  }
0x9f: {  	_ =	swait.ge [sflag:s8], $0x2000  }
0xa0: {  	[sflag:s8] =	ssyncset.done $0x0  }
0xa1: {  	s18 =	rddreg [dreg:$0x9];
	[sflag:s8] =	ssyncadd.s32 $0xFFFFE000  }
0xa2: {  	[hbm4b:s18+s1] =	stream.linear.scatter [tilespmem:s12], [sflag:$0x2], $0x2000, $0x38;
	[tilespmem:$0x1F000] =	vst v63  }
0xa3: {  	_ =	swait.ge [sflag:s8], $0x2000  }
0xa4: {  	[sflag:s8] =	ssyncset.done $0x0  }
0xa5: {  	[sflag:s8] =	ssyncadd.s32 $0xFFFFE000  }
0xa6: {  	[tilespmem:s12], [sflag:$0x2] =	stream.linear.gather [spmem:s25], $0x2000, $0x38;
	[tilespmem:$0x1F000] =	vst v63  }
0xa7: {  	_ =	swait.ge [sflag:s8], $0x2000  }
0xa8: {  	[sflag:s8] =	ssyncset.done $0x0  }
0xa9: {  	s19 =	rddreg [dreg:$0xa];
	[sflag:s8] =	ssyncadd.s32 $0xFFFFE000  }
0xaa: {  	[hbm4b:s19+s1] =	stream.linear.scatter [tilespmem:s12], [sflag:$0x2], $0x2000, $0x38;
	[tilespmem:$0x1F000] =	vst v63  }
0xab: {  	_ =	swait.ge [sflag:s8], $0x2000  }
0xac: {  	[sflag:s8] =	ssyncset.done $0x0  }
0xad: {  	[sflag:s8] =	ssyncadd.s32 $0xFFFFE000  }
0xae: {  	[tilespmem:s12], [sflag:$0x2] =	stream.linear.gather [spmem:s26], $0x2000, $0x38;
	[tilespmem:$0x1F000] =	vst v63  }
0xaf: {  	_ =	swait.ge [sflag:s8], $0x2000  }
0xb0: {  	[sflag:s8] =	ssyncset.done $0x0  }
0xb1: {  	s20 =	rddreg [dreg:$0xb];
	[sflag:s8] =	ssyncadd.s32 $0xFFFFE000  }
0xb2: {  	[hbm4b:s20+s1] =	stream.linear.scatter [tilespmem:s12], [sflag:$0x2], $0x2000, $0x38;
	[tilespmem:$0x1F000] =	vst v63  }
0xb3: {  	_ =	swait.ge [sflag:s8], $0x2000  }
0xb4: {  	[sflag:s8] =	ssyncset.done $0x0  }
0xb5: {  	[sflag:s8] =	ssyncadd.s32 $0xFFFFE000  }
0xb6: {  	[tilespmem:s12], [sflag:$0x2] =	stream.linear.gather [spmem:s28], $0x2000, $0x38;
	[tilespmem:$0x1F000] =	vst v63  }
0xb7: {  	_ =	swait.ge [sflag:s8], $0x2000  }
0xb8: {  	[sflag:s8] =	ssyncset.done $0x0  }
0xb9: {  	s18 =	rddreg [dreg:$0xc];
	[sflag:s8] =	ssyncadd.s32 $0xFFFFE000  }
0xba: {  	[hbm4b:s18+s1] =	stream.linear.scatter [tilespmem:s12], [sflag:$0x2], $0x2000, $0x38;
	[tilespmem:$0x1F000] =	vst v63  }
0xbb: {  	_ =	swait.ge [sflag:s8], $0x2000  }
0xbc: {  	[sflag:s8] =	ssyncset.done $0x0  }
0xbd: {  	[sflag:s8] =	ssyncadd.s32 $0xFFFFE000  }
0xbe: {  	[tilespmem:s12], [sflag:$0x2] =	stream.linear.gather [spmem:s29], $0x2000, $0x38;
	[tilespmem:$0x1F000] =	vst v63  }
0xbf: {  	_ =	swait.ge [sflag:s8], $0x2000  }
0xc0: {  	[sflag:s8] =	ssyncset.done $0x0  }
0xc1: {  	s19 =	rddreg [dreg:$0xd];
	[sflag:s8] =	ssyncadd.s32 $0xFFFFE000  }
0xc2: {  	[hbm4b:s19+s1] =	stream.linear.scatter [tilespmem:s12], [sflag:$0x2], $0x2000, $0x38;
	[tilespmem:$0x1F000] =	vst v63  }
0xc3: {  	_ =	swait.ge [sflag:s8], $0x2000  }
0xc4: {  	s14 =	sadd.s32 $0x1, s14;
	s20 =	rddreg [dreg:$0x11]  }
0xc5: {  	p0 =	sne.s32 s14, s20  }
.Ltmp1:
0xc6: {  	_ = 	snop;
	(pc) =	sbr.rel @p0 .LBB2_1-.Ltmp1, $3  }
0xc7: {  	_ =	sdelay $0x1  }
0xc8: {  	[sflag:s8] =	ssyncset.done $0x0  }
0xc9: {  	[sflag:s8] =	ssyncadd.s32 $0xFFFFE000  }
0xca: {  	_ =	sfence.sel $0x180000  }
0xcb: {  	[bflag:$0x0] =	sbarrier.arrive $0xFFFF  }
0xcc: {  	_ =	strace $0x90000047  }
0xcd: {  	s0 =	stileid.u32;
	[bflag:$0x2] =	sbarrier.arrive $0xFFFF  }
0xce: {  	p0 =	sne.s32 s0, $0x0;
	s0 =	rddreg [dreg:$0x3]  }
0xcf: {  	s0 =	sadd.s32 @!p0 $0x100000, s0  }
0xd0: {  	[sflag:s0] =	ssyncadd.tile.s32 @!p0 $0x1;
	_ =	shalt  }
.Lfunc_end2:
_tile_overlayer_lowered:
.L_overlay_start_2:
0xd1: {  	(tag) =	ssettag $0x2  }
0xd2: {  	s0 =	rddreg [dreg:$0x0];
	s2 =	stileid.u32  }
0xd3: {  	s1 =	rddreg [dreg:$0x1];
	p0 =	sne.s32 s2, $0x0  }
0xd4: {  	s3 =	rddreg [dreg:$0x2];
	[bflag:$0x3] =	sbarrier.arrive $0xFFFF;
	s2 =	simm.s32 @!p0 $0x1C02  }
0xd5: {  	[timem:s3], [sflag:s2] =	dma.local @!p0 [hbm:s0], s1  }
0xd6: {  	s0 =	simm.s32 @!p0 $0x2  }
0xd7: {  	_ =	swait.ge @!p0 [sflag:s0], s1  }
0xd8: {  	s1 =	ssub.s32 @!p0 $0x0, s1;
	[sflag:s0] =	ssyncset.done @!p0 $0x0  }
0xd9: {  	[sflag:s0] =	ssyncadd.s32 @!p0 s1  }
0xda: {  	[bflag:$0x3] =	sbarrier.arrive $0xFFFF  }
0xdb: {  	_ =	shalt  }

// kernel: kernel.13.cloned.1.call-start
scs
__scs_entry_jumppad:
0x0: {  	(pc) =	sbr.rel $0x88, $3  }
0x1: {  	(tag) =	ssettag $0x0;
	lr =	simm.s32 $0x1  }
0x2: {  	[smem:$0x3F99] =	sst lr;
	_ =	strace $0xD0000000  }
0x3: {  	_ = 	snop  }
0x4: {  	_ = 	snop  }
0x5: {  	_ = 	snop  }
0x6: {  	_ = 	snop  }
0x7: {  	_ = 	snop  }
__scs_overlays_trampoline_lowered:
0x8: {  	[smem:$0x3FA8] =	sst s0  }
0x9: {  	[smem:$0x3FA9] =	sst s1  }
0xa: {  	[smem:$0x3FAA] =	sst s2  }
0xb: {  	[smem:$0x3FAB] =	sst s3  }
0xc: {  	[smem:$0x3FAC] =	sst s4  }
0xd: {  	[smem:$0x3FAD] =	sst s5  }
0xe: {  	[smem:$0x3FAE] =	sst s6  }
0xf: {  	[smem:$0x3FAF] =	sst s7  }
0x10: {  	[smem:$0x3FB0] =	sst s8  }
0x11: {  	[smem:$0x3FB1] =	sst s9;
	s0 =	simm.s32 @!p0 $0x0  }
0x12: {  	s1 =	sld [smem:$0x3F97];
	s0 =	simm.s32 @p0 $0x1  }
0x13: {  	[smem:$0x3FB2] =	sst s0;
	s0 =	simm.s32 @!p1 $0x0  }
0x14: {  	s2 =	sld [smem:$0x3F96];
	s0 =	simm.s32 @p1 $0x1  }
0x15: {  	[smem:$0x3FB3] =	sst s0;
	s0 =	simm.s32 @!p2 $0x0  }
0x16: {  	s3 =	sld [smem:$0x3FDB];
	s0 =	simm.s32 @p2 $0x1  }
0x17: {  	s4 =	simm.s32 $0x1BF5;
	[smem:$0x3FB5] =	sst s0  }
0x18: {  	s0 =	sld [smem:$0x3F98];
	_ =	swait.ge [sflag:s4], $0x0  }
0x19: {  	s7 =	sld [smem:$0x3F99]  }
0x1a: {  	s8 =	sadd.s32 $0xFFFFE003, lr  }
0x1b: {  	s9 =	sadd.s32 $0xFFFFFEF7, lr;
	s5 =	simm.s32 $0xFFFFFFFF;
	p2 =	slt.u32 s8, $0xFFFFF086  }
0x1c: {  	p1 =	slt.u32 s9, $0xF7A;
	s5 =	simm.s32 @!p2 $0x0  }
0x1d: {  	s5 =	simm.s32 @p1 $0x1;
	p0 =	seq.s32 s7, s2  }
0x1e: {  	s7 =	smul.u32 @!p0 $0xF7A, s2;
	p2 =	seq.s32 @!p0 s5, $0x0  }
0x1f: {  	s9 =	smul.u32 $0xF7A, s1;
	s8 =	simm.s32 @!p0 $0x1BF5;
	p2 =	por !p2, p0  }
0x20: {  	[sflag:s8] =	ssyncset.s32 @!p0 $0xFFFFF086;
	s6 =	sadd.s32 @!p0 s3, s7;
	s7 =	simm.s32 @!p0 $0x108  }
0x21: {  	s3 =	sadd.s32 s3, s9;
	s6 =	sadd.s32 @!p0 $0x88, s6;
	s7 =	simm.s32 @p2 $0x1082  }
0x22: {  	[simem:s7], [sflag:s8] =	dma.local @!p0 [hbm:s6], $0xF7A  }
0x23: {  	s9 =	sor.u32 $0xD0000000, s2;
	s6 =	simm.s32 $0x108;
	_ =	swait.ge @!p0 [sflag:s8], $0x0  }
0x24: {  	s3 =	sadd.s32 $0x88, s3;
	s6 =	simm.s32 @!p1 $0x1082;
	[sflag:s4] =	ssyncset.s32 $0xFFFFF086  }
0x25: {  	[simem:s6], [sflag:s4] =	dma.local [hbm:s3], $0xF7A  }
0x26: {  	[smem:$0x3F99] =	sst s1;
	(tag) =	ssettag s2;
	_ =	strace s9  }
0x27: {  	s1 =	sld [smem:$0x3FA9]  }
0x28: {  	s2 =	sld [smem:$0x3FAA]  }
0x29: {  	s4 =	sld [smem:$0x3FAC]  }
0x2a: {  	p0 =	seq.s32 s5, $0x0;
	s5 =	sld [smem:$0x3FAD]  }
0x2b: {  	s6 =	sld [smem:$0x3FAE]  }
0x2c: {  	s7 =	sld [smem:$0x3FAF]  }
0x2d: {  	s3 =	simm.s32 $0x108;
	s8 =	sld [smem:$0x3FB0]  }
0x2e: {  	s3 =	simm.s32 @!p0 $0x1082;
	s9 =	sld [smem:$0x3FB1]  }
0x2f: {  	lr =	sadd.s32 s0, s3;
	s0 =	sld [smem:$0x3FA8]  }
0x30: {  	s3 =	sld [smem:$0x3FAB]  }
0x31: {  	[smem:$0x3FB4] =	sst s10  }
0x32: {  	s10 =	sld [smem:$0x3FB2];
	_ =	sdelay $0x3  }
0x33: {  	p0 =	seq.s32 s10, $0x1;
	s10 =	sld [smem:$0x3FB4];
	_ =	sdelay $0x3  }
0x34: {  	[smem:$0x3FB4] =	sst s10  }
0x35: {  	s10 =	sld [smem:$0x3FB3];
	_ =	sdelay $0x3  }
0x36: {  	p1 =	seq.s32 s10, $0x1;
	s10 =	sld [smem:$0x3FB4];
	_ =	sdelay $0x3  }
0x37: {  	[smem:$0x3FB4] =	sst s10  }
0x38: {  	s10 =	sld [smem:$0x3FB5]  }
0x39: {  	_ = 	snop;
	(pc) =	sbr.ind lr, $3  }
0x3a: {  	_ = 	snop  }
0x3b: {  	_ = 	snop  }
0x3c: {  	p2 =	seq.s32 s10, $0x1;
	s10 =	sld [smem:$0x3FB4]  }
0x3d: {  	_ =	shalt  }
0x3e: {  	_ =	shalt  }
0x3f: {  	_ =	shalt  }
0x40: {  	_ =	shalt  }
0x41: {  	_ =	shalt  }
0x42: {  	_ =	shalt  }
0x43: {  	_ =	shalt  }
0x44: {  	_ =	shalt  }
0x45: {  	_ =	shalt  }
0x46: {  	_ =	shalt  }
0x47: {  	_ =	shalt  }
0x48: {  	_ =	shalt  }
0x49: {  	_ =	shalt  }
0x4a: {  	_ =	shalt  }
0x4b: {  	_ =	shalt  }
0x4c: {  	_ =	shalt  }
0x4d: {  	_ =	shalt  }
0x4e: {  	_ =	shalt  }
0x4f: {  	_ =	shalt  }
0x50: {  	_ =	shalt  }
0x51: {  	_ =	shalt  }
0x52: {  	_ =	shalt  }
0x53: {  	_ =	shalt  }
0x54: {  	_ =	shalt  }
0x55: {  	_ =	shalt  }
0x56: {  	_ =	shalt  }
0x57: {  	_ =	shalt  }
0x58: {  	_ =	shalt  }
0x59: {  	_ =	shalt  }
0x5a: {  	_ =	shalt  }
0x5b: {  	_ =	shalt  }
0x5c: {  	_ =	shalt  }
0x5d: {  	_ =	shalt  }
0x5e: {  	_ =	shalt  }
0x5f: {  	_ =	shalt  }
0x60: {  	_ =	shalt  }
0x61: {  	_ =	shalt  }
0x62: {  	_ =	shalt  }
0x63: {  	_ =	shalt  }
0x64: {  	_ =	shalt  }
0x65: {  	_ =	shalt  }
0x66: {  	_ =	shalt  }
0x67: {  	_ =	shalt  }
0x68: {  	_ =	shalt  }
0x69: {  	_ =	shalt  }
0x6a: {  	_ =	shalt  }
0x6b: {  	_ =	shalt  }
0x6c: {  	_ =	shalt  }
0x6d: {  	_ =	shalt  }
0x6e: {  	_ =	shalt  }
0x6f: {  	_ =	shalt  }
0x70: {  	_ =	shalt  }
0x71: {  	_ =	shalt  }
0x72: {  	_ =	shalt  }
0x73: {  	_ =	shalt  }
0x74: {  	_ =	shalt  }
0x75: {  	_ =	shalt  }
0x76: {  	_ =	shalt  }
0x77: {  	_ =	shalt  }
0x78: {  	_ =	shalt  }
0x79: {  	_ =	shalt  }
0x7a: {  	_ =	shalt  }
0x7b: {  	_ =	shalt  }
0x7c: {  	_ =	shalt  }
0x7d: {  	_ =	shalt  }
0x7e: {  	_ =	shalt  }
0x7f: {  	_ =	shalt  }
0x80: {  	_ =	shalt  }
0x81: {  	_ =	shalt  }
0x82: {  	_ =	shalt  }
0x83: {  	_ =	shalt  }
0x84: {  	_ =	shalt  }
0x85: {  	_ =	shalt  }
0x86: {  	_ =	shalt  }
0x87: {  	_ =	shalt  }
.Lfunc_end0:
.L_simem_size_0:
called_computation.1_lowered:
.L_overlay_start_0:
0x88: {  	s2 =	sld [smem:$0x3FD9]  }
0x89: {  	s3 =	sld [smem:$0x3FFE];
	_ =	sdelay $0x1  }
0x8a: {  	s1 =	srdreg.scid  }
0x8b: {  	s0 =	sand.u32 $0x1, s1  }
0x8c: {  	s17 =	sshll.u32 s0, $0xA;
	s2 =	sadd.s32 s3, s2  }
0x8d: {  	s2 =	sadd.s32 s2, s17  }
0x8e: {  	[smem:$0x3FC0] =	sst s2  }
0x8f: {  	_ = 	snop  }
0x90: {  	s2 =	sld [smem:$0x3FD0];
	(tm) =	ssettm $0x1  }
0x91: {  	s18 =	sld [smem:$0x3FFB];
	_ =	sdelay $0x3  }
0x92: {  	_ =	strace s18  }
0x93: {  	s3 =	sld [smem:$0x3FFC];
	_ =	sdelay $0x3  }
0x94: {  	_ =	strace s3  }
0x95: {  	s3 =	sld [smem:$0x3FFD];
	_ =	sdelay $0x3  }
0x96: {  	_ =	strace s3  }
0x97: {  	_ =	strace $0x8FFFFFFF  }
0x98: {  	s19 =	sld [smem:$0x3FDB];
	_ =	sdelay $0x1  }
0x99: {  	s4 =	simm.s32 $_scs_section_size  }
0x9a: {  	s5 =	simm.s32 $_size__tile_overlayer_lowered;
	s6 =	simm.s32 $_tile_overlayer_lowered  }
0x9b: {  	s22 =	simm.s32 $0x1BFF;
	s21 =	sshll.u32 s6, $0x1;
	s3 =	sadd.s32 s4, s19  }
0x9c: {  	s7 =	simm.s32 $0x0;
	s20 =	sshll.u32 s5, $0x1;
	s5 =	sadd.s32 s21, s3  }
0x9d: {  	[timem:s7], [sflag:s22] =	dma.local [hbm:s5], s20  }
0x9e: {  	_ =	swait.ge [sflag:s22], s20  }
0x9f: {  	s4 =	ssub.s32 $0x0, s20;
	[sflag:s22] =	ssyncset.done $0x0  }
0xa0: {  	[sflag:s22] =	ssyncadd.s32 s4;
	_ =	sdelay $0x1  }
0xa1: {  	s23 =	simm.s32 $0x1B8B  }
0xa2: {  	_ =	swait.ge [sflag:s23], $0x1  }
0xa3: {  	[sflag:s23] =	ssyncset.done $0x0  }
0xa4: {  	s25 =	simm.s32 $0x1B8E;
	s24 =	sld [smem:$0x3FFE];
	[sflag:s23] =	ssyncadd.s32 $0xFFFFFFFF  }
0xa5: {  	s26 =	simm.s32 $execute0_lowered;
	[smem:$0x3FD2] =	sst s25  }
0xa6: {  	s5 =	sshll.u32 s26, $0x1;
	_ =	strace $0x80000049;
	[dreg:$0x1] =	wrdreg $0xFFFFFFFF  }
0xa7: {  	s28 =	simm.s32 $_size_execute0_lowered;
	s3 =	sadd.s32 s3, s5;
	[dreg:$0x0] =	wrdreg $0x0  }
0xa8: {  	s5 =	sshll.u32 s28, $0x1;
	[dreg:$0x2] =	wrdreg s3  }
0xa9: {  	[dreg:$0x3] =	wrdreg s5  }
0xaa: {  	[dreg:$0x4] =	wrdreg $0xC0  }
0xab: {  	_ =	task [dreg:s7], $0x5FFFF  }
0xac: {  	[dreg:$0x1] =	wrdreg $0xFFFFFFFF  }
0xad: {  	[dreg:$0x0] =	wrdreg $0x60  }
0xae: {  	[dreg:$0x2] =	wrdreg s2  }
0xaf: {  	[dreg:$0x3] =	wrdreg s24  }
0xb0: {  	[dreg:$0x4] =	wrdreg $0xB0000  }
0xb1: {  	[dreg:$0x5] =	wrdreg $0x9  }
0xb2: {  	_ =	task.clear_ibuf [dreg:s7], $0x6FFFF;
	_ =	strace $0x90000049  }
0xb3: {  	s29 =	simm.s32 $0x9;
	_ =	strace $0x8000004B  }
0xb4: {  	_ =	swait.ge [sflag:s29], $0x1  }
0xb5: {  	[sflag:s29] =	ssyncadd.s32 $0xFFFFFFFF  }
0xb6: {  	_ =	strace $0x9000004B  }
0xb7: {  	_ =	sfence  }
0xb8: {  	s30 =	sld [smem:$0x0];
	_ =	sdelay $0x2  }
0xb9: {  	s31 =	sshll.u32 s1, $0xD;
	s1 =	sshrl.u32 s1, $0x2  }
0xba: {  	s3 =	sand.u32 $0x4000, s31;
	s1 =	sadd.s32 s1, s30  }
0xbb: {  	s0 =	sor.u32 s3, s0;
	s1 =	sshll.u32 s1, $0x11  }
0xbc: {  	s0 =	sor.u32 s1, s0  }
0xbd: {  	s0 =	sadd.s32 $0x8F2B, s0  }
0xbe: {  	[sflag:s0] =	ssyncadd.remote.s32 $0x1  }
0xbf: {  	_ =	sfence.sel $0xFFFF  }
0xc0: {  	[dreg:$0x0] =	wrdreg $0xFFFFFFFF;
	(pc) =	sbr.abs _section_cstart, $3  }
0xc1: {  	[dreg:$0x1] =	wrdreg $0xFFFFFFFF  }
0xc2: {  	_ =	task.clear_ibuf [dreg:s7], $0x2FFFF;
	_ =	strace $0x9FFFFFFF  }
0xc3: {  	(tm) =	ssettm $0x7FFFFFFF  }
tec
execute0_lowered:
.L_overlay_start_1:
0x0: {  	(tag) =	ssettag $0x1  }
0x1: {  	s1 =	rddreg [dreg:$0x0];
	s0 =	srdreg.scid  }
0x2: {  	s3 =	rddreg [dreg:$0x1];
	s16 =	stileid.u32;
	s2 =	simm.s32 $0x0  }
0x3: {  	s0 =	sand.u32 $0x1, s0;
	s6 =	smul.u32 $0x14000, s16;
	[smem:$0x7FF] =	sst s2  }
0x4: {  	s4 =	sshll.u32 s0, $0x4;
	s5 =	smul.u32 $0x140000, s0;
	s0 =	ssub.s32 $0x2, s0  }
0x5: {  	s7 =	sadd.s32 $0x67600, s3;
	s4 =	sor.u32 s16, s4;
	s8 =	sshrl.u32 s0, $0x1  }
0x6: {  	s10 =	sadd.s32 $0x4000, s6;
	s13 =	sadd.s32 $0x6000, s6;
	s16 =	smul.u32 $0x50000, s16  }
0x7: {  	s4 =	smul.u32 $0x500, s4;
	s9 =	sadd.s32 s5, s6;
	s0 =	ssub.s32 s0, s8  }
0x8: {  	s11 =	sadd.s32 s5, s10;
	s12 =	sadd.s32 s5, s13;
	s25 =	sshrl.u32 s9, $0x3  }
0x9: {  	s9 =	sor.u32 $0x2000, s6;
	s11 =	sshrl.u32 s11, $0x3;
	s14 =	sshrl.u32 s12, $0x3  }
0xa: {  	s23 =	sshrl.u32 s16, $0x2;
	s8 =	sadd.s32 s7, s25;
	s26 =	sadd.s32 s5, s9  }
0xb: {  	s0 =	smax.u32 s0, $0x1;
	[dreg:$0x4] =	wrdreg s8;
	s8 =	sshrl.u32 s26, $0x3  }
0xc: {  	s4 =	sadd.s32 s4, s3;
	s3 =	sadd.s32 $0xD200, s3;
	s8 =	sadd.s32 s7, s8  }
0xd: {  	s24 =	sadd.s32 $0x5D600, s4;
	[dreg:$0x5] =	wrdreg s8;
	s8 =	sadd.s32 s7, s11  }
0xe: {  	s11 =	sadd.s32 $0x8000, s6;
	[dreg:$0x6] =	wrdreg s8;
	s8 =	sadd.s32 s7, s14  }
0xf: {  	s15 =	sadd.s32 s5, s11;
	s14 =	sadd.s32 $0xA000, s6;
	[dreg:$0x7] =	wrdreg s8  }
0x10: {  	s8 =	sshrl.u32 s15, $0x3;
	s12 =	sadd.s32 s5, s14;
	s15 =	sadd.s32 $0xC000, s6  }
0x11: {  	s8 =	sadd.s32 s7, s8;
	s17 =	sshrl.u32 s12, $0x3;
	s12 =	rddreg [dreg:$0x2]  }
0x12: {  	s25 =	sadd.s32 $0x3000, s4;
	s18 =	sadd.s32 s5, s15;
	[dreg:$0x8] =	wrdreg s8  }
0x13: {  	s8 =	sadd.s32 s7, s17;
	s19 =	sshrl.u32 s18, $0x3;
	s17 =	sadd.s32 $0xE000, s6  }
0x14: {  	s18 =	sadd.s32 $0x10000, s6;
	s6 =	sadd.s32 $0x12000, s6;
	s16 =	sadd.s32 s23, s12  }
0x15: {  	s26 =	sadd.s32 s9, s12;
	s23 =	sadd.s32 s11, s12;
	s9 =	simm.s32 $0x2  }
0x16: {  	[dreg:$0x9] =	wrdreg s8;
	s8 =	sadd.s32 s7, s19;
	s20 =	sadd.s32 s5, s17  }
0x17: {  	s21 =	sadd.s32 s5, s18;
	s5 =	sadd.s32 s5, s6;
	s28 =	sadd.s32 s18, s12  }
0x18: {  	s29 =	sadd.s32 s6, s12;
	[dreg:$0xa] =	wrdreg s8;
	s8 =	sshrl.u32 s20, $0x3  }
0x19: {  	s30 =	sadd.s32 $0x2000, s16;
	s5 =	sshrl.u32 s5, $0x3;
	s8 =	sadd.s32 s7, s8  }
0x1a: {  	s22 =	sshrl.u32 s21, $0x3;
	s5 =	sadd.s32 s7, s5;
	[dreg:$0xb] =	wrdreg s8  }
0x1b: {  	s31 =	sadd.s32 $0x4000, s16;
	s8 =	sadd.s32 s7, s22;
	[dreg:$0xd] =	wrdreg s5  }
0x1c: {  	s11 =	sadd.s32 $0x6000, s16;
	s4 =	sadd.s32 $0xC000, s16;
	[dreg:$0xc] =	wrdreg s8  }
0x1d: {  	s6 =	sadd.s32 $0x10000, s16;
	_ =	strace $0x8000004A;
	[dreg:$0xe] =	wrdreg s3  }
0x1e: {  	s21 =	sadd.s32 s10, s12;
	s10 =	simm.s32 $0x80;
	[dreg:$0xf] =	wrdreg s24  }
0x1f: {  	s22 =	sadd.s32 s13, s12;
	s5 =	sadd.s32 $0xE000, s16;
	[dreg:$0x10] =	wrdreg s25  }
0x20: {  	s7 =	sadd.s32 $0x12000, s16;
	s13 =	simm.s32 $0x5000;
	[dreg:$0x11] =	wrdreg s0  }
0x21: {  	s8 =	simm.s32 $0x9000;
	[dreg:$0x12] =	wrdreg s26;
	s24 =	sadd.s32 s14, s12  }
0x22: {  	s25 =	sadd.s32 s15, s12;
	s26 =	sadd.s32 s17, s12;
	s0 =	sadd.s32 $0x8000, s16  }
0x23: {  	s3 =	sadd.s32 $0xA000, s16;
	s14 =	simm.s32 $0x1;
	s15 =	simm.s32 $0x0  }
.LBB2_1:
0x24: {  	s17 =	rddreg [dreg:$0xe]  }
0x25: {  	[tilespmem:s8], [sflag:$0x2] =	stream.linear.gather [hbm4b:s17+s2], $0x2000, $0x38;
	[tilespmem:$0x1F000] =	vst v63  }
0x26: {  	_ =	swait.ge [sflag:s9], $0x2000  }
0x27: {  	[sflag:s9] =	ssyncset.done $0x0  }
0x28: {  	[sflag:s9] =	ssyncadd.s32 $0xFFFFE000  }
0x29: {  	[spmem:s16] =	stream.linear.scatter [tilespmem:s8], [sflag:$0x2], $0x2000, $0x38;
	[tilespmem:$0x1F000] =	vst v63  }
0x2a: {  	_ =	swait.ge [sflag:s9], $0x2000  }
0x2b: {  	[sflag:s9] =	ssyncset.done $0x0  }
0x2c: {  	[sflag:s9] =	ssyncadd.s32 $0xFFFFE000  }
0x2d: {  	[spmem:s30] =	stream.linear.scatter [tilespmem:s8], [sflag:$0x2], $0x2000, $0x38;
	[tilespmem:$0x1F000] =	vst v63  }
0x2e: {  	_ =	swait.ge [sflag:s9], $0x2000  }
0x2f: {  	[sflag:s9] =	ssyncset.done $0x0  }
0x30: {  	[sflag:s9] =	ssyncadd.s32 $0xFFFFE000  }
0x31: {  	[spmem:s31] =	stream.linear.scatter [tilespmem:s8], [sflag:$0x2], $0x2000, $0x38;
	[tilespmem:$0x1F000] =	vst v63  }
0x32: {  	_ =	swait.ge [sflag:s9], $0x2000  }
0x33: {  	[sflag:s9] =	ssyncset.done $0x0  }
0x34: {  	[sflag:s9] =	ssyncadd.s32 $0xFFFFE000  }
0x35: {  	[spmem:s11] =	stream.linear.scatter [tilespmem:s8], [sflag:$0x2], $0x2000, $0x38;
	[tilespmem:$0x1F000] =	vst v63  }
0x36: {  	_ =	swait.ge [sflag:s9], $0x2000  }
0x37: {  	[sflag:s9] =	ssyncset.done $0x0  }
0x38: {  	[sflag:s9] =	ssyncadd.s32 $0xFFFFE000  }
0x39: {  	[spmem:s0] =	stream.linear.scatter [tilespmem:s8], [sflag:$0x2], $0x2000, $0x38;
	[tilespmem:$0x1F000] =	vst v63  }
0x3a: {  	_ =	swait.ge [sflag:s9], $0x2000  }
0x3b: {  	[sflag:s9] =	ssyncset.done $0x0  }
0x3c: {  	[sflag:s9] =	ssyncadd.s32 $0xFFFFE000  }
0x3d: {  	[spmem:s3] =	stream.linear.scatter [tilespmem:s8], [sflag:$0x2], $0x2000, $0x38;
	[tilespmem:$0x1F000] =	vst v63  }
0x3e: {  	_ =	swait.ge [sflag:s9], $0x2000  }
0x3f: {  	[sflag:s9] =	ssyncset.done $0x0  }
0x40: {  	[sflag:s9] =	ssyncadd.s32 $0xFFFFE000  }
0x41: {  	[spmem:s4] =	stream.linear.scatter [tilespmem:s8], [sflag:$0x2], $0x2000, $0x38;
	[tilespmem:$0x1F000] =	vst v63  }
0x42: {  	_ =	swait.ge [sflag:s9], $0x2000  }
0x43: {  	[sflag:s9] =	ssyncset.done $0x0  }
0x44: {  	[sflag:s9] =	ssyncadd.s32 $0xFFFFE000  }
0x45: {  	[spmem:s5] =	stream.linear.scatter [tilespmem:s8], [sflag:$0x2], $0x2000, $0x38;
	[tilespmem:$0x1F000] =	vst v63  }
0x46: {  	_ =	swait.ge [sflag:s9], $0x2000  }
0x47: {  	[sflag:s9] =	ssyncset.done $0x0  }
0x48: {  	[sflag:s9] =	ssyncadd.s32 $0xFFFFE000  }
0x49: {  	[spmem:s6] =	stream.linear.scatter [tilespmem:s8], [sflag:$0x2], $0x2000, $0x38;
	[tilespmem:$0x1F000] =	vst v63  }
0x4a: {  	_ =	swait.ge [sflag:s9], $0x2000  }
0x4b: {  	[sflag:s9] =	ssyncset.done $0x0  }
0x4c: {  	[sflag:s9] =	ssyncadd.s32 $0xFFFFE000  }
0x4d: {  	[spmem:s7] =	stream.linear.scatter [tilespmem:s8], [sflag:$0x2], $0x2000, $0x38;
	[tilespmem:$0x1F000] =	vst v63  }
0x4e: {  	_ =	swait.ge [sflag:s9], $0x2000  }
0x4f: {  	[sflag:s9] =	ssyncset.done $0x0  }
0x50: {  	[sflag:s9] =	ssyncadd.s32 $0xFFFFE000  }
0x51: {  	[bflag:$0x0] =	sbarrier.arrive $0xFFFF  }
0x52: {  	s19 =	rddreg [dreg:$0xf]  }
0x53: {  	[tilespmem:s2], [sflag:$0x2] =	stream.linear.gather [hbm4b:s19+s2], $0x2780, $0x38;
	[tilespmem:$0x1F000] =	vst v63  }
0x54: {  	_ =	swait.ge [sflag:s9], $0x2780  }
0x55: {  	[sflag:s9] =	ssyncset.done $0x0  }
0x56: {  	s18 =	simm.s32 $0x2800;
	s20 =	rddreg [dreg:$0x10];
	[sflag:s9] =	ssyncadd.s32 $0xFFFFD880  }
0x57: {  	[tilespmem:s18], [sflag:$0x2] =	stream.linear.gather [hbm4b:s20+s2], $0x2780, $0x38;
	[tilespmem:$0x1F000] =	vst v63  }
0x58: {  	_ =	swait.ge [sflag:s9], $0x2780  }
0x59: {  	[sflag:s9] =	ssyncset.done $0x0  }
0x5a: {  	s19 =	simm.s32 $0x0;
	[sflag:s9] =	ssyncadd.s32 $0xFFFFD880  }
0x5b: {  	[tilespmem:s13], [sflag:$0x1] =	stream.indirect.gather [hbm4b:s1+s10], $0x80, s19, s10, $0xb8;
	[tilespmem:$0x1F000] =	vst v63  }
0x5c: {  	_ =	swait.ge [sflag:s14], $0x4000  }
0x5d: {  	[sflag:s14] =	ssyncset.done $0x0  }
0x5e: {  	s20 =	simm.s32 $0x2800;
	[sflag:s14] =	ssyncadd.s32 $0xFFFFC000  }
0x5f: {  	[spmem:s12] =	stream.indirect.scatter.add.f32 [tilespmem:s13], [sflag:$0x2], $0x80, s20, s10, $0xb8;
	[tilespmem:$0x1F000] =	vst v63  }
0x60: {  	_ =	swait.ge [sflag:s9], $0x4000  }
0x61: {  	s17 =	simm.s32 $0x200;
	s18 =	simm.s32 $0x400;
	[sflag:s9] =	ssyncset.done $0x0  }
.LBB2_2:
0x62: {  	s19 =	sshra.s32 s17, $0x2  }
0x63: {  	[sflag:s9] =	ssyncadd.s32 $0xFFFFC000;
	s17 =	smov.u32 s18;
	s20 =	sadd.s32 $0x200, s18  }
0x64: {  	[tilespmem:s13], [sflag:$0x1] =	stream.indirect.gather [hbm4b:s1+s10], $0x80, s19, s10, $0xb8;
	[tilespmem:$0x1F000] =	vst v63  }
0x65: {  	p0 =	sne.s32 s18, $0x9C00;
	_ =	swait.ge [sflag:s14], $0x4000  }
.Ltmp0:
0x66: {  	[sflag:s14] =	ssyncset.done $0x0;
	(pc) =	sbr.rel @p0 .LBB2_2-.Ltmp0, $4  }
0x67: {  	s18 =	sadd.s32 $0x2800, s19;
	[sflag:s14] =	ssyncadd.s32 $0xFFFFC000  }
0x68: {  	[spmem:s12] =	stream.indirect.scatter.add.f32 [tilespmem:s13], [sflag:$0x2], $0x80, s18, s10, $0xb8;
	[tilespmem:$0x1F000] =	vst v63  }
0x69: {  	_ =	swait.ge [sflag:s9], $0x4000  }
0x6a: {  	s18 =	smov.u32 s20;
	[sflag:s9] =	ssyncset.done $0x0  }
0x6b: {  	s17 =	sshra.s32 s17, $0x2;
	[sflag:s9] =	ssyncadd.s32 $0xFFFFC000  }
0x6c: {  	[tilespmem:s13], [sflag:$0x1] =	stream.indirect.gather [hbm4b:s1+s10], $0x80, s17, s10, $0xb8;
	[tilespmem:$0x1F000] =	vst v63  }
0x6d: {  	_ =	swait.ge [sflag:s14], $0x4000  }
0x6e: {  	[sflag:s14] =	ssyncset.done $0x0  }
0x6f: {  	s17 =	sadd.s32 $0x2800, s17;
	[sflag:s14] =	ssyncadd.s32 $0xFFFFC000  }
0x70: {  	[spmem:s12] =	stream.indirect.scatter.add.f32 [tilespmem:s13], [sflag:$0x2], $0x80, s17, s10, $0xb8;
	[tilespmem:$0x1F000] =	vst v63  }
0x71: {  	_ =	swait.ge [sflag:s9], $0x4000  }
0x72: {  	[sflag:s9] =	ssyncset.done $0x0  }
0x73: {  	[sflag:s9] =	ssyncadd.s32 $0xFFFFC000  }
0x74: {  	[bflag:$0x0] =	sbarrier.arrive $0xFFFF  }
0x75: {  	[tilespmem:s13], [sflag:$0x2] =	stream.linear.gather [spmem:s16], $0x2000, $0x38;
	[tilespmem:$0x1F000] =	vst v63  }
0x76: {  	_ =	swait.ge [sflag:s9], $0x2000  }
0x77: {  	[sflag:s9] =	ssyncset.done $0x0  }
0x78: {  	s18 =	rddreg [dreg:$0x4];
	[sflag:s9] =	ssyncadd.s32 $0xFFFFE000  }
0x79: {  	[hbm4b:s18+s2] =	stream.linear.scatter [tilespmem:s13], [sflag:$0x2], $0x2000, $0x38;
	[tilespmem:$0x1F000] =	vst v63  }
0x7a: {  	_ =	swait.ge [sflag:s9], $0x2000  }
0x7b: {  	[sflag:s9] =	ssyncset.done $0x0  }
0x7c: {  	s19 =	rddreg [dreg:$0x12];
	[sflag:s9] =	ssyncadd.s32 $0xFFFFE000  }
0x7d: {  	[tilespmem:s13], [sflag:$0x2] =	stream.linear.gather [spmem:s19], $0x2000, $0x38;
	[tilespmem:$0x1F000] =	vst v63  }
0x7e: {  	_ =	swait.ge [sflag:s9], $0x2000  }
0x7f: {  	[sflag:s9] =	ssyncset.done $0x0  }
0x80: {  	s20 =	rddreg [dreg:$0x5];
	[sflag:s9] =	ssyncadd.s32 $0xFFFFE000  }
0x81: {  	[hbm4b:s20+s2] =	stream.linear.scatter [tilespmem:s13], [sflag:$0x2], $0x2000, $0x38;
	[tilespmem:$0x1F000] =	vst v63  }
0x82: {  	_ =	swait.ge [sflag:s9], $0x2000  }
0x83: {  	[sflag:s9] =	ssyncset.done $0x0  }
0x84: {  	[sflag:s9] =	ssyncadd.s32 $0xFFFFE000  }
0x85: {  	[tilespmem:s13], [sflag:$0x2] =	stream.linear.gather [spmem:s21], $0x2000, $0x38;
	[tilespmem:$0x1F000] =	vst v63  }
0x86: {  	_ =	swait.ge [sflag:s9], $0x2000  }
0x87: {  	[sflag:s9] =	ssyncset.done $0x0  }
0x88: {  	s18 =	rddreg [dreg:$0x6];
	[sflag:s9] =	ssyncadd.s32 $0xFFFFE000  }
0x89: {  	[hbm4b:s18+s2] =	stream.linear.scatter [tilespmem:s13], [sflag:$0x2], $0x2000, $0x38;
	[tilespmem:$0x1F000] =	vst v63  }
0x8a: {  	_ =	swait.ge [sflag:s9], $0x2000  }
0x8b: {  	[sflag:s9] =	ssyncset.done $0x0  }
0x8c: {  	[sflag:s9] =	ssyncadd.s32 $0xFFFFE000  }
0x8d: {  	[tilespmem:s13], [sflag:$0x2] =	stream.linear.gather [spmem:s22], $0x2000, $0x38;
	[tilespmem:$0x1F000] =	vst v63  }
0x8e: {  	_ =	swait.ge [sflag:s9], $0x2000  }
0x8f: {  	[sflag:s9] =	ssyncset.done $0x0  }
0x90: {  	s19 =	rddreg [dreg:$0x7];
	[sflag:s9] =	ssyncadd.s32 $0xFFFFE000  }
0x91: {  	[hbm4b:s19+s2] =	stream.linear.scatter [tilespmem:s13], [sflag:$0x2], $0x2000, $0x38;
	[tilespmem:$0x1F000] =	vst v63  }
0x92: {  	_ =	swait.ge [sflag:s9], $0x2000  }
0x93: {  	[sflag:s9] =	ssyncset.done $0x0  }
0x94: {  	[sflag:s9] =	ssyncadd.s32 $0xFFFFE000  }
0x95: {  	[tilespmem:s13], [sflag:$0x2] =	stream.linear.gather [spmem:s23], $0x2000, $0x38;
	[tilespmem:$0x1F000] =	vst v63  }
0x96: {  	_ =	swait.ge [sflag:s9], $0x2000  }
0x97: {  	[sflag:s9] =	ssyncset.done $0x0  }
0x98: {  	s20 =	rddreg [dreg:$0x8];
	[sflag:s9] =	ssyncadd.s32 $0xFFFFE000  }
0x99: {  	[hbm4b:s20+s2] =	stream.linear.scatter [tilespmem:s13], [sflag:$0x2], $0x2000, $0x38;
	[tilespmem:$0x1F000] =	vst v63  }
0x9a: {  	_ =	swait.ge [sflag:s9], $0x2000  }
0x9b: {  	[sflag:s9] =	ssyncset.done $0x0  }
0x9c: {  	[sflag:s9] =	ssyncadd.s32 $0xFFFFE000  }
0x9d: {  	[tilespmem:s13], [sflag:$0x2] =	stream.linear.gather [spmem:s24], $0x2000, $0x38;
	[tilespmem:$0x1F000] =	vst v63  }
0x9e: {  	_ =	swait.ge [sflag:s9], $0x2000  }
0x9f: {  	[sflag:s9] =	ssyncset.done $0x0  }
0xa0: {  	s18 =	rddreg [dreg:$0x9];
	[sflag:s9] =	ssyncadd.s32 $0xFFFFE000  }
0xa1: {  	[hbm4b:s18+s2] =	stream.linear.scatter [tilespmem:s13], [sflag:$0x2], $0x2000, $0x38;
	[tilespmem:$0x1F000] =	vst v63  }
0xa2: {  	_ =	swait.ge [sflag:s9], $0x2000  }
0xa3: {  	[sflag:s9] =	ssyncset.done $0x0  }
0xa4: {  	[sflag:s9] =	ssyncadd.s32 $0xFFFFE000  }
0xa5: {  	[tilespmem:s13], [sflag:$0x2] =	stream.linear.gather [spmem:s25], $0x2000, $0x38;
	[tilespmem:$0x1F000] =	vst v63  }
0xa6: {  	_ =	swait.ge [sflag:s9], $0x2000  }
0xa7: {  	[sflag:s9] =	ssyncset.done $0x0  }
0xa8: {  	s19 =	rddreg [dreg:$0xa];
	[sflag:s9] =	ssyncadd.s32 $0xFFFFE000  }
0xa9: {  	[hbm4b:s19+s2] =	stream.linear.scatter [tilespmem:s13], [sflag:$0x2], $0x2000, $0x38;
	[tilespmem:$0x1F000] =	vst v63  }
0xaa: {  	_ =	swait.ge [sflag:s9], $0x2000  }
0xab: {  	[sflag:s9] =	ssyncset.done $0x0  }
0xac: {  	[sflag:s9] =	ssyncadd.s32 $0xFFFFE000  }
0xad: {  	[tilespmem:s13], [sflag:$0x2] =	stream.linear.gather [spmem:s26], $0x2000, $0x38;
	[tilespmem:$0x1F000] =	vst v63  }
0xae: {  	_ =	swait.ge [sflag:s9], $0x2000  }
0xaf: {  	[sflag:s9] =	ssyncset.done $0x0  }
0xb0: {  	s20 =	rddreg [dreg:$0xb];
	[sflag:s9] =	ssyncadd.s32 $0xFFFFE000  }
0xb1: {  	[hbm4b:s20+s2] =	stream.linear.scatter [tilespmem:s13], [sflag:$0x2], $0x2000, $0x38;
	[tilespmem:$0x1F000] =	vst v63  }
0xb2: {  	_ =	swait.ge [sflag:s9], $0x2000  }
0xb3: {  	[sflag:s9] =	ssyncset.done $0x0  }
0xb4: {  	[sflag:s9] =	ssyncadd.s32 $0xFFFFE000  }
0xb5: {  	[tilespmem:s13], [sflag:$0x2] =	stream.linear.gather [spmem:s28], $0x2000, $0x38;
	[tilespmem:$0x1F000] =	vst v63  }
0xb6: {  	_ =	swait.ge [sflag:s9], $0x2000  }
0xb7: {  	[sflag:s9] =	ssyncset.done $0x0  }
0xb8: {  	s18 =	rddreg [dreg:$0xc];
	[sflag:s9] =	ssyncadd.s32 $0xFFFFE000  }
0xb9: {  	[hbm4b:s18+s2] =	stream.linear.scatter [tilespmem:s13], [sflag:$0x2], $0x2000, $0x38;
	[tilespmem:$0x1F000] =	vst v63  }
0xba: {  	_ =	swait.ge [sflag:s9], $0x2000  }
0xbb: {  	[sflag:s9] =	ssyncset.done $0x0  }
0xbc: {  	[sflag:s9] =	ssyncadd.s32 $0xFFFFE000  }
0xbd: {  	[tilespmem:s13], [sflag:$0x2] =	stream.linear.gather [spmem:s29], $0x2000, $0x38;
	[tilespmem:$0x1F000] =	vst v63  }
0xbe: {  	_ =	swait.ge [sflag:s9], $0x2000  }
0xbf: {  	[sflag:s9] =	ssyncset.done $0x0  }
0xc0: {  	s19 =	rddreg [dreg:$0xd];
	[sflag:s9] =	ssyncadd.s32 $0xFFFFE000  }
0xc1: {  	[hbm4b:s19+s2] =	stream.linear.scatter [tilespmem:s13], [sflag:$0x2], $0x2000, $0x38;
	[tilespmem:$0x1F000] =	vst v63  }
0xc2: {  	_ =	swait.ge [sflag:s9], $0x2000  }
0xc3: {  	s15 =	sadd.s32 $0x1, s15;
	s20 =	rddreg [dreg:$0x11]  }
0xc4: {  	p0 =	sne.s32 s15, s20  }
.Ltmp1:
0xc5: {  	_ = 	snop;
	(pc) =	sbr.rel @p0 .LBB2_1-.Ltmp1, $3  }
0xc6: {  	_ =	sdelay $0x1  }
0xc7: {  	[sflag:s9] =	ssyncset.done $0x0  }
0xc8: {  	[sflag:s9] =	ssyncadd.s32 $0xFFFFE000  }
0xc9: {  	_ =	sfence.sel $0x180000  }
0xca: {  	[bflag:$0x0] =	sbarrier.arrive $0xFFFF  }
0xcb: {  	_ =	strace $0x9000004A  }
0xcc: {  	s0 =	stileid.u32;
	[bflag:$0x2] =	sbarrier.arrive $0xFFFF  }
0xcd: {  	p0 =	sne.s32 s0, $0x0;
	s0 =	rddreg [dreg:$0x3]  }
0xce: {  	s0 =	sadd.s32 @!p0 $0x100000, s0  }
0xcf: {  	[sflag:s0] =	ssyncadd.tile.s32 @!p0 $0x1;
	_ =	shalt  }
.Lfunc_end2:
_tile_overlayer_lowered:
.L_overlay_start_2:
0xd0: {  	(tag) =	ssettag $0x2  }
0xd1: {  	s0 =	rddreg [dreg:$0x0];
	s2 =	stileid.u32  }
0xd2: {  	s1 =	rddreg [dreg:$0x1];
	p0 =	sne.s32 s2, $0x0  }
0xd3: {  	s3 =	rddreg [dreg:$0x2];
	[bflag:$0x3] =	sbarrier.arrive $0xFFFF;
	s2 =	simm.s32 @!p0 $0x1C02  }
0xd4: {  	[timem:s3], [sflag:s2] =	dma.local @!p0 [hbm:s0], s1  }
0xd5: {  	s0 =	simm.s32 @!p0 $0x2  }
0xd6: {  	_ =	swait.ge @!p0 [sflag:s0], s1  }
0xd7: {  	s1 =	ssub.s32 @!p0 $0x0, s1;
	[sflag:s0] =	ssyncset.done @!p0 $0x0  }
0xd8: {  	[sflag:s0] =	ssyncadd.s32 @!p0 s1  }
0xd9: {  	[bflag:$0x3] =	sbarrier.arrive $0xFFFF  }
0xda: {  	_ =	shalt  }

// kernel: kernel.16.cloned.1.call-start
scs
__scs_entry_jumppad:
0x0: {  	(pc) =	sbr.rel $0x88, $3  }
0x1: {  	(tag) =	ssettag $0x0;
	lr =	simm.s32 $0x1  }
0x2: {  	[smem:$0x3F99] =	sst lr;
	_ =	strace $0xD0000000  }
0x3: {  	_ = 	snop  }
0x4: {  	_ = 	snop  }
0x5: {  	_ = 	snop  }
0x6: {  	_ = 	snop  }
0x7: {  	_ = 	snop  }
__scs_overlays_trampoline_lowered:
0x8: {  	[smem:$0x3FA8] =	sst s0  }
0x9: {  	[smem:$0x3FA9] =	sst s1  }
0xa: {  	[smem:$0x3FAA] =	sst s2  }
0xb: {  	[smem:$0x3FAB] =	sst s3  }
0xc: {  	[smem:$0x3FAC] =	sst s4  }
0xd: {  	[smem:$0x3FAD] =	sst s5  }
0xe: {  	[smem:$0x3FAE] =	sst s6  }
0xf: {  	[smem:$0x3FAF] =	sst s7  }
0x10: {  	[smem:$0x3FB0] =	sst s8  }
0x11: {  	[smem:$0x3FB1] =	sst s9;
	s0 =	simm.s32 @!p0 $0x0  }
0x12: {  	s1 =	sld [smem:$0x3F97];
	s0 =	simm.s32 @p0 $0x1  }
0x13: {  	[smem:$0x3FB2] =	sst s0;
	s0 =	simm.s32 @!p1 $0x0  }
0x14: {  	s2 =	sld [smem:$0x3F96];
	s0 =	simm.s32 @p1 $0x1  }
0x15: {  	[smem:$0x3FB3] =	sst s0;
	s0 =	simm.s32 @!p2 $0x0  }
0x16: {  	s3 =	sld [smem:$0x3FDB];
	s0 =	simm.s32 @p2 $0x1  }
0x17: {  	s4 =	simm.s32 $0x1BF5;
	[smem:$0x3FB5] =	sst s0  }
0x18: {  	s0 =	sld [smem:$0x3F98];
	_ =	swait.ge [sflag:s4], $0x0  }
0x19: {  	s7 =	sld [smem:$0x3F99]  }
0x1a: {  	s8 =	sadd.s32 $0xFFFFE003, lr  }
0x1b: {  	s9 =	sadd.s32 $0xFFFFFEF7, lr;
	s5 =	simm.s32 $0xFFFFFFFF;
	p2 =	slt.u32 s8, $0xFFFFF086  }
0x1c: {  	p1 =	slt.u32 s9, $0xF7A;
	s5 =	simm.s32 @!p2 $0x0  }
0x1d: {  	s5 =	simm.s32 @p1 $0x1;
	p0 =	seq.s32 s7, s2  }
0x1e: {  	s7 =	smul.u32 @!p0 $0xF7A, s2;
	p2 =	seq.s32 @!p0 s5, $0x0  }
0x1f: {  	s9 =	smul.u32 $0xF7A, s1;
	s8 =	simm.s32 @!p0 $0x1BF5;
	p2 =	por !p2, p0  }
0x20: {  	[sflag:s8] =	ssyncset.s32 @!p0 $0xFFFFF086;
	s6 =	sadd.s32 @!p0 s3, s7;
	s7 =	simm.s32 @!p0 $0x108  }
0x21: {  	s3 =	sadd.s32 s3, s9;
	s6 =	sadd.s32 @!p0 $0x88, s6;
	s7 =	simm.s32 @p2 $0x1082  }
0x22: {  	[simem:s7], [sflag:s8] =	dma.local @!p0 [hbm:s6], $0xF7A  }
0x23: {  	s9 =	sor.u32 $0xD0000000, s2;
	s6 =	simm.s32 $0x108;
	_ =	swait.ge @!p0 [sflag:s8], $0x0  }
0x24: {  	s3 =	sadd.s32 $0x88, s3;
	s6 =	simm.s32 @!p1 $0x1082;
	[sflag:s4] =	ssyncset.s32 $0xFFFFF086  }
0x25: {  	[simem:s6], [sflag:s4] =	dma.local [hbm:s3], $0xF7A  }
0x26: {  	[smem:$0x3F99] =	sst s1;
	(tag) =	ssettag s2;
	_ =	strace s9  }
0x27: {  	s1 =	sld [smem:$0x3FA9]  }
0x28: {  	s2 =	sld [smem:$0x3FAA]  }
0x29: {  	s4 =	sld [smem:$0x3FAC]  }
0x2a: {  	p0 =	seq.s32 s5, $0x0;
	s5 =	sld [smem:$0x3FAD]  }
0x2b: {  	s6 =	sld [smem:$0x3FAE]  }
0x2c: {  	s7 =	sld [smem:$0x3FAF]  }
0x2d: {  	s3 =	simm.s32 $0x108;
	s8 =	sld [smem:$0x3FB0]  }
0x2e: {  	s3 =	simm.s32 @!p0 $0x1082;
	s9 =	sld [smem:$0x3FB1]  }
0x2f: {  	lr =	sadd.s32 s0, s3;
	s0 =	sld [smem:$0x3FA8]  }
0x30: {  	s3 =	sld [smem:$0x3FAB]  }
0x31: {  	[smem:$0x3FB4] =	sst s10  }
0x32: {  	s10 =	sld [smem:$0x3FB2];
	_ =	sdelay $0x3  }
0x33: {  	p0 =	seq.s32 s10, $0x1;
	s10 =	sld [smem:$0x3FB4];
	_ =	sdelay $0x3  }
0x34: {  	[smem:$0x3FB4] =	sst s10  }
0x35: {  	s10 =	sld [smem:$0x3FB3];
	_ =	sdelay $0x3  }
0x36: {  	p1 =	seq.s32 s10, $0x1;
	s10 =	sld [smem:$0x3FB4];
	_ =	sdelay $0x3  }
0x37: {  	[smem:$0x3FB4] =	sst s10  }
0x38: {  	s10 =	sld [smem:$0x3FB5]  }
0x39: {  	_ = 	snop;
	(pc) =	sbr.ind lr, $3  }
0x3a: {  	_ = 	snop  }
0x3b: {  	_ = 	snop  }
0x3c: {  	p2 =	seq.s32 s10, $0x1;
	s10 =	sld [smem:$0x3FB4]  }
0x3d: {  	_ =	shalt  }
0x3e: {  	_ =	shalt  }
0x3f: {  	_ =	shalt  }
0x40: {  	_ =	shalt  }
0x41: {  	_ =	shalt  }
0x42: {  	_ =	shalt  }
0x43: {  	_ =	shalt  }
0x44: {  	_ =	shalt  }
0x45: {  	_ =	shalt  }
0x46: {  	_ =	shalt  }
0x47: {  	_ =	shalt  }
0x48: {  	_ =	shalt  }
0x49: {  	_ =	shalt  }
0x4a: {  	_ =	shalt  }
0x4b: {  	_ =	shalt  }
0x4c: {  	_ =	shalt  }
0x4d: {  	_ =	shalt  }
0x4e: {  	_ =	shalt  }
0x4f: {  	_ =	shalt  }
0x50: {  	_ =	shalt  }
0x51: {  	_ =	shalt  }
0x52: {  	_ =	shalt  }
0x53: {  	_ =	shalt  }
0x54: {  	_ =	shalt  }
0x55: {  	_ =	shalt  }
0x56: {  	_ =	shalt  }
0x57: {  	_ =	shalt  }
0x58: {  	_ =	shalt  }
0x59: {  	_ =	shalt  }
0x5a: {  	_ =	shalt  }
0x5b: {  	_ =	shalt  }
0x5c: {  	_ =	shalt  }
0x5d: {  	_ =	shalt  }
0x5e: {  	_ =	shalt  }
0x5f: {  	_ =	shalt  }
0x60: {  	_ =	shalt  }
0x61: {  	_ =	shalt  }
0x62: {  	_ =	shalt  }
0x63: {  	_ =	shalt  }
0x64: {  	_ =	shalt  }
0x65: {  	_ =	shalt  }
0x66: {  	_ =	shalt  }
0x67: {  	_ =	shalt  }
0x68: {  	_ =	shalt  }
0x69: {  	_ =	shalt  }
0x6a: {  	_ =	shalt  }
0x6b: {  	_ =	shalt  }
0x6c: {  	_ =	shalt  }
0x6d: {  	_ =	shalt  }
0x6e: {  	_ =	shalt  }
0x6f: {  	_ =	shalt  }
0x70: {  	_ =	shalt  }
0x71: {  	_ =	shalt  }
0x72: {  	_ =	shalt  }
0x73: {  	_ =	shalt  }
0x74: {  	_ =	shalt  }
0x75: {  	_ =	shalt  }
0x76: {  	_ =	shalt  }
0x77: {  	_ =	shalt  }
0x78: {  	_ =	shalt  }
0x79: {  	_ =	shalt  }
0x7a: {  	_ =	shalt  }
0x7b: {  	_ =	shalt  }
0x7c: {  	_ =	shalt  }
0x7d: {  	_ =	shalt  }
0x7e: {  	_ =	shalt  }
0x7f: {  	_ =	shalt  }
0x80: {  	_ =	shalt  }
0x81: {  	_ =	shalt  }
0x82: {  	_ =	shalt  }
0x83: {  	_ =	shalt  }
0x84: {  	_ =	shalt  }
0x85: {  	_ =	shalt  }
0x86: {  	_ =	shalt  }
0x87: {  	_ =	shalt  }
.Lfunc_end0:
.L_simem_size_0:
called_computation.2_lowered:
.L_overlay_start_0:
0x88: {  	s2 =	sld [smem:$0x3FD9]  }
0x89: {  	s3 =	sld [smem:$0x3FFE];
	_ =	sdelay $0x1  }
0x8a: {  	s1 =	srdreg.scid  }
0x8b: {  	s0 =	sand.u32 $0x1, s1  }
0x8c: {  	s17 =	sshll.u32 s0, $0xA;
	s2 =	sadd.s32 s3, s2  }
0x8d: {  	s2 =	sadd.s32 s2, s17  }
0x8e: {  	[smem:$0x3FC0] =	sst s2  }
0x8f: {  	_ = 	snop  }
0x90: {  	s2 =	sld [smem:$0x3FD0];
	(tm) =	ssettm $0x1  }
0x91: {  	s18 =	sld [smem:$0x3FFB];
	_ =	sdelay $0x3  }
0x92: {  	_ =	strace s18  }
0x93: {  	s3 =	sld [smem:$0x3FFC];
	_ =	sdelay $0x3  }
0x94: {  	_ =	strace s3  }
0x95: {  	s3 =	sld [smem:$0x3FFD];
	_ =	sdelay $0x3  }
0x96: {  	_ =	strace s3  }
0x97: {  	_ =	strace $0x8FFFFFFF  }
0x98: {  	s19 =	sld [smem:$0x3FDB];
	_ =	sdelay $0x1  }
0x99: {  	s4 =	simm.s32 $_scs_section_size  }
0x9a: {  	s5 =	simm.s32 $_size__tile_overlayer_lowered;
	s6 =	simm.s32 $_tile_overlayer_lowered  }
0x9b: {  	s22 =	simm.s32 $0x1BFF;
	s21 =	sshll.u32 s6, $0x1;
	s3 =	sadd.s32 s4, s19  }
0x9c: {  	s7 =	simm.s32 $0x0;
	s20 =	sshll.u32 s5, $0x1;
	s5 =	sadd.s32 s21, s3  }
0x9d: {  	[timem:s7], [sflag:s22] =	dma.local [hbm:s5], s20  }
0x9e: {  	_ =	swait.ge [sflag:s22], s20  }
0x9f: {  	s4 =	ssub.s32 $0x0, s20;
	[sflag:s22] =	ssyncset.done $0x0  }
0xa0: {  	[sflag:s22] =	ssyncadd.s32 s4;
	_ =	sdelay $0x1  }
0xa1: {  	s23 =	simm.s32 $0x1B8B  }
0xa2: {  	_ =	swait.ge [sflag:s23], $0x1  }
0xa3: {  	[sflag:s23] =	ssyncset.done $0x0  }
0xa4: {  	s25 =	simm.s32 $0x1B8E;
	s24 =	sld [smem:$0x3FFE];
	[sflag:s23] =	ssyncadd.s32 $0xFFFFFFFF  }
0xa5: {  	s26 =	simm.s32 $execute0_lowered;
	[smem:$0x3FD2] =	sst s25  }
0xa6: {  	s5 =	sshll.u32 s26, $0x1;
	_ =	strace $0x8000004C;
	[dreg:$0x1] =	wrdreg $0xFFFFFFFF  }
0xa7: {  	s28 =	simm.s32 $_size_execute0_lowered;
	s3 =	sadd.s32 s3, s5;
	[dreg:$0x0] =	wrdreg $0x0  }
0xa8: {  	s5 =	sshll.u32 s28, $0x1;
	[dreg:$0x2] =	wrdreg s3  }
0xa9: {  	[dreg:$0x3] =	wrdreg s5  }
0xaa: {  	[dreg:$0x4] =	wrdreg $0xC0  }
0xab: {  	_ =	task [dreg:s7], $0x5FFFF  }
0xac: {  	[dreg:$0x1] =	wrdreg $0xFFFFFFFF  }
0xad: {  	[dreg:$0x0] =	wrdreg $0x60  }
0xae: {  	[dreg:$0x2] =	wrdreg s2  }
0xaf: {  	[dreg:$0x3] =	wrdreg s24  }
0xb0: {  	[dreg:$0x4] =	wrdreg $0xB0000  }
0xb1: {  	[dreg:$0x5] =	wrdreg $0x9  }
0xb2: {  	_ =	task.clear_ibuf [dreg:s7], $0x6FFFF;
	_ =	strace $0x9000004C  }
0xb3: {  	s29 =	simm.s32 $0x9;
	_ =	strace $0x8000004E  }
0xb4: {  	_ =	swait.ge [sflag:s29], $0x1  }
0xb5: {  	[sflag:s29] =	ssyncadd.s32 $0xFFFFFFFF  }
0xb6: {  	_ =	strace $0x9000004E  }
0xb7: {  	_ =	sfence  }
0xb8: {  	s30 =	sld [smem:$0x0];
	_ =	sdelay $0x2  }
0xb9: {  	s31 =	sshll.u32 s1, $0xD;
	s1 =	sshrl.u32 s1, $0x2  }
0xba: {  	s3 =	sand.u32 $0x4000, s31;
	s1 =	sadd.s32 s1, s30  }
0xbb: {  	s0 =	sor.u32 s3, s0;
	s1 =	sshll.u32 s1, $0x11  }
0xbc: {  	s0 =	sor.u32 s1, s0  }
0xbd: {  	s0 =	sadd.s32 $0x8F2B, s0  }
0xbe: {  	[sflag:s0] =	ssyncadd.remote.s32 $0x1  }
0xbf: {  	_ =	sfence.sel $0xFFFF  }
0xc0: {  	[dreg:$0x0] =	wrdreg $0xFFFFFFFF;
	(pc) =	sbr.abs _section_cstart, $3  }
0xc1: {  	[dreg:$0x1] =	wrdreg $0xFFFFFFFF  }
0xc2: {  	_ =	task.clear_ibuf [dreg:s7], $0x2FFFF;
	_ =	strace $0x9FFFFFFF  }
0xc3: {  	(tm) =	ssettm $0x7FFFFFFF  }
tec
execute0_lowered:
.L_overlay_start_1:
0x0: {  	(tag) =	ssettag $0x1  }
0x1: {  	s1 =	rddreg [dreg:$0x0];
	s0 =	srdreg.scid  }
0x2: {  	s3 =	rddreg [dreg:$0x1];
	s16 =	stileid.u32;
	s2 =	simm.s32 $0x0  }
0x3: {  	s0 =	sand.u32 $0x1, s0;
	s6 =	smul.u32 $0x14000, s16;
	[smem:$0x7FF] =	sst s2  }
0x4: {  	s4 =	sshll.u32 s0, $0x4;
	s5 =	smul.u32 $0x140000, s0;
	s0 =	ssub.s32 $0x2, s0  }
0x5: {  	s7 =	sadd.s32 $0x67600, s3;
	s4 =	sor.u32 s16, s4;
	s8 =	sshrl.u32 s0, $0x1  }
0x6: {  	s10 =	sadd.s32 $0x4000, s6;
	s13 =	sadd.s32 $0x6000, s6;
	s16 =	smul.u32 $0x50000, s16  }
0x7: {  	s4 =	smul.u32 $0x500, s4;
	s9 =	sadd.s32 s5, s6;
	s0 =	ssub.s32 s0, s8  }
0x8: {  	s11 =	sadd.s32 s5, s10;
	s12 =	sadd.s32 s5, s13;
	s25 =	sshrl.u32 s9, $0x3  }
0x9: {  	s9 =	sor.u32 $0x2000, s6;
	s11 =	sshrl.u32 s11, $0x3;
	s14 =	sshrl.u32 s12, $0x3  }
0xa: {  	s23 =	sshrl.u32 s16, $0x2;
	s8 =	sadd.s32 s7, s25;
	s26 =	sadd.s32 s5, s9  }
0xb: {  	s0 =	smax.u32 s0, $0x1;
	[dreg:$0x4] =	wrdreg s8;
	s8 =	sshrl.u32 s26, $0x3  }
0xc: {  	s4 =	sadd.s32 s4, s3;
	s3 =	sadd.s32 $0xD200, s3;
	s8 =	sadd.s32 s7, s8  }
0xd: {  	s24 =	sadd.s32 $0x5D600, s4;
	[dreg:$0x5] =	wrdreg s8;
	s8 =	sadd.s32 s7, s11  }
0xe: {  	s11 =	sadd.s32 $0x8000, s6;
	[dreg:$0x6] =	wrdreg s8;
	s8 =	sadd.s32 s7, s14  }
0xf: {  	s15 =	sadd.s32 s5, s11;
	s14 =	sadd.s32 $0xA000, s6;
	[dreg:$0x7] =	wrdreg s8  }
0x10: {  	s8 =	sshrl.u32 s15, $0x3;
	s12 =	sadd.s32 s5, s14;
	s15 =	sadd.s32 $0xC000, s6  }
0x11: {  	s8 =	sadd.s32 s7, s8;
	s17 =	sshrl.u32 s12, $0x3;
	s12 =	rddreg [dreg:$0x2]  }
0x12: {  	s25 =	sadd.s32 $0x3000, s4;
	s18 =	sadd.s32 s5, s15;
	[dreg:$0x8] =	wrdreg s8  }
0x13: {  	s8 =	sadd.s32 s7, s17;
	s19 =	sshrl.u32 s18, $0x3;
	s17 =	sadd.s32 $0xE000, s6  }
0x14: {  	s18 =	sadd.s32 $0x10000, s6;
	s6 =	sadd.s32 $0x12000, s6;
	s16 =	sadd.s32 s23, s12  }
0x15: {  	s26 =	sadd.s32 s9, s12;
	s23 =	sadd.s32 s11, s12;
	s9 =	simm.s32 $0x2  }
0x16: {  	[dreg:$0x9] =	wrdreg s8;
	s8 =	sadd.s32 s7, s19;
	s20 =	sadd.s32 s5, s17  }
0x17: {  	s21 =	sadd.s32 s5, s18;
	s5 =	sadd.s32 s5, s6;
	s28 =	sadd.s32 s18, s12  }
0x18: {  	s29 =	sadd.s32 s6, s12;
	[dreg:$0xa] =	wrdreg s8;
	s8 =	sshrl.u32 s20, $0x3  }
0x19: {  	s30 =	sadd.s32 $0x2000, s16;
	s5 =	sshrl.u32 s5, $0x3;
	s8 =	sadd.s32 s7, s8  }
0x1a: {  	s22 =	sshrl.u32 s21, $0x3;
	s5 =	sadd.s32 s7, s5;
	[dreg:$0xb] =	wrdreg s8  }
0x1b: {  	s31 =	sadd.s32 $0x4000, s16;
	s8 =	sadd.s32 s7, s22;
	[dreg:$0xd] =	wrdreg s5  }
0x1c: {  	s11 =	sadd.s32 $0x6000, s16;
	s4 =	sadd.s32 $0xC000, s16;
	[dreg:$0xc] =	wrdreg s8  }
0x1d: {  	s6 =	sadd.s32 $0x10000, s16;
	_ =	strace $0x8000004D;
	[dreg:$0xe] =	wrdreg s3  }
0x1e: {  	s21 =	sadd.s32 s10, s12;
	s10 =	simm.s32 $0x80;
	[dreg:$0xf] =	wrdreg s24  }
0x1f: {  	s22 =	sadd.s32 s13, s12;
	s5 =	sadd.s32 $0xE000, s16;
	[dreg:$0x10] =	wrdreg s25  }
0x20: {  	s7 =	sadd.s32 $0x12000, s16;
	s13 =	simm.s32 $0x5000;
	[dreg:$0x11] =	wrdreg s0  }
0x21: {  	s8 =	simm.s32 $0x9000;
	[dreg:$0x12] =	wrdreg s26;
	s24 =	sadd.s32 s14, s12  }
0x22: {  	s25 =	sadd.s32 s15, s12;
	s26 =	sadd.s32 s17, s12;
	s0 =	sadd.s32 $0x8000, s16  }
0x23: {  	s3 =	sadd.s32 $0xA000, s16;
	s14 =	simm.s32 $0x1;
	s15 =	simm.s32 $0x0  }
.LBB2_1:
0x24: {  	s17 =	rddreg [dreg:$0xe]  }
0x25: {  	[tilespmem:s8], [sflag:$0x2] =	stream.linear.gather [hbm4b:s17+s2], $0x2000, $0x38;
	[tilespmem:$0x1F000] =	vst v63  }
0x26: {  	_ =	swait.ge [sflag:s9], $0x2000  }
0x27: {  	[sflag:s9] =	ssyncset.done $0x0  }
0x28: {  	[sflag:s9] =	ssyncadd.s32 $0xFFFFE000  }
0x29: {  	[spmem:s16] =	stream.linear.scatter [tilespmem:s8], [sflag:$0x2], $0x2000, $0x38;
	[tilespmem:$0x1F000] =	vst v63  }
0x2a: {  	_ =	swait.ge [sflag:s9], $0x2000  }
0x2b: {  	[sflag:s9] =	ssyncset.done $0x0  }
0x2c: {  	[sflag:s9] =	ssyncadd.s32 $0xFFFFE000  }
0x2d: {  	[spmem:s30] =	stream.linear.scatter [tilespmem:s8], [sflag:$0x2], $0x2000, $0x38;
	[tilespmem:$0x1F000] =	vst v63  }
0x2e: {  	_ =	swait.ge [sflag:s9], $0x2000  }
0x2f: {  	[sflag:s9] =	ssyncset.done $0x0  }
0x30: {  	[sflag:s9] =	ssyncadd.s32 $0xFFFFE000  }
0x31: {  	[spmem:s31] =	stream.linear.scatter [tilespmem:s8], [sflag:$0x2], $0x2000, $0x38;
	[tilespmem:$0x1F000] =	vst v63  }
0x32: {  	_ =	swait.ge [sflag:s9], $0x2000  }
0x33: {  	[sflag:s9] =	ssyncset.done $0x0  }
0x34: {  	[sflag:s9] =	ssyncadd.s32 $0xFFFFE000  }
0x35: {  	[spmem:s11] =	stream.linear.scatter [tilespmem:s8], [sflag:$0x2], $0x2000, $0x38;
	[tilespmem:$0x1F000] =	vst v63  }
0x36: {  	_ =	swait.ge [sflag:s9], $0x2000  }
0x37: {  	[sflag:s9] =	ssyncset.done $0x0  }
0x38: {  	[sflag:s9] =	ssyncadd.s32 $0xFFFFE000  }
0x39: {  	[spmem:s0] =	stream.linear.scatter [tilespmem:s8], [sflag:$0x2], $0x2000, $0x38;
	[tilespmem:$0x1F000] =	vst v63  }
0x3a: {  	_ =	swait.ge [sflag:s9], $0x2000  }
0x3b: {  	[sflag:s9] =	ssyncset.done $0x0  }
0x3c: {  	[sflag:s9] =	ssyncadd.s32 $0xFFFFE000  }
0x3d: {  	[spmem:s3] =	stream.linear.scatter [tilespmem:s8], [sflag:$0x2], $0x2000, $0x38;
	[tilespmem:$0x1F000] =	vst v63  }
0x3e: {  	_ =	swait.ge [sflag:s9], $0x2000  }
0x3f: {  	[sflag:s9] =	ssyncset.done $0x0  }
0x40: {  	[sflag:s9] =	ssyncadd.s32 $0xFFFFE000  }
0x41: {  	[spmem:s4] =	stream.linear.scatter [tilespmem:s8], [sflag:$0x2], $0x2000, $0x38;
	[tilespmem:$0x1F000] =	vst v63  }
0x42: {  	_ =	swait.ge [sflag:s9], $0x2000  }
0x43: {  	[sflag:s9] =	ssyncset.done $0x0  }
0x44: {  	[sflag:s9] =	ssyncadd.s32 $0xFFFFE000  }
0x45: {  	[spmem:s5] =	stream.linear.scatter [tilespmem:s8], [sflag:$0x2], $0x2000, $0x38;
	[tilespmem:$0x1F000] =	vst v63  }
0x46: {  	_ =	swait.ge [sflag:s9], $0x2000  }
0x47: {  	[sflag:s9] =	ssyncset.done $0x0  }
0x48: {  	[sflag:s9] =	ssyncadd.s32 $0xFFFFE000  }
0x49: {  	[spmem:s6] =	stream.linear.scatter [tilespmem:s8], [sflag:$0x2], $0x2000, $0x38;
	[tilespmem:$0x1F000] =	vst v63  }
0x4a: {  	_ =	swait.ge [sflag:s9], $0x2000  }
0x4b: {  	[sflag:s9] =	ssyncset.done $0x0  }
0x4c: {  	[sflag:s9] =	ssyncadd.s32 $0xFFFFE000  }
0x4d: {  	[spmem:s7] =	stream.linear.scatter [tilespmem:s8], [sflag:$0x2], $0x2000, $0x38;
	[tilespmem:$0x1F000] =	vst v63  }
0x4e: {  	_ =	swait.ge [sflag:s9], $0x2000  }
0x4f: {  	[sflag:s9] =	ssyncset.done $0x0  }
0x50: {  	[sflag:s9] =	ssyncadd.s32 $0xFFFFE000  }
0x51: {  	[bflag:$0x0] =	sbarrier.arrive $0xFFFF  }
0x52: {  	s19 =	rddreg [dreg:$0xf]  }
0x53: {  	[tilespmem:s2], [sflag:$0x2] =	stream.linear.gather [hbm4b:s19+s2], $0x2780, $0x38;
	[tilespmem:$0x1F000] =	vst v63  }
0x54: {  	_ =	swait.ge [sflag:s9], $0x2780  }
0x55: {  	[sflag:s9] =	ssyncset.done $0x0  }
0x56: {  	s18 =	simm.s32 $0x2800;
	s20 =	rddreg [dreg:$0x10];
	[sflag:s9] =	ssyncadd.s32 $0xFFFFD880  }
0x57: {  	[tilespmem:s18], [sflag:$0x2] =	stream.linear.gather [hbm4b:s20+s2], $0x2780, $0x38;
	[tilespmem:$0x1F000] =	vst v63  }
0x58: {  	_ =	swait.ge [sflag:s9], $0x2780  }
0x59: {  	[sflag:s9] =	ssyncset.done $0x0  }
0x5a: {  	s19 =	simm.s32 $0x0;
	[sflag:s9] =	ssyncadd.s32 $0xFFFFD880  }
0x5b: {  	[tilespmem:s13], [sflag:$0x1] =	stream.indirect.gather [hbm4b:s1+s10], $0x80, s19, s10, $0xb8;
	[tilespmem:$0x1F000] =	vst v63  }
0x5c: {  	_ =	swait.ge [sflag:s14], $0x4000  }
0x5d: {  	[sflag:s14] =	ssyncset.done $0x0  }
0x5e: {  	s20 =	simm.s32 $0x2800;
	[sflag:s14] =	ssyncadd.s32 $0xFFFFC000  }
0x5f: {  	[spmem:s12] =	stream.indirect.scatter.add.f32 [tilespmem:s13], [sflag:$0x2], $0x80, s20, s10, $0xb8;
	[tilespmem:$0x1F000] =	vst v63  }
0x60: {  	_ =	swait.ge [sflag:s9], $0x4000  }
0x61: {  	s17 =	simm.s32 $0x200;
	s18 =	simm.s32 $0x400;
	[sflag:s9] =	ssyncset.done $0x0  }
.LBB2_2:
0x62: {  	s19 =	sshra.s32 s17, $0x2  }
0x63: {  	[sflag:s9] =	ssyncadd.s32 $0xFFFFC000;
	s17 =	smov.u32 s18;
	s20 =	sadd.s32 $0x200, s18  }
0x64: {  	[tilespmem:s13], [sflag:$0x1] =	stream.indirect.gather [hbm4b:s1+s10], $0x80, s19, s10, $0xb8;
	[tilespmem:$0x1F000] =	vst v63  }
0x65: {  	p0 =	sne.s32 s18, $0x9C00;
	_ =	swait.ge [sflag:s14], $0x4000  }
.Ltmp0:
0x66: {  	[sflag:s14] =	ssyncset.done $0x0;
	(pc) =	sbr.rel @p0 .LBB2_2-.Ltmp0, $4  }
0x67: {  	s18 =	sadd.s32 $0x2800, s19;
	[sflag:s14] =	ssyncadd.s32 $0xFFFFC000  }
0x68: {  	[spmem:s12] =	stream.indirect.scatter.add.f32 [tilespmem:s13], [sflag:$0x2], $0x80, s18, s10, $0xb8;
	[tilespmem:$0x1F000] =	vst v63  }
0x69: {  	_ =	swait.ge [sflag:s9], $0x4000  }
0x6a: {  	s18 =	smov.u32 s20;
	[sflag:s9] =	ssyncset.done $0x0  }
0x6b: {  	s17 =	sshra.s32 s17, $0x2;
	[sflag:s9] =	ssyncadd.s32 $0xFFFFC000  }
0x6c: {  	[tilespmem:s13], [sflag:$0x1] =	stream.indirect.gather [hbm4b:s1+s10], $0x80, s17, s10, $0xb8;
	[tilespmem:$0x1F000] =	vst v63  }
0x6d: {  	_ =	swait.ge [sflag:s14], $0x4000  }
0x6e: {  	[sflag:s14] =	ssyncset.done $0x0  }
0x6f: {  	s17 =	sadd.s32 $0x2800, s17;
	[sflag:s14] =	ssyncadd.s32 $0xFFFFC000  }
0x70: {  	[spmem:s12] =	stream.indirect.scatter.add.f32 [tilespmem:s13], [sflag:$0x2], $0x80, s17, s10, $0xb8;
	[tilespmem:$0x1F000] =	vst v63  }
0x71: {  	_ =	swait.ge [sflag:s9], $0x4000  }
0x72: {  	[sflag:s9] =	ssyncset.done $0x0  }
0x73: {  	[sflag:s9] =	ssyncadd.s32 $0xFFFFC000  }
0x74: {  	[bflag:$0x0] =	sbarrier.arrive $0xFFFF  }
0x75: {  	[tilespmem:s13], [sflag:$0x2] =	stream.linear.gather [spmem:s16], $0x2000, $0x38;
	[tilespmem:$0x1F000] =	vst v63  }
0x76: {  	_ =	swait.ge [sflag:s9], $0x2000  }
0x77: {  	[sflag:s9] =	ssyncset.done $0x0  }
0x78: {  	s18 =	rddreg [dreg:$0x4];
	[sflag:s9] =	ssyncadd.s32 $0xFFFFE000  }
0x79: {  	[hbm4b:s18+s2] =	stream.linear.scatter [tilespmem:s13], [sflag:$0x2], $0x2000, $0x38;
	[tilespmem:$0x1F000] =	vst v63  }
0x7a: {  	_ =	swait.ge [sflag:s9], $0x2000  }
0x7b: {  	[sflag:s9] =	ssyncset.done $0x0  }
0x7c: {  	s19 =	rddreg [dreg:$0x12];
	[sflag:s9] =	ssyncadd.s32 $0xFFFFE000  }
0x7d: {  	[tilespmem:s13], [sflag:$0x2] =	stream.linear.gather [spmem:s19], $0x2000, $0x38;
	[tilespmem:$0x1F000] =	vst v63  }
0x7e: {  	_ =	swait.ge [sflag:s9], $0x2000  }
0x7f: {  	[sflag:s9] =	ssyncset.done $0x0  }
0x80: {  	s20 =	rddreg [dreg:$0x5];
	[sflag:s9] =	ssyncadd.s32 $0xFFFFE000  }
0x81: {  	[hbm4b:s20+s2] =	stream.linear.scatter [tilespmem:s13], [sflag:$0x2], $0x2000, $0x38;
	[tilespmem:$0x1F000] =	vst v63  }
0x82: {  	_ =	swait.ge [sflag:s9], $0x2000  }
0x83: {  	[sflag:s9] =	ssyncset.done $0x0  }
0x84: {  	[sflag:s9] =	ssyncadd.s32 $0xFFFFE000  }
0x85: {  	[tilespmem:s13], [sflag:$0x2] =	stream.linear.gather [spmem:s21], $0x2000, $0x38;
	[tilespmem:$0x1F000] =	vst v63  }
0x86: {  	_ =	swait.ge [sflag:s9], $0x2000  }
0x87: {  	[sflag:s9] =	ssyncset.done $0x0  }
0x88: {  	s18 =	rddreg [dreg:$0x6];
	[sflag:s9] =	ssyncadd.s32 $0xFFFFE000  }
0x89: {  	[hbm4b:s18+s2] =	stream.linear.scatter [tilespmem:s13], [sflag:$0x2], $0x2000, $0x38;
	[tilespmem:$0x1F000] =	vst v63  }
0x8a: {  	_ =	swait.ge [sflag:s9], $0x2000  }
0x8b: {  	[sflag:s9] =	ssyncset.done $0x0  }
0x8c: {  	[sflag:s9] =	ssyncadd.s32 $0xFFFFE000  }
0x8d: {  	[tilespmem:s13], [sflag:$0x2] =	stream.linear.gather [spmem:s22], $0x2000, $0x38;
	[tilespmem:$0x1F000] =	vst v63  }
0x8e: {  	_ =	swait.ge [sflag:s9], $0x2000  }
0x8f: {  	[sflag:s9] =	ssyncset.done $0x0  }
0x90: {  	s19 =	rddreg [dreg:$0x7];
	[sflag:s9] =	ssyncadd.s32 $0xFFFFE000  }
0x91: {  	[hbm4b:s19+s2] =	stream.linear.scatter [tilespmem:s13], [sflag:$0x2], $0x2000, $0x38;
	[tilespmem:$0x1F000] =	vst v63  }
0x92: {  	_ =	swait.ge [sflag:s9], $0x2000  }
0x93: {  	[sflag:s9] =	ssyncset.done $0x0  }
0x94: {  	[sflag:s9] =	ssyncadd.s32 $0xFFFFE000  }
0x95: {  	[tilespmem:s13], [sflag:$0x2] =	stream.linear.gather [spmem:s23], $0x2000, $0x38;
	[tilespmem:$0x1F000] =	vst v63  }
0x96: {  	_ =	swait.ge [sflag:s9], $0x2000  }
0x97: {  	[sflag:s9] =	ssyncset.done $0x0  }
0x98: {  	s20 =	rddreg [dreg:$0x8];
	[sflag:s9] =	ssyncadd.s32 $0xFFFFE000  }
0x99: {  	[hbm4b:s20+s2] =	stream.linear.scatter [tilespmem:s13], [sflag:$0x2], $0x2000, $0x38;
	[tilespmem:$0x1F000] =	vst v63  }
0x9a: {  	_ =	swait.ge [sflag:s9], $0x2000  }
0x9b: {  	[sflag:s9] =	ssyncset.done $0x0  }
0x9c: {  	[sflag:s9] =	ssyncadd.s32 $0xFFFFE000  }
0x9d: {  	[tilespmem:s13], [sflag:$0x2] =	stream.linear.gather [spmem:s24], $0x2000, $0x38;
	[tilespmem:$0x1F000] =	vst v63  }
0x9e: {  	_ =	swait.ge [sflag:s9], $0x2000  }
0x9f: {  	[sflag:s9] =	ssyncset.done $0x0  }
0xa0: {  	s18 =	rddreg [dreg:$0x9];
	[sflag:s9] =	ssyncadd.s32 $0xFFFFE000  }
0xa1: {  	[hbm4b:s18+s2] =	stream.linear.scatter [tilespmem:s13], [sflag:$0x2], $0x2000, $0x38;
	[tilespmem:$0x1F000] =	vst v63  }
0xa2: {  	_ =	swait.ge [sflag:s9], $0x2000  }
0xa3: {  	[sflag:s9] =	ssyncset.done $0x0  }
0xa4: {  	[sflag:s9] =	ssyncadd.s32 $0xFFFFE000  }
0xa5: {  	[tilespmem:s13], [sflag:$0x2] =	stream.linear.gather [spmem:s25], $0x2000, $0x38;
	[tilespmem:$0x1F000] =	vst v63  }
0xa6: {  	_ =	swait.ge [sflag:s9], $0x2000  }
0xa7: {  	[sflag:s9] =	ssyncset.done $0x0  }
0xa8: {  	s19 =	rddreg [dreg:$0xa];
	[sflag:s9] =	ssyncadd.s32 $0xFFFFE000  }
0xa9: {  	[hbm4b:s19+s2] =	stream.linear.scatter [tilespmem:s13], [sflag:$0x2], $0x2000, $0x38;
	[tilespmem:$0x1F000] =	vst v63  }
0xaa: {  	_ =	swait.ge [sflag:s9], $0x2000  }
0xab: {  	[sflag:s9] =	ssyncset.done $0x0  }
0xac: {  	[sflag:s9] =	ssyncadd.s32 $0xFFFFE000  }
0xad: {  	[tilespmem:s13], [sflag:$0x2] =	stream.linear.gather [spmem:s26], $0x2000, $0x38;
	[tilespmem:$0x1F000] =	vst v63  }
0xae: {  	_ =	swait.ge [sflag:s9], $0x2000  }
0xaf: {  	[sflag:s9] =	ssyncset.done $0x0  }
0xb0: {  	s20 =	rddreg [dreg:$0xb];
	[sflag:s9] =	ssyncadd.s32 $0xFFFFE000  }
0xb1: {  	[hbm4b:s20+s2] =	stream.linear.scatter [tilespmem:s13], [sflag:$0x2], $0x2000, $0x38;
	[tilespmem:$0x1F000] =	vst v63  }
0xb2: {  	_ =	swait.ge [sflag:s9], $0x2000  }
0xb3: {  	[sflag:s9] =	ssyncset.done $0x0  }
0xb4: {  	[sflag:s9] =	ssyncadd.s32 $0xFFFFE000  }
0xb5: {  	[tilespmem:s13], [sflag:$0x2] =	stream.linear.gather [spmem:s28], $0x2000, $0x38;
	[tilespmem:$0x1F000] =	vst v63  }
0xb6: {  	_ =	swait.ge [sflag:s9], $0x2000  }
0xb7: {  	[sflag:s9] =	ssyncset.done $0x0  }
0xb8: {  	s18 =	rddreg [dreg:$0xc];
	[sflag:s9] =	ssyncadd.s32 $0xFFFFE000  }
0xb9: {  	[hbm4b:s18+s2] =	stream.linear.scatter [tilespmem:s13], [sflag:$0x2], $0x2000, $0x38;
	[tilespmem:$0x1F000] =	vst v63  }
0xba: {  	_ =	swait.ge [sflag:s9], $0x2000  }
0xbb: {  	[sflag:s9] =	ssyncset.done $0x0  }
0xbc: {  	[sflag:s9] =	ssyncadd.s32 $0xFFFFE000  }
0xbd: {  	[tilespmem:s13], [sflag:$0x2] =	stream.linear.gather [spmem:s29], $0x2000, $0x38;
	[tilespmem:$0x1F000] =	vst v63  }
0xbe: {  	_ =	swait.ge [sflag:s9], $0x2000  }
0xbf: {  	[sflag:s9] =	ssyncset.done $0x0  }
0xc0: {  	s19 =	rddreg [dreg:$0xd];
	[sflag:s9] =	ssyncadd.s32 $0xFFFFE000  }
0xc1: {  	[hbm4b:s19+s2] =	stream.linear.scatter [tilespmem:s13], [sflag:$0x2], $0x2000, $0x38;
	[tilespmem:$0x1F000] =	vst v63  }
0xc2: {  	_ =	swait.ge [sflag:s9], $0x2000  }
0xc3: {  	s15 =	sadd.s32 $0x1, s15;
	s20 =	rddreg [dreg:$0x11]  }
0xc4: {  	p0 =	sne.s32 s15, s20  }
.Ltmp1:
0xc5: {  	_ = 	snop;
	(pc) =	sbr.rel @p0 .LBB2_1-.Ltmp1, $3  }
0xc6: {  	_ =	sdelay $0x1  }
0xc7: {  	[sflag:s9] =	ssyncset.done $0x0  }
0xc8: {  	[sflag:s9] =	ssyncadd.s32 $0xFFFFE000  }
0xc9: {  	_ =	sfence.sel $0x180000  }
0xca: {  	[bflag:$0x0] =	sbarrier.arrive $0xFFFF  }
0xcb: {  	_ =	strace $0x9000004D  }
0xcc: {  	s0 =	stileid.u32;
	[bflag:$0x2] =	sbarrier.arrive $0xFFFF  }
0xcd: {  	p0 =	sne.s32 s0, $0x0;
	s0 =	rddreg [dreg:$0x3]  }
0xce: {  	s0 =	sadd.s32 @!p0 $0x100000, s0  }
0xcf: {  	[sflag:s0] =	ssyncadd.tile.s32 @!p0 $0x1;
	_ =	shalt  }
.Lfunc_end2:
_tile_overlayer_lowered:
.L_overlay_start_2:
0xd0: {  	(tag) =	ssettag $0x2  }
0xd1: {  	s0 =	rddreg [dreg:$0x0];
	s2 =	stileid.u32  }
0xd2: {  	s1 =	rddreg [dreg:$0x1];
	p0 =	sne.s32 s2, $0x0  }
0xd3: {  	s3 =	rddreg [dreg:$0x2];
	[bflag:$0x3] =	sbarrier.arrive $0xFFFF;
	s2 =	simm.s32 @!p0 $0x1C02  }
0xd4: {  	[timem:s3], [sflag:s2] =	dma.local @!p0 [hbm:s0], s1  }
0xd5: {  	s0 =	simm.s32 @!p0 $0x2  }
0xd6: {  	_ =	swait.ge @!p0 [sflag:s0], s1  }
0xd7: {  	s1 =	ssub.s32 @!p0 $0x0, s1;
	[sflag:s0] =	ssyncset.done @!p0 $0x0  }
0xd8: {  	[sflag:s0] =	ssyncadd.s32 @!p0 s1  }
0xd9: {  	[bflag:$0x3] =	sbarrier.arrive $0xFFFF  }
0xda: {  	_ =	shalt  }

// kernel: kernel.19.cloned.1.call-start
scs
__scs_entry_jumppad:
0x0: {  	(pc) =	sbr.rel $0x88, $3  }
0x1: {  	(tag) =	ssettag $0x0;
	lr =	simm.s32 $0x1  }
0x2: {  	[smem:$0x3F99] =	sst lr;
	_ =	strace $0xD0000000  }
0x3: {  	_ = 	snop  }
0x4: {  	_ = 	snop  }
0x5: {  	_ = 	snop  }
0x6: {  	_ = 	snop  }
0x7: {  	_ = 	snop  }
__scs_overlays_trampoline_lowered:
0x8: {  	[smem:$0x3FA8] =	sst s0  }
0x9: {  	[smem:$0x3FA9] =	sst s1  }
0xa: {  	[smem:$0x3FAA] =	sst s2  }
0xb: {  	[smem:$0x3FAB] =	sst s3  }
0xc: {  	[smem:$0x3FAC] =	sst s4  }
0xd: {  	[smem:$0x3FAD] =	sst s5  }
0xe: {  	[smem:$0x3FAE] =	sst s6  }
0xf: {  	[smem:$0x3FAF] =	sst s7  }
0x10: {  	[smem:$0x3FB0] =	sst s8  }
0x11: {  	[smem:$0x3FB1] =	sst s9;
	s0 =	simm.s32 @!p0 $0x0  }
0x12: {  	s1 =	sld [smem:$0x3F97];
	s0 =	simm.s32 @p0 $0x1  }
0x13: {  	[smem:$0x3FB2] =	sst s0;
	s0 =	simm.s32 @!p1 $0x0  }
0x14: {  	s2 =	sld [smem:$0x3F96];
	s0 =	simm.s32 @p1 $0x1  }
0x15: {  	[smem:$0x3FB3] =	sst s0;
	s0 =	simm.s32 @!p2 $0x0  }
0x16: {  	s3 =	sld [smem:$0x3FDB];
	s0 =	simm.s32 @p2 $0x1  }
0x17: {  	s4 =	simm.s32 $0x1BF5;
	[smem:$0x3FB5] =	sst s0  }
0x18: {  	s0 =	sld [smem:$0x3F98];
	_ =	swait.ge [sflag:s4], $0x0  }
0x19: {  	s7 =	sld [smem:$0x3F99]  }
0x1a: {  	s8 =	sadd.s32 $0xFFFFE003, lr  }
0x1b: {  	s9 =	sadd.s32 $0xFFFFFEF7, lr;
	s5 =	simm.s32 $0xFFFFFFFF;
	p2 =	slt.u32 s8, $0xFFFFF086  }
0x1c: {  	p1 =	slt.u32 s9, $0xF7A;
	s5 =	simm.s32 @!p2 $0x0  }
0x1d: {  	s5 =	simm.s32 @p1 $0x1;
	p0 =	seq.s32 s7, s2  }
0x1e: {  	s7 =	smul.u32 @!p0 $0xF7A, s2;
	p2 =	seq.s32 @!p0 s5, $0x0  }
0x1f: {  	s9 =	smul.u32 $0xF7A, s1;
	s8 =	simm.s32 @!p0 $0x1BF5;
	p2 =	por !p2, p0  }
0x20: {  	[sflag:s8] =	ssyncset.s32 @!p0 $0xFFFFF086;
	s6 =	sadd.s32 @!p0 s3, s7;
	s7 =	simm.s32 @!p0 $0x108  }
0x21: {  	s3 =	sadd.s32 s3, s9;
	s6 =	sadd.s32 @!p0 $0x88, s6;
	s7 =	simm.s32 @p2 $0x1082  }
0x22: {  	[simem:s7], [sflag:s8] =	dma.local @!p0 [hbm:s6], $0xF7A  }
0x23: {  	s9 =	sor.u32 $0xD0000000, s2;
	s6 =	simm.s32 $0x108;
	_ =	swait.ge @!p0 [sflag:s8], $0x0  }
0x24: {  	s3 =	sadd.s32 $0x88, s3;
	s6 =	simm.s32 @!p1 $0x1082;
	[sflag:s4] =	ssyncset.s32 $0xFFFFF086  }
0x25: {  	[simem:s6], [sflag:s4] =	dma.local [hbm:s3], $0xF7A  }
0x26: {  	[smem:$0x3F99] =	sst s1;
	(tag) =	ssettag s2;
	_ =	strace s9  }
0x27: {  	s1 =	sld [smem:$0x3FA9]  }
0x28: {  	s2 =	sld [smem:$0x3FAA]  }
0x29: {  	s4 =	sld [smem:$0x3FAC]  }
0x2a: {  	p0 =	seq.s32 s5, $0x0;
	s5 =	sld [smem:$0x3FAD]  }
0x2b: {  	s6 =	sld [smem:$0x3FAE]  }
0x2c: {  	s7 =	sld [smem:$0x3FAF]  }
0x2d: {  	s3 =	simm.s32 $0x108;
	s8 =	sld [smem:$0x3FB0]  }
0x2e: {  	s3 =	simm.s32 @!p0 $0x1082;
	s9 =	sld [smem:$0x3FB1]  }
0x2f: {  	lr =	sadd.s32 s0, s3;
	s0 =	sld [smem:$0x3FA8]  }
0x30: {  	s3 =	sld [smem:$0x3FAB]  }
0x31: {  	[smem:$0x3FB4] =	sst s10  }
0x32: {  	s10 =	sld [smem:$0x3FB2];
	_ =	sdelay $0x3  }
0x33: {  	p0 =	seq.s32 s10, $0x1;
	s10 =	sld [smem:$0x3FB4];
	_ =	sdelay $0x3  }
0x34: {  	[smem:$0x3FB4] =	sst s10  }
0x35: {  	s10 =	sld [smem:$0x3FB3];
	_ =	sdelay $0x3  }
0x36: {  	p1 =	seq.s32 s10, $0x1;
	s10 =	sld [smem:$0x3FB4];
	_ =	sdelay $0x3  }
0x37: {  	[smem:$0x3FB4] =	sst s10  }
0x38: {  	s10 =	sld [smem:$0x3FB5]  }
0x39: {  	_ = 	snop;
	(pc) =	sbr.ind lr, $3  }
0x3a: {  	_ = 	snop  }
0x3b: {  	_ = 	snop  }
0x3c: {  	p2 =	seq.s32 s10, $0x1;
	s10 =	sld [smem:$0x3FB4]  }
0x3d: {  	_ =	shalt  }
0x3e: {  	_ =	shalt  }
0x3f: {  	_ =	shalt  }
0x40: {  	_ =	shalt  }
0x41: {  	_ =	shalt  }
0x42: {  	_ =	shalt  }
0x43: {  	_ =	shalt  }
0x44: {  	_ =	shalt  }
0x45: {  	_ =	shalt  }
0x46: {  	_ =	shalt  }
0x47: {  	_ =	shalt  }
0x48: {  	_ =	shalt  }
0x49: {  	_ =	shalt  }
0x4a: {  	_ =	shalt  }
0x4b: {  	_ =	shalt  }
0x4c: {  	_ =	shalt  }
0x4d: {  	_ =	shalt  }
0x4e: {  	_ =	shalt  }
0x4f: {  	_ =	shalt  }
0x50: {  	_ =	shalt  }
0x51: {  	_ =	shalt  }
0x52: {  	_ =	shalt  }
0x53: {  	_ =	shalt  }
0x54: {  	_ =	shalt  }
0x55: {  	_ =	shalt  }
0x56: {  	_ =	shalt  }
0x57: {  	_ =	shalt  }
0x58: {  	_ =	shalt  }
0x59: {  	_ =	shalt  }
0x5a: {  	_ =	shalt  }
0x5b: {  	_ =	shalt  }
0x5c: {  	_ =	shalt  }
0x5d: {  	_ =	shalt  }
0x5e: {  	_ =	shalt  }
0x5f: {  	_ =	shalt  }
0x60: {  	_ =	shalt  }
0x61: {  	_ =	shalt  }
0x62: {  	_ =	shalt  }
0x63: {  	_ =	shalt  }
0x64: {  	_ =	shalt  }
0x65: {  	_ =	shalt  }
0x66: {  	_ =	shalt  }
0x67: {  	_ =	shalt  }
0x68: {  	_ =	shalt  }
0x69: {  	_ =	shalt  }
0x6a: {  	_ =	shalt  }
0x6b: {  	_ =	shalt  }
0x6c: {  	_ =	shalt  }
0x6d: {  	_ =	shalt  }
0x6e: {  	_ =	shalt  }
0x6f: {  	_ =	shalt  }
0x70: {  	_ =	shalt  }
0x71: {  	_ =	shalt  }
0x72: {  	_ =	shalt  }
0x73: {  	_ =	shalt  }
0x74: {  	_ =	shalt  }
0x75: {  	_ =	shalt  }
0x76: {  	_ =	shalt  }
0x77: {  	_ =	shalt  }
0x78: {  	_ =	shalt  }
0x79: {  	_ =	shalt  }
0x7a: {  	_ =	shalt  }
0x7b: {  	_ =	shalt  }
0x7c: {  	_ =	shalt  }
0x7d: {  	_ =	shalt  }
0x7e: {  	_ =	shalt  }
0x7f: {  	_ =	shalt  }
0x80: {  	_ =	shalt  }
0x81: {  	_ =	shalt  }
0x82: {  	_ =	shalt  }
0x83: {  	_ =	shalt  }
0x84: {  	_ =	shalt  }
0x85: {  	_ =	shalt  }
0x86: {  	_ =	shalt  }
0x87: {  	_ =	shalt  }
.Lfunc_end0:
.L_simem_size_0:
called_computation.3_lowered:
.L_overlay_start_0:
0x88: {  	s2 =	sld [smem:$0x3FD9]  }
0x89: {  	s3 =	sld [smem:$0x3FFE];
	_ =	sdelay $0x1  }
0x8a: {  	s1 =	srdreg.scid  }
0x8b: {  	s0 =	sand.u32 $0x1, s1  }
0x8c: {  	s17 =	sshll.u32 s0, $0xA;
	s2 =	sadd.s32 s3, s2  }
0x8d: {  	s2 =	sadd.s32 s2, s17  }
0x8e: {  	[smem:$0x3FC0] =	sst s2  }
0x8f: {  	_ = 	snop  }
0x90: {  	s2 =	sld [smem:$0x3FD0];
	(tm) =	ssettm $0x1  }
0x91: {  	s18 =	sld [smem:$0x3FFB];
	_ =	sdelay $0x3  }
0x92: {  	_ =	strace s18  }
0x93: {  	s3 =	sld [smem:$0x3FFC];
	_ =	sdelay $0x3  }
0x94: {  	_ =	strace s3  }
0x95: {  	s3 =	sld [smem:$0x3FFD];
	_ =	sdelay $0x3  }
0x96: {  	_ =	strace s3  }
0x97: {  	_ =	strace $0x8FFFFFFF  }
0x98: {  	s19 =	sld [smem:$0x3FDB];
	_ =	sdelay $0x1  }
0x99: {  	s4 =	simm.s32 $_scs_section_size  }
0x9a: {  	s5 =	simm.s32 $_size__tile_overlayer_lowered;
	s6 =	simm.s32 $_tile_overlayer_lowered  }
0x9b: {  	s22 =	simm.s32 $0x1BFF;
	s21 =	sshll.u32 s6, $0x1;
	s3 =	sadd.s32 s4, s19  }
0x9c: {  	s7 =	simm.s32 $0x0;
	s20 =	sshll.u32 s5, $0x1;
	s5 =	sadd.s32 s21, s3  }
0x9d: {  	[timem:s7], [sflag:s22] =	dma.local [hbm:s5], s20  }
0x9e: {  	_ =	swait.ge [sflag:s22], s20  }
0x9f: {  	s4 =	ssub.s32 $0x0, s20;
	[sflag:s22] =	ssyncset.done $0x0  }
0xa0: {  	[sflag:s22] =	ssyncadd.s32 s4;
	_ =	sdelay $0x1  }
0xa1: {  	s23 =	simm.s32 $0x1B8B  }
0xa2: {  	_ =	swait.ge [sflag:s23], $0x1  }
0xa3: {  	[sflag:s23] =	ssyncset.done $0x0  }
0xa4: {  	s25 =	simm.s32 $0x1B8E;
	s24 =	sld [smem:$0x3FFE];
	[sflag:s23] =	ssyncadd.s32 $0xFFFFFFFF  }
0xa5: {  	s26 =	simm.s32 $execute0_lowered;
	[smem:$0x3FD2] =	sst s25  }
0xa6: {  	s5 =	sshll.u32 s26, $0x1;
	_ =	strace $0x8000004F;
	[dreg:$0x1] =	wrdreg $0xFFFFFFFF  }
0xa7: {  	s28 =	simm.s32 $_size_execute0_lowered;
	s3 =	sadd.s32 s3, s5;
	[dreg:$0x0] =	wrdreg $0x0  }
0xa8: {  	s5 =	sshll.u32 s28, $0x1;
	[dreg:$0x2] =	wrdreg s3  }
0xa9: {  	[dreg:$0x3] =	wrdreg s5  }
0xaa: {  	[dreg:$0x4] =	wrdreg $0xC0  }
0xab: {  	_ =	task [dreg:s7], $0x5FFFF  }
0xac: {  	[dreg:$0x1] =	wrdreg $0xFFFFFFFF  }
0xad: {  	[dreg:$0x0] =	wrdreg $0x60  }
0xae: {  	[dreg:$0x2] =	wrdreg s2  }
0xaf: {  	[dreg:$0x3] =	wrdreg s24  }
0xb0: {  	[dreg:$0x4] =	wrdreg $0xB0000  }
0xb1: {  	[dreg:$0x5] =	wrdreg $0x9  }
0xb2: {  	_ =	task.clear_ibuf [dreg:s7], $0x6FFFF;
	_ =	strace $0x9000004F  }
0xb3: {  	s29 =	simm.s32 $0x9;
	_ =	strace $0x80000051  }
0xb4: {  	_ =	swait.ge [sflag:s29], $0x1  }
0xb5: {  	[sflag:s29] =	ssyncadd.s32 $0xFFFFFFFF  }
0xb6: {  	_ =	strace $0x90000051  }
0xb7: {  	_ =	sfence  }
0xb8: {  	s30 =	sld [smem:$0x0];
	_ =	sdelay $0x2  }
0xb9: {  	s31 =	sshll.u32 s1, $0xD;
	s1 =	sshrl.u32 s1, $0x2  }
0xba: {  	s3 =	sand.u32 $0x4000, s31;
	s1 =	sadd.s32 s1, s30  }
0xbb: {  	s0 =	sor.u32 s3, s0;
	s1 =	sshll.u32 s1, $0x11  }
0xbc: {  	s0 =	sor.u32 s1, s0  }
0xbd: {  	s0 =	sadd.s32 $0x8F2B, s0  }
0xbe: {  	[sflag:s0] =	ssyncadd.remote.s32 $0x1  }
0xbf: {  	_ =	sfence.sel $0xFFFF  }
0xc0: {  	[dreg:$0x0] =	wrdreg $0xFFFFFFFF;
	(pc) =	sbr.abs _section_cstart, $3  }
0xc1: {  	[dreg:$0x1] =	wrdreg $0xFFFFFFFF  }
0xc2: {  	_ =	task.clear_ibuf [dreg:s7], $0x2FFFF;
	_ =	strace $0x9FFFFFFF  }
0xc3: {  	(tm) =	ssettm $0x7FFFFFFF  }
tec
execute0_lowered:
.L_overlay_start_1:
0x0: {  	(tag) =	ssettag $0x1  }
0x1: {  	s1 =	rddreg [dreg:$0x0];
	s0 =	srdreg.scid  }
0x2: {  	s3 =	rddreg [dreg:$0x1];
	s16 =	stileid.u32;
	s2 =	simm.s32 $0x0  }
0x3: {  	s0 =	sand.u32 $0x1, s0;
	s6 =	smul.u32 $0x14000, s16;
	[smem:$0x7FF] =	sst s2  }
0x4: {  	s4 =	sshll.u32 s0, $0x4;
	s5 =	smul.u32 $0x140000, s0;
	s0 =	ssub.s32 $0x2, s0  }
0x5: {  	s7 =	sadd.s32 $0x67600, s3;
	s4 =	sor.u32 s16, s4;
	s8 =	sshrl.u32 s0, $0x1  }
0x6: {  	s10 =	sadd.s32 $0x4000, s6;
	s13 =	sadd.s32 $0x6000, s6;
	s16 =	smul.u32 $0x50000, s16  }
0x7: {  	s4 =	smul.u32 $0x500, s4;
	s9 =	sadd.s32 s5, s6;
	s0 =	ssub.s32 s0, s8  }
0x8: {  	s11 =	sadd.s32 s5, s10;
	s12 =	sadd.s32 s5, s13;
	s25 =	sshrl.u32 s9, $0x3  }
0x9: {  	s9 =	sor.u32 $0x2000, s6;
	s11 =	sshrl.u32 s11, $0x3;
	s14 =	sshrl.u32 s12, $0x3  }
0xa: {  	s23 =	sshrl.u32 s16, $0x2;
	s8 =	sadd.s32 s7, s25;
	s26 =	sadd.s32 s5, s9  }
0xb: {  	s0 =	smax.u32 s0, $0x1;
	[dreg:$0x4] =	wrdreg s8;
	s8 =	sshrl.u32 s26, $0x3  }
0xc: {  	s4 =	sadd.s32 s4, s3;
	s3 =	sadd.s32 $0xD200, s3;
	s8 =	sadd.s32 s7, s8  }
0xd: {  	s24 =	sadd.s32 $0x5D600, s4;
	[dreg:$0x5] =	wrdreg s8;
	s8 =	sadd.s32 s7, s11  }
0xe: {  	s11 =	sadd.s32 $0x8000, s6;
	[dreg:$0x6] =	wrdreg s8;
	s8 =	sadd.s32 s7, s14  }
0xf: {  	s15 =	sadd.s32 s5, s11;
	s14 =	sadd.s32 $0xA000, s6;
	[dreg:$0x7] =	wrdreg s8  }
0x10: {  	s8 =	sshrl.u32 s15, $0x3;
	s12 =	sadd.s32 s5, s14;
	s15 =	sadd.s32 $0xC000, s6  }
0x11: {  	s8 =	sadd.s32 s7, s8;
	s17 =	sshrl.u32 s12, $0x3;
	s12 =	rddreg [dreg:$0x2]  }
0x12: {  	s25 =	sadd.s32 $0x3000, s4;
	s18 =	sadd.s32 s5, s15;
	[dreg:$0x8] =	wrdreg s8  }
0x13: {  	s8 =	sadd.s32 s7, s17;
	s19 =	sshrl.u32 s18, $0x3;
	s17 =	sadd.s32 $0xE000, s6  }
0x14: {  	s18 =	sadd.s32 $0x10000, s6;
	s6 =	sadd.s32 $0x12000, s6;
	s16 =	sadd.s32 s23, s12  }
0x15: {  	s26 =	sadd.s32 s9, s12;
	s23 =	sadd.s32 s11, s12;
	s9 =	simm.s32 $0x2  }
0x16: {  	[dreg:$0x9] =	wrdreg s8;
	s8 =	sadd.s32 s7, s19;
	s20 =	sadd.s32 s5, s17  }
0x17: {  	s21 =	sadd.s32 s5, s18;
	s5 =	sadd.s32 s5, s6;
	s28 =	sadd.s32 s18, s12  }
0x18: {  	s29 =	sadd.s32 s6, s12;
	[dreg:$0xa] =	wrdreg s8;
	s8 =	sshrl.u32 s20, $0x3  }
0x19: {  	s30 =	sadd.s32 $0x2000, s16;
	s5 =	sshrl.u32 s5, $0x3;
	s8 =	sadd.s32 s7, s8  }
0x1a: {  	s22 =	sshrl.u32 s21, $0x3;
	s5 =	sadd.s32 s7, s5;
	[dreg:$0xb] =	wrdreg s8  }
0x1b: {  	s31 =	sadd.s32 $0x4000, s16;
	s8 =	sadd.s32 s7, s22;
	[dreg:$0xd] =	wrdreg s5  }
0x1c: {  	s11 =	sadd.s32 $0x6000, s16;
	s4 =	sadd.s32 $0xC000, s16;
	[dreg:$0xc] =	wrdreg s8  }
0x1d: {  	s6 =	sadd.s32 $0x10000, s16;
	_ =	strace $0x80000050;
	[dreg:$0xe] =	wrdreg s3  }
0x1e: {  	s21 =	sadd.s32 s10, s12;
	s10 =	simm.s32 $0x80;
	[dreg:$0xf] =	wrdreg s24  }
0x1f: {  	s22 =	sadd.s32 s13, s12;
	s5 =	sadd.s32 $0xE000, s16;
	[dreg:$0x10] =	wrdreg s25  }
0x20: {  	s7 =	sadd.s32 $0x12000, s16;
	s13 =	simm.s32 $0x5000;
	[dreg:$0x11] =	wrdreg s0  }
0x21: {  	s8 =	simm.s32 $0x9000;
	[dreg:$0x12] =	wrdreg s26;
	s24 =	sadd.s32 s14, s12  }
0x22: {  	s25 =	sadd.s32 s15, s12;
	s26 =	sadd.s32 s17, s12;
	s0 =	sadd.s32 $0x8000, s16  }
0x23: {  	s3 =	sadd.s32 $0xA000, s16;
	s14 =	simm.s32 $0x1;
	s15 =	simm.s32 $0x0  }
.LBB2_1:
0x24: {  	s17 =	rddreg [dreg:$0xe]  }
0x25: {  	[tilespmem:s8], [sflag:$0x2] =	stream.linear.gather [hbm4b:s17+s2], $0x2000, $0x38;
	[tilespmem:$0x1F000] =	vst v63  }
0x26: {  	_ =	swait.ge [sflag:s9], $0x2000  }
0x27: {  	[sflag:s9] =	ssyncset.done $0x0  }
0x28: {  	[sflag:s9] =	ssyncadd.s32 $0xFFFFE000  }
0x29: {  	[spmem:s16] =	stream.linear.scatter [tilespmem:s8], [sflag:$0x2], $0x2000, $0x38;
	[tilespmem:$0x1F000] =	vst v63  }
0x2a: {  	_ =	swait.ge [sflag:s9], $0x2000  }
0x2b: {  	[sflag:s9] =	ssyncset.done $0x0  }
0x2c: {  	[sflag:s9] =	ssyncadd.s32 $0xFFFFE000  }
0x2d: {  	[spmem:s30] =	stream.linear.scatter [tilespmem:s8], [sflag:$0x2], $0x2000, $0x38;
	[tilespmem:$0x1F000] =	vst v63  }
0x2e: {  	_ =	swait.ge [sflag:s9], $0x2000  }
0x2f: {  	[sflag:s9] =	ssyncset.done $0x0  }
0x30: {  	[sflag:s9] =	ssyncadd.s32 $0xFFFFE000  }
0x31: {  	[spmem:s31] =	stream.linear.scatter [tilespmem:s8], [sflag:$0x2], $0x2000, $0x38;
	[tilespmem:$0x1F000] =	vst v63  }
0x32: {  	_ =	swait.ge [sflag:s9], $0x2000  }
0x33: {  	[sflag:s9] =	ssyncset.done $0x0  }
0x34: {  	[sflag:s9] =	ssyncadd.s32 $0xFFFFE000  }
0x35: {  	[spmem:s11] =	stream.linear.scatter [tilespmem:s8], [sflag:$0x2], $0x2000, $0x38;
	[tilespmem:$0x1F000] =	vst v63  }
0x36: {  	_ =	swait.ge [sflag:s9], $0x2000  }
0x37: {  	[sflag:s9] =	ssyncset.done $0x0  }
0x38: {  	[sflag:s9] =	ssyncadd.s32 $0xFFFFE000  }
0x39: {  	[spmem:s0] =	stream.linear.scatter [tilespmem:s8], [sflag:$0x2], $0x2000, $0x38;
	[tilespmem:$0x1F000] =	vst v63  }
0x3a: {  	_ =	swait.ge [sflag:s9], $0x2000  }
0x3b: {  	[sflag:s9] =	ssyncset.done $0x0  }
0x3c: {  	[sflag:s9] =	ssyncadd.s32 $0xFFFFE000  }
0x3d: {  	[spmem:s3] =	stream.linear.scatter [tilespmem:s8], [sflag:$0x2], $0x2000, $0x38;
	[tilespmem:$0x1F000] =	vst v63  }
0x3e: {  	_ =	swait.ge [sflag:s9], $0x2000  }
0x3f: {  	[sflag:s9] =	ssyncset.done $0x0  }
0x40: {  	[sflag:s9] =	ssyncadd.s32 $0xFFFFE000  }
0x41: {  	[spmem:s4] =	stream.linear.scatter [tilespmem:s8], [sflag:$0x2], $0x2000, $0x38;
	[tilespmem:$0x1F000] =	vst v63  }
0x42: {  	_ =	swait.ge [sflag:s9], $0x2000  }
0x43: {  	[sflag:s9] =	ssyncset.done $0x0  }
0x44: {  	[sflag:s9] =	ssyncadd.s32 $0xFFFFE000  }
0x45: {  	[spmem:s5] =	stream.linear.scatter [tilespmem:s8], [sflag:$0x2], $0x2000, $0x38;
	[tilespmem:$0x1F000] =	vst v63  }
0x46: {  	_ =	swait.ge [sflag:s9], $0x2000  }
0x47: {  	[sflag:s9] =	ssyncset.done $0x0  }
0x48: {  	[sflag:s9] =	ssyncadd.s32 $0xFFFFE000  }
0x49: {  	[spmem:s6] =	stream.linear.scatter [tilespmem:s8], [sflag:$0x2], $0x2000, $0x38;
	[tilespmem:$0x1F000] =	vst v63  }
0x4a: {  	_ =	swait.ge [sflag:s9], $0x2000  }
0x4b: {  	[sflag:s9] =	ssyncset.done $0x0  }
0x4c: {  	[sflag:s9] =	ssyncadd.s32 $0xFFFFE000  }
0x4d: {  	[spmem:s7] =	stream.linear.scatter [tilespmem:s8], [sflag:$0x2], $0x2000, $0x38;
	[tilespmem:$0x1F000] =	vst v63  }
0x4e: {  	_ =	swait.ge [sflag:s9], $0x2000  }
0x4f: {  	[sflag:s9] =	ssyncset.done $0x0  }
0x50: {  	[sflag:s9] =	ssyncadd.s32 $0xFFFFE000  }
0x51: {  	[bflag:$0x0] =	sbarrier.arrive $0xFFFF  }
0x52: {  	s19 =	rddreg [dreg:$0xf]  }
0x53: {  	[tilespmem:s2], [sflag:$0x2] =	stream.linear.gather [hbm4b:s19+s2], $0x2780, $0x38;
	[tilespmem:$0x1F000] =	vst v63  }
0x54: {  	_ =	swait.ge [sflag:s9], $0x2780  }
0x55: {  	[sflag:s9] =	ssyncset.done $0x0  }
0x56: {  	s18 =	simm.s32 $0x2800;
	s20 =	rddreg [dreg:$0x10];
	[sflag:s9] =	ssyncadd.s32 $0xFFFFD880  }
0x57: {  	[tilespmem:s18], [sflag:$0x2] =	stream.linear.gather [hbm4b:s20+s2], $0x2780, $0x38;
	[tilespmem:$0x1F000] =	vst v63  }
0x58: {  	_ =	swait.ge [sflag:s9], $0x2780  }
0x59: {  	[sflag:s9] =	ssyncset.done $0x0  }
0x5a: {  	s19 =	simm.s32 $0x0;
	[sflag:s9] =	ssyncadd.s32 $0xFFFFD880  }
0x5b: {  	[tilespmem:s13], [sflag:$0x1] =	stream.indirect.gather [hbm4b:s1+s10], $0x80, s19, s10, $0xb8;
	[tilespmem:$0x1F000] =	vst v63  }
0x5c: {  	_ =	swait.ge [sflag:s14], $0x4000  }
0x5d: {  	[sflag:s14] =	ssyncset.done $0x0  }
0x5e: {  	s20 =	simm.s32 $0x2800;
	[sflag:s14] =	ssyncadd.s32 $0xFFFFC000  }
0x5f: {  	[spmem:s12] =	stream.indirect.scatter.add.f32 [tilespmem:s13], [sflag:$0x2], $0x80, s20, s10, $0xb8;
	[tilespmem:$0x1F000] =	vst v63  }
0x60: {  	_ =	swait.ge [sflag:s9], $0x4000  }
0x61: {  	s17 =	simm.s32 $0x200;
	s18 =	simm.s32 $0x400;
	[sflag:s9] =	ssyncset.done $0x0  }
.LBB2_2:
0x62: {  	s19 =	sshra.s32 s17, $0x2  }
0x63: {  	[sflag:s9] =	ssyncadd.s32 $0xFFFFC000;
	s17 =	smov.u32 s18;
	s20 =	sadd.s32 $0x200, s18  }
0x64: {  	[tilespmem:s13], [sflag:$0x1] =	stream.indirect.gather [hbm4b:s1+s10], $0x80, s19, s10, $0xb8;
	[tilespmem:$0x1F000] =	vst v63  }
0x65: {  	p0 =	sne.s32 s18, $0x9C00;
	_ =	swait.ge [sflag:s14], $0x4000  }
.Ltmp0:
0x66: {  	[sflag:s14] =	ssyncset.done $0x0;
	(pc) =	sbr.rel @p0 .LBB2_2-.Ltmp0, $4  }
0x67: {  	s18 =	sadd.s32 $0x2800, s19;
	[sflag:s14] =	ssyncadd.s32 $0xFFFFC000  }
0x68: {  	[spmem:s12] =	stream.indirect.scatter.add.f32 [tilespmem:s13], [sflag:$0x2], $0x80, s18, s10, $0xb8;
	[tilespmem:$0x1F000] =	vst v63  }
0x69: {  	_ =	swait.ge [sflag:s9], $0x4000  }
0x6a: {  	s18 =	smov.u32 s20;
	[sflag:s9] =	ssyncset.done $0x0  }
0x6b: {  	s17 =	sshra.s32 s17, $0x2;
	[sflag:s9] =	ssyncadd.s32 $0xFFFFC000  }
0x6c: {  	[tilespmem:s13], [sflag:$0x1] =	stream.indirect.gather [hbm4b:s1+s10], $0x80, s17, s10, $0xb8;
	[tilespmem:$0x1F000] =	vst v63  }
0x6d: {  	_ =	swait.ge [sflag:s14], $0x4000  }
0x6e: {  	[sflag:s14] =	ssyncset.done $0x0  }
0x6f: {  	s17 =	sadd.s32 $0x2800, s17;
	[sflag:s14] =	ssyncadd.s32 $0xFFFFC000  }
0x70: {  	[spmem:s12] =	stream.indirect.scatter.add.f32 [tilespmem:s13], [sflag:$0x2], $0x80, s17, s10, $0xb8;
	[tilespmem:$0x1F000] =	vst v63  }
0x71: {  	_ =	swait.ge [sflag:s9], $0x4000  }
0x72: {  	[sflag:s9] =	ssyncset.done $0x0  }
0x73: {  	[sflag:s9] =	ssyncadd.s32 $0xFFFFC000  }
0x74: {  	[bflag:$0x0] =	sbarrier.arrive $0xFFFF  }
0x75: {  	[tilespmem:s13], [sflag:$0x2] =	stream.linear.gather [spmem:s16], $0x2000, $0x38;
	[tilespmem:$0x1F000] =	vst v63  }
0x76: {  	_ =	swait.ge [sflag:s9], $0x2000  }
0x77: {  	[sflag:s9] =	ssyncset.done $0x0  }
0x78: {  	s18 =	rddreg [dreg:$0x4];
	[sflag:s9] =	ssyncadd.s32 $0xFFFFE000  }
0x79: {  	[hbm4b:s18+s2] =	stream.linear.scatter [tilespmem:s13], [sflag:$0x2], $0x2000, $0x38;
	[tilespmem:$0x1F000] =	vst v63  }
0x7a: {  	_ =	swait.ge [sflag:s9], $0x2000  }
0x7b: {  	[sflag:s9] =	ssyncset.done $0x0  }
0x7c: {  	s19 =	rddreg [dreg:$0x12];
	[sflag:s9] =	ssyncadd.s32 $0xFFFFE000  }
0x7d: {  	[tilespmem:s13], [sflag:$0x2] =	stream.linear.gather [spmem:s19], $0x2000, $0x38;
	[tilespmem:$0x1F000] =	vst v63  }
0x7e: {  	_ =	swait.ge [sflag:s9], $0x2000  }
0x7f: {  	[sflag:s9] =	ssyncset.done $0x0  }
0x80: {  	s20 =	rddreg [dreg:$0x5];
	[sflag:s9] =	ssyncadd.s32 $0xFFFFE000  }
0x81: {  	[hbm4b:s20+s2] =	stream.linear.scatter [tilespmem:s13], [sflag:$0x2], $0x2000, $0x38;
	[tilespmem:$0x1F000] =	vst v63  }
0x82: {  	_ =	swait.ge [sflag:s9], $0x2000  }
0x83: {  	[sflag:s9] =	ssyncset.done $0x0  }
0x84: {  	[sflag:s9] =	ssyncadd.s32 $0xFFFFE000  }
0x85: {  	[tilespmem:s13], [sflag:$0x2] =	stream.linear.gather [spmem:s21], $0x2000, $0x38;
	[tilespmem:$0x1F000] =	vst v63  }
0x86: {  	_ =	swait.ge [sflag:s9], $0x2000  }
0x87: {  	[sflag:s9] =	ssyncset.done $0x0  }
0x88: {  	s18 =	rddreg [dreg:$0x6];
	[sflag:s9] =	ssyncadd.s32 $0xFFFFE000  }
0x89: {  	[hbm4b:s18+s2] =	stream.linear.scatter [tilespmem:s13], [sflag:$0x2], $0x2000, $0x38;
	[tilespmem:$0x1F000] =	vst v63  }
0x8a: {  	_ =	swait.ge [sflag:s9], $0x2000  }
0x8b: {  	[sflag:s9] =	ssyncset.done $0x0  }
0x8c: {  	[sflag:s9] =	ssyncadd.s32 $0xFFFFE000  }
0x8d: {  	[tilespmem:s13], [sflag:$0x2] =	stream.linear.gather [spmem:s22], $0x2000, $0x38;
	[tilespmem:$0x1F000] =	vst v63  }
0x8e: {  	_ =	swait.ge [sflag:s9], $0x2000  }
0x8f: {  	[sflag:s9] =	ssyncset.done $0x0  }
0x90: {  	s19 =	rddreg [dreg:$0x7];
	[sflag:s9] =	ssyncadd.s32 $0xFFFFE000  }
0x91: {  	[hbm4b:s19+s2] =	stream.linear.scatter [tilespmem:s13], [sflag:$0x2], $0x2000, $0x38;
	[tilespmem:$0x1F000] =	vst v63  }
0x92: {  	_ =	swait.ge [sflag:s9], $0x2000  }
0x93: {  	[sflag:s9] =	ssyncset.done $0x0  }
0x94: {  	[sflag:s9] =	ssyncadd.s32 $0xFFFFE000  }
0x95: {  	[tilespmem:s13], [sflag:$0x2] =	stream.linear.gather [spmem:s23], $0x2000, $0x38;
	[tilespmem:$0x1F000] =	vst v63  }
0x96: {  	_ =	swait.ge [sflag:s9], $0x2000  }
0x97: {  	[sflag:s9] =	ssyncset.done $0x0  }
0x98: {  	s20 =	rddreg [dreg:$0x8];
	[sflag:s9] =	ssyncadd.s32 $0xFFFFE000  }
0x99: {  	[hbm4b:s20+s2] =	stream.linear.scatter [tilespmem:s13], [sflag:$0x2], $0x2000, $0x38;
	[tilespmem:$0x1F000] =	vst v63  }
0x9a: {  	_ =	swait.ge [sflag:s9], $0x2000  }
0x9b: {  	[sflag:s9] =	ssyncset.done $0x0  }
0x9c: {  	[sflag:s9] =	ssyncadd.s32 $0xFFFFE000  }
0x9d: {  	[tilespmem:s13], [sflag:$0x2] =	stream.linear.gather [spmem:s24], $0x2000, $0x38;
	[tilespmem:$0x1F000] =	vst v63  }
0x9e: {  	_ =	swait.ge [sflag:s9], $0x2000  }
0x9f: {  	[sflag:s9] =	ssyncset.done $0x0  }
0xa0: {  	s18 =	rddreg [dreg:$0x9];
	[sflag:s9] =	ssyncadd.s32 $0xFFFFE000  }
0xa1: {  	[hbm4b:s18+s2] =	stream.linear.scatter [tilespmem:s13], [sflag:$0x2], $0x2000, $0x38;
	[tilespmem:$0x1F000] =	vst v63  }
0xa2: {  	_ =	swait.ge [sflag:s9], $0x2000  }
0xa3: {  	[sflag:s9] =	ssyncset.done $0x0  }
0xa4: {  	[sflag:s9] =	ssyncadd.s32 $0xFFFFE000  }
0xa5: {  	[tilespmem:s13], [sflag:$0x2] =	stream.linear.gather [spmem:s25], $0x2000, $0x38;
	[tilespmem:$0x1F000] =	vst v63  }
0xa6: {  	_ =	swait.ge [sflag:s9], $0x2000  }
0xa7: {  	[sflag:s9] =	ssyncset.done $0x0  }
0xa8: {  	s19 =	rddreg [dreg:$0xa];
	[sflag:s9] =	ssyncadd.s32 $0xFFFFE000  }
0xa9: {  	[hbm4b:s19+s2] =	stream.linear.scatter [tilespmem:s13], [sflag:$0x2], $0x2000, $0x38;
	[tilespmem:$0x1F000] =	vst v63  }
0xaa: {  	_ =	swait.ge [sflag:s9], $0x2000  }
0xab: {  	[sflag:s9] =	ssyncset.done $0x0  }
0xac: {  	[sflag:s9] =	ssyncadd.s32 $0xFFFFE000  }
0xad: {  	[tilespmem:s13], [sflag:$0x2] =	stream.linear.gather [spmem:s26], $0x2000, $0x38;
	[tilespmem:$0x1F000] =	vst v63  }
0xae: {  	_ =	swait.ge [sflag:s9], $0x2000  }
0xaf: {  	[sflag:s9] =	ssyncset.done $0x0  }
0xb0: {  	s20 =	rddreg [dreg:$0xb];
	[sflag:s9] =	ssyncadd.s32 $0xFFFFE000  }
0xb1: {  	[hbm4b:s20+s2] =	stream.linear.scatter [tilespmem:s13], [sflag:$0x2], $0x2000, $0x38;
	[tilespmem:$0x1F000] =	vst v63  }
0xb2: {  	_ =	swait.ge [sflag:s9], $0x2000  }
0xb3: {  	[sflag:s9] =	ssyncset.done $0x0  }
0xb4: {  	[sflag:s9] =	ssyncadd.s32 $0xFFFFE000  }
0xb5: {  	[tilespmem:s13], [sflag:$0x2] =	stream.linear.gather [spmem:s28], $0x2000, $0x38;
	[tilespmem:$0x1F000] =	vst v63  }
0xb6: {  	_ =	swait.ge [sflag:s9], $0x2000  }
0xb7: {  	[sflag:s9] =	ssyncset.done $0x0  }
0xb8: {  	s18 =	rddreg [dreg:$0xc];
	[sflag:s9] =	ssyncadd.s32 $0xFFFFE000  }
0xb9: {  	[hbm4b:s18+s2] =	stream.linear.scatter [tilespmem:s13], [sflag:$0x2], $0x2000, $0x38;
	[tilespmem:$0x1F000] =	vst v63  }
0xba: {  	_ =	swait.ge [sflag:s9], $0x2000  }
0xbb: {  	[sflag:s9] =	ssyncset.done $0x0  }
0xbc: {  	[sflag:s9] =	ssyncadd.s32 $0xFFFFE000  }
0xbd: {  	[tilespmem:s13], [sflag:$0x2] =	stream.linear.gather [spmem:s29], $0x2000, $0x38;
	[tilespmem:$0x1F000] =	vst v63  }
0xbe: {  	_ =	swait.ge [sflag:s9], $0x2000  }
0xbf: {  	[sflag:s9] =	ssyncset.done $0x0  }
0xc0: {  	s19 =	rddreg [dreg:$0xd];
	[sflag:s9] =	ssyncadd.s32 $0xFFFFE000  }
0xc1: {  	[hbm4b:s19+s2] =	stream.linear.scatter [tilespmem:s13], [sflag:$0x2], $0x2000, $0x38;
	[tilespmem:$0x1F000] =	vst v63  }
0xc2: {  	_ =	swait.ge [sflag:s9], $0x2000  }
0xc3: {  	s15 =	sadd.s32 $0x1, s15;
	s20 =	rddreg [dreg:$0x11]  }
0xc4: {  	p0 =	sne.s32 s15, s20  }
.Ltmp1:
0xc5: {  	_ = 	snop;
	(pc) =	sbr.rel @p0 .LBB2_1-.Ltmp1, $3  }
0xc6: {  	_ =	sdelay $0x1  }
0xc7: {  	[sflag:s9] =	ssyncset.done $0x0  }
0xc8: {  	[sflag:s9] =	ssyncadd.s32 $0xFFFFE000  }
0xc9: {  	_ =	sfence.sel $0x180000  }
0xca: {  	[bflag:$0x0] =	sbarrier.arrive $0xFFFF  }
0xcb: {  	_ =	strace $0x90000050  }
0xcc: {  	s0 =	stileid.u32;
	[bflag:$0x2] =	sbarrier.arrive $0xFFFF  }
0xcd: {  	p0 =	sne.s32 s0, $0x0;
	s0 =	rddreg [dreg:$0x3]  }
0xce: {  	s0 =	sadd.s32 @!p0 $0x100000, s0  }
0xcf: {  	[sflag:s0] =	ssyncadd.tile.s32 @!p0 $0x1;
	_ =	shalt  }
.Lfunc_end2:
_tile_overlayer_lowered:
.L_overlay_start_2:
0xd0: {  	(tag) =	ssettag $0x2  }
0xd1: {  	s0 =	rddreg [dreg:$0x0];
	s2 =	stileid.u32  }
0xd2: {  	s1 =	rddreg [dreg:$0x1];
	p0 =	sne.s32 s2, $0x0  }
0xd3: {  	s3 =	rddreg [dreg:$0x2];
	[bflag:$0x3] =	sbarrier.arrive $0xFFFF;
	s2 =	simm.s32 @!p0 $0x1C02  }
0xd4: {  	[timem:s3], [sflag:s2] =	dma.local @!p0 [hbm:s0], s1  }
0xd5: {  	s0 =	simm.s32 @!p0 $0x2  }
0xd6: {  	_ =	swait.ge @!p0 [sflag:s0], s1  }
0xd7: {  	s1 =	ssub.s32 @!p0 $0x0, s1;
	[sflag:s0] =	ssyncset.done @!p0 $0x0  }
0xd8: {  	[sflag:s0] =	ssyncadd.s32 @!p0 s1  }
0xd9: {  	[bflag:$0x3] =	sbarrier.arrive $0xFFFF  }
0xda: {  	_ =	shalt  }

</sc_bundles>
